<compile_context>
chip_gen: v7x
topology: tpu7x:2x2x1
jax: 0.10.2.dev20260603
libtpu: 0.0.44.dev20260713+nightly
codegen_flags: <defaults>
</compile_context>

<pallas_src>
import functools

import jax
import jax.numpy as jnp
from jax import lax
from jax.experimental import pallas as pl
from jax.experimental.pallas import tpu as pltpu, tpu_sc as plsc

_KI = 128


@functools.lru_cache(maxsize=None)
def _build_gather(N, V, D):
    info = plsc.get_sparse_core_info()
    NC, NS = info.num_cores, info.num_subcores
    NW = NC * NS
    n_per_w = N // NW
    C = 256
    NB = 4
    n_chunks = n_per_w // C
    assert n_per_w % C == 0 and N % NW == 0 and C % _KI == 0
    mesh = plsc.VectorSubcoreMesh(core_axis_name="c", subcore_axis_name="s")

    @functools.partial(
        pl.kernel,
        mesh=mesh,
        out_type=jax.ShapeDtypeStruct((N, 2 * D), jnp.float32),
        scratch_types=[
            pltpu.VMEM((n_per_w,), jnp.int32),
            [pltpu.VMEM((C, D), jnp.float32) for _ in range(NB)],
            [pltpu.SemaphoreType.DMA for _ in range(2 * NB)],
        ],
        compiler_params=pltpu.CompilerParams(use_tc_tiling_on_sc=False),
    )
    def gather_k(idx_hbm, emb_hbm, out_hbm, idx_all, bufs, sems):
        wid = lax.axis_index("s") * NC + lax.axis_index("c")
        base0 = wid * n_per_w
        pltpu.sync_copy(idx_hbm.at[pl.ds(base0, n_per_w)], idx_all)

        gsems, osems = sems[:NB], sems[NB:]
        pend_g = [None] * NB
        pend_o = [None] * NB
        for g in range(n_chunks + 2):
            b = g % NB
            if g < n_chunks:
                if pend_o[b] is not None:
                    pend_o[b].wait()
                    pend_o[b] = None
                pend_g[b] = [
                    pltpu.async_copy(
                        emb_hbm.at[idx_all.at[pl.ds(g * C + k * _KI, _KI)]],
                        bufs[b].at[pl.ds(k * _KI, _KI)],
                        gsems[b],
                    )
                    for k in range(C // _KI)
                ]
            if g >= 2:
                pg, pb = g - 2, (g - 2) % NB
                for cp in pend_g[pb]:
                    cp.wait()
                pend_o[pb] = pltpu.async_copy(
                    bufs[pb],
                    out_hbm.at[pl.ds(base0 + pg * C, C), pl.ds(0, D)],
                    osems[pb])
        for b in range(NB):
            if pend_o[b] is not None:
                pend_o[b].wait()

    return gather_k


def _transpose_to_physical(x3, B, H, D):
    BH, BL = B // 128, 128
    DH, DL = D // 8, 8

    def body(x_ref, y_ref):
        ident = jax.lax.broadcasted_iota(jnp.int32, (BL, BL), 0)
        ident = jnp.where(
            ident == jax.lax.broadcasted_iota(jnp.int32, (BL, BL), 1),
            jnp.float32(1), jnp.float32(0))
        for bh in range(BH):
            xb = x_ref[0, bh * BL:(bh + 1) * BL, :D]
            t = jax.lax.dot_general(
                xb, ident, (((0,), (0,)), ((), ())),
                preferred_element_type=jnp.float32)
            y_ref[0, :, bh, :, :] = t.reshape(DH, DL, BL)

    y5 = pl.pallas_call(
        body,
        grid=(H,),
        in_specs=[pl.BlockSpec((1, B, 2 * D), lambda h: (h, 0, 0))],
        out_specs=pl.BlockSpec((1, DH, BH, DL, BL), lambda h: (h, 0, 0, 0, 0)),
        out_shape=jax.ShapeDtypeStruct((H, DH, BH, DL, BL), jnp.float32),
    )(x3)
    return y5


def kernel(obs, action, emb):
    B, H = obs.shape
    V, D = emb.shape
    N = B * H
    idx = obs.T.reshape(N).astype(jnp.int32)
    x3 = _build_gather(N, V, D)(idx, emb).reshape(H, B, 2 * D)
    y5 = _transpose_to_physical(x3, B, H, D)
    return y5.transpose(2, 4, 0, 1, 3).reshape(B, H, D)

# --- scband reference (transcript-rebuilt; emitter-appended) ---
"""Pipeline reference for scband-discrete-encoder-24996709663338 (READ-ONLY COPY).

The authoritative reference and input builder live on the scoring server;
editing this copy changes nothing except your own understanding.
"""

import jax, jax.numpy as jnp
import numpy as np

VOCAB = 100000
EMBED_DIM = 64
BATCH = 4096
HIST = 50

def setup_inputs(seed: int = 0) -> dict:
    key = jax.random.key(seed)
    k_obs, k_act, k_emb = jax.random.split(key, 3)
    obs = jax.random.randint(k_obs, (BATCH, HIST), 0, VOCAB, dtype=jnp.int64 if jax.config.jax_enable_x64 else jnp.int32)
    action = jax.random.randint(k_act, (BATCH,), 0, 18, dtype=jnp.int64 if jax.config.jax_enable_x64 else jnp.int32)
    emb = jax.random.normal(k_emb, (VOCAB, EMBED_DIM), dtype=jnp.float32)
    return {"obs": obs, "action": action, "emb": emb}

def reference(obs, action, emb):
    # DiscreteEncoder.forward: return self.emb(obs); action is unused
    return jnp.take(emb, obs, axis=0)

if __name__ == "__main__":
    import jax
    _d = setup_inputs()
    print(jax.jit(kernel)(*tuple(_d.values())))

</pallas_src>

<mosaic_0001>
#map = affine_map<(d0, d1) -> (0)>
#map1 = affine_map<(d0, d1) -> (0, 0)>
module attributes {stable_mosaic.version = 14 : i64} {
  func.func @gather_k(%arg0: i32, %arg1: i32, %arg2: memref<204800xi32, #tpu.memory_space<hbm>>, %arg3: memref<100000x64xf32, #tpu.memory_space<hbm>>, %arg4: memref<204800x128xf32, #tpu.memory_space<hbm>>, %arg5: memref<6400xi32, #tpu.memory_space<vmem>>, %arg6: memref<256x64xf32, #tpu.memory_space<vmem>>, %arg7: memref<256x64xf32, #tpu.memory_space<vmem>>, %arg8: memref<256x64xf32, #tpu.memory_space<vmem>>, %arg9: memref<256x64xf32, #tpu.memory_space<vmem>>, %arg10: memref<!tpu.dma_semaphore, #tpu.memory_space<semaphore_mem>>, %arg11: memref<!tpu.dma_semaphore, #tpu.memory_space<semaphore_mem>>, %arg12: memref<!tpu.dma_semaphore, #tpu.memory_space<semaphore_mem>>, %arg13: memref<!tpu.dma_semaphore, #tpu.memory_space<semaphore_mem>>, %arg14: memref<!tpu.dma_semaphore, #tpu.memory_space<semaphore_mem>>, %arg15: memref<!tpu.dma_semaphore, #tpu.memory_space<semaphore_mem>>, %arg16: memref<!tpu.dma_semaphore, #tpu.memory_space<semaphore_mem>>, %arg17: memref<!tpu.dma_semaphore, #tpu.memory_space<semaphore_mem>>) attributes {dimension_semantics = [#tpu.dimension_semantics<core_parallel>, #tpu.dimension_semantics<subcore_parallel>], iteration_bounds = array<i64: 2, 16>, scalar_prefetch = 0 : i64, scratch_operands = 13 : i64, tpu.core_type = #tpu.core_type<sc_vector_subcore>, window_params = [{transform_indices = #map}, {transform_indices = #map1}, {transform_indices = #map1}]} {
    %mul3A = arith.constant 2 : i32
    %mul3A_0 = arith.muli %arg1, %mul3A : i32
    %add3A = arith.addi %mul3A_0, %arg0 : i32
    %mul3A_1 = arith.constant 6400 : i32
    %mul3A_2 = arith.muli %add3A, %mul3A_1 : i32
    "tpu.region"() ({
      %run_scoped3A = tpu.sem_alloc : memref<!tpu.dma_semaphore, #tpu.memory_space<semaphore_mem>>
      %dma_start3A_1051 = tpu.memref_slice %arg2[%mul3A_2] : memref<204800xi32, #tpu.memory_space<hbm>> -> memref<6400xi32, #tpu.memory_space<hbm>>
      %dma_start3A_1052 = tpu.memref_slice %arg2[%mul3A_2] : memref<204800xi32, #tpu.memory_space<hbm>> -> memref<6400xi32, #tpu.memory_space<hbm>>
      tpu.enqueue_dma source(%dma_start3A_1052 : memref<6400xi32, #tpu.memory_space<hbm>>) target(%arg5 : memref<6400xi32, #tpu.memory_space<vmem>>) target_semaphore(%run_scoped3A : memref<!tpu.dma_semaphore, #tpu.memory_space<semaphore_mem>>)
      %dma_wait3A_1053 = tpu.memref_slice %arg2[%mul3A_2] : memref<204800xi32, #tpu.memory_space<hbm>> -> memref<6400xi32, #tpu.memory_space<hbm>>
      %dma_wait3A_1054 = tpu.memref_slice %arg2[%mul3A_2] : memref<204800xi32, #tpu.memory_space<hbm>> -> memref<6400xi32, #tpu.memory_space<hbm>>
      tpu.wait_dma2 semaphore(%run_scoped3A : memref<!tpu.dma_semaphore, #tpu.memory_space<semaphore_mem>>) src(%dma_wait3A_1054 : memref<6400xi32, #tpu.memory_space<hbm>>) dst(%arg5 : memref<6400xi32, #tpu.memory_space<vmem>>)
      tpu.yield
    }) : () -> ()
    %dma_start3A = arith.constant 0 : i32
    %dma_start3A_3 = arith.constant 0 : i32
    %dma_start3A_4 = tpu.memref_slice %arg6[%dma_start3A, %dma_start3A_3] : memref<256x64xf32, #tpu.memory_space<vmem>> -> memref<128x64xf32, #tpu.memory_space<vmem>>
    %dma_start3A_5 = arith.constant 0 : i32
    %dma_start3A_6 = tpu.memref_slice %arg5[%dma_start3A_5] : memref<6400xi32, #tpu.memory_space<vmem>> -> memref<128xi32, #tpu.memory_space<vmem>>
    %dma_start3A_7 = arith.constant 0 : i32
    %dma_start3A_8 = arith.constant 0 : i32
    %dma_start3A_9 = tpu.memref_slice %arg3[%dma_start3A_7, %dma_start3A_8] : memref<100000x64xf32, #tpu.memory_space<hbm>> -> memref<100000x64xf32, #tpu.memory_space<hbm>>
    tpu.enqueue_indirect_dma source(%dma_start3A_9 : memref<100000x64xf32, #tpu.memory_space<hbm>>) target(%dma_start3A_4 : memref<128x64xf32, #tpu.memory_space<vmem>>) offsets(%dma_start3A_6 : memref<128xi32, #tpu.memory_space<vmem>>) semaphore(%arg10 : memref<!tpu.dma_semaphore, #tpu.memory_space<semaphore_mem>>)
    %dma_start3A_10 = arith.constant 128 : i32
    %dma_start3A_11 = arith.constant 0 : i32
    %dma_start3A_12 = tpu.memref_slice %arg6[%dma_start3A_10, %dma_start3A_11] : memref<256x64xf32, #tpu.memory_space<vmem>> -> memref<128x64xf32, #tpu.memory_space<vmem>>
    %dma_start3A_13 = arith.constant 128 : i32
    %dma_start3A_14 = tpu.memref_slice %arg5[%dma_start3A_13] : memref<6400xi32, #tpu.memory_space<vmem>> -> memref<128xi32, #tpu.memory_space<vmem>>
    %dma_start3A_15 = arith.constant 0 : i32
    %dma_start3A_16 = arith.constant 0 : i32
    %dma_start3A_17 = tpu.memref_slice %arg3[%dma_start3A_15, %dma_start3A_16] : memref<100000x64xf32, #tpu.memory_space<hbm>> -> memref<100000x64xf32, #tpu.memory_space<hbm>>
    tpu.enqueue_indirect_dma source(%dma_start3A_17 : memref<100000x64xf32, #tpu.memory_space<hbm>>) target(%dma_start3A_12 : memref<128x64xf32, #tpu.memory_space<vmem>>) offsets(%dma_start3A_14 : memref<128xi32, #tpu.memory_space<vmem>>) semaphore(%arg10 : memref<!tpu.dma_semaphore, #tpu.memory_space<semaphore_mem>>)
    %dma_start3A_18 = arith.constant 0 : i32
    %dma_start3A_19 = arith.constant 0 : i32
    %dma_start3A_20 = tpu.memref_slice %arg7[%dma_start3A_18, %dma_start3A_19] : memref<256x64xf32, #tpu.memory_space<vmem>> -> memref<128x64xf32, #tpu.memory_space<vmem>>
    %dma_start3A_21 = arith.constant 256 : i32
    %dma_start3A_22 = tpu.memref_slice %arg5[%dma_start3A_21] : memref<6400xi32, #tpu.memory_space<vmem>> -> memref<128xi32, #tpu.memory_space<vmem>>
    %dma_start3A_23 = arith.constant 0 : i32
    %dma_start3A_24 = arith.constant 0 : i32
    %dma_start3A_25 = tpu.memref_slice %arg3[%dma_start3A_23, %dma_start3A_24] : memref<100000x64xf32, #tpu.memory_space<hbm>> -> memref<100000x64xf32, #tpu.memory_space<hbm>>
    tpu.enqueue_indirect_dma source(%dma_start3A_25 : memref<100000x64xf32, #tpu.memory_space<hbm>>) target(%dma_start3A_20 : memref<128x64xf32, #tpu.memory_space<vmem>>) offsets(%dma_start3A_22 : memref<128xi32, #tpu.memory_space<vmem>>) semaphore(%arg11 : memref<!tpu.dma_semaphore, #tpu.memory_space<semaphore_mem>>)
    %dma_start3A_26 = arith.constant 128 : i32
    %dma_start3A_27 = arith.constant 0 : i32
    %dma_start3A_28 = tpu.memref_slice %arg7[%dma_start3A_26, %dma_start3A_27] : memref<256x64xf32, #tpu.memory_space<vmem>> -> memref<128x64xf32, #tpu.memory_space<vmem>>
    %dma_start3A_29 = arith.constant 384 : i32
    %dma_start3A_30 = tpu.memref_slice %arg5[%dma_start3A_29] : memref<6400xi32, #tpu.memory_space<vmem>> -> memref<128xi32, #tpu.memory_space<vmem>>
    %dma_start3A_31 = arith.constant 0 : i32
    %dma_start3A_32 = arith.constant 0 : i32
    %dma_start3A_33 = tpu.memref_slice %arg3[%dma_start3A_31, %dma_start3A_32] : memref<100000x64xf32, #tpu.memory_space<hbm>> -> memref<100000x64xf32, #tpu.memory_space<hbm>>
    tpu.enqueue_indirect_dma source(%dma_start3A_33 : memref<100000x64xf32, #tpu.memory_space<hbm>>) target(%dma_start3A_28 : memref<128x64xf32, #tpu.memory_space<vmem>>) offsets(%dma_start3A_30 : memref<128xi32, #tpu.memory_space<vmem>>) semaphore(%arg11 : memref<!tpu.dma_semaphore, #tpu.memory_space<semaphore_mem>>)
    %dma_start3A_34 = arith.constant 0 : i32
    %dma_start3A_35 = arith.constant 0 : i32
    %dma_start3A_36 = tpu.memref_slice %arg8[%dma_start3A_34, %dma_start3A_35] : memref<256x64xf32, #tpu.memory_space<vmem>> -> memref<128x64xf32, #tpu.memory_space<vmem>>
    %dma_start3A_37 = arith.constant 512 : i32
    %dma_start3A_38 = tpu.memref_slice %arg5[%dma_start3A_37] : memref<6400xi32, #tpu.memory_space<vmem>> -> memref<128xi32, #tpu.memory_space<vmem>>
    %dma_start3A_39 = arith.constant 0 : i32
    %dma_start3A_40 = arith.constant 0 : i32
    %dma_start3A_41 = tpu.memref_slice %arg3[%dma_start3A_39, %dma_start3A_40] : memref<100000x64xf32, #tpu.memory_space<hbm>> -> memref<100000x64xf32, #tpu.memory_space<hbm>>
    tpu.enqueue_indirect_dma source(%dma_start3A_41 : memref<100000x64xf32, #tpu.memory_space<hbm>>) target(%dma_start3A_36 : memref<128x64xf32, #tpu.memory_space<vmem>>) offsets(%dma_start3A_38 : memref<128xi32, #tpu.memory_space<vmem>>) semaphore(%arg12 : memref<!tpu.dma_semaphore, #tpu.memory_space<semaphore_mem>>)
    %dma_start3A_42 = arith.constant 128 : i32
    %dma_start3A_43 = arith.constant 0 : i32
    %dma_start3A_44 = tpu.memref_slice %arg8[%dma_start3A_42, %dma_start3A_43] : memref<256x64xf32, #tpu.memory_space<vmem>> -> memref<128x64xf32, #tpu.memory_space<vmem>>
    %dma_start3A_45 = arith.constant 640 : i32
    %dma_start3A_46 = tpu.memref_slice %arg5[%dma_start3A_45] : memref<6400xi32, #tpu.memory_space<vmem>> -> memref<128xi32, #tpu.memory_space<vmem>>
    %dma_start3A_47 = arith.constant 0 : i32
    %dma_start3A_48 = arith.constant 0 : i32
    %dma_start3A_49 = tpu.memref_slice %arg3[%dma_start3A_47, %dma_start3A_48] : memref<100000x64xf32, #tpu.memory_space<hbm>> -> memref<100000x64xf32, #tpu.memory_space<hbm>>
    tpu.enqueue_indirect_dma source(%dma_start3A_49 : memref<100000x64xf32, #tpu.memory_space<hbm>>) target(%dma_start3A_44 : memref<128x64xf32, #tpu.memory_space<vmem>>) offsets(%dma_start3A_46 : memref<128xi32, #tpu.memory_space<vmem>>) semaphore(%arg12 : memref<!tpu.dma_semaphore, #tpu.memory_space<semaphore_mem>>)
    %dma_wait3A = arith.constant 0 : i32
    %dma_wait3A_50 = arith.constant 0 : i32
    %dma_wait3A_51 = tpu.memref_slice %arg6[%dma_wait3A, %dma_wait3A_50] : memref<256x64xf32, #tpu.memory_space<vmem>> -> memref<128x64xf32, #tpu.memory_space<vmem>>
    %dma_wait3A_52 = arith.constant 0 : i32
    %dma_wait3A_53 = tpu.memref_slice %arg5[%dma_wait3A_52] : memref<6400xi32, #tpu.memory_space<vmem>> -> memref<128xi32, #tpu.memory_space<vmem>>
    %dma_wait3A_54 = arith.constant 0 : i32
    %dma_wait3A_55 = arith.constant 0 : i32
    %dma_wait3A_56 = tpu.memref_slice %arg3[%dma_wait3A_54, %dma_wait3A_55] : memref<100000x64xf32, #tpu.memory_space<hbm>> -> memref<100000x64xf32, #tpu.memory_space<hbm>>
    tpu.wait_indirect_dma semaphore(%arg10 : memref<!tpu.dma_semaphore, #tpu.memory_space<semaphore_mem>>) src(%dma_wait3A_56 : memref<100000x64xf32, #tpu.memory_space<hbm>>) dst(%dma_wait3A_51 : memref<128x64xf32, #tpu.memory_space<vmem>>)
    %dma_wait3A_57 = arith.constant 128 : i32
    %dma_wait3A_58 = arith.constant 0 : i32
    %dma_wait3A_59 = tpu.memref_slice %arg6[%dma_wait3A_57, %dma_wait3A_58] : memref<256x64xf32, #tpu.memory_space<vmem>> -> memref<128x64xf32, #tpu.memory_space<vmem>>
    %dma_wait3A_60 = arith.constant 128 : i32
    %dma_wait3A_61 = tpu.memref_slice %arg5[%dma_wait3A_60] : memref<6400xi32, #tpu.memory_space<vmem>> -> memref<128xi32, #tpu.memory_space<vmem>>
    %dma_wait3A_62 = arith.constant 0 : i32
    %dma_wait3A_63 = arith.constant 0 : i32
    %dma_wait3A_64 = tpu.memref_slice %arg3[%dma_wait3A_62, %dma_wait3A_63] : memref<100000x64xf32, #tpu.memory_space<hbm>> -> memref<100000x64xf32, #tpu.memory_space<hbm>>
    tpu.wait_indirect_dma semaphore(%arg10 : memref<!tpu.dma_semaphore, #tpu.memory_space<semaphore_mem>>) src(%dma_wait3A_64 : memref<100000x64xf32, #tpu.memory_space<hbm>>) dst(%dma_wait3A_59 : memref<128x64xf32, #tpu.memory_space<vmem>>)
    %add3A_65 = arith.constant 0 : i32
    %add3A_66 = arith.addi %mul3A_2, %add3A_65 : i32
    %dma_start3A_67 = arith.constant 0 : i32
    %dma_start3A_68 = tpu.memref_slice %arg4[%add3A_66, %dma_start3A_67] : memref<204800x128xf32, #tpu.memory_space<hbm>> -> memref<256x64xf32, #tpu.memory_space<hbm>>
    %dma_start3A_69 = arith.constant 0 : i32
    %dma_start3A_70 = tpu.memref_slice %arg4[%add3A_66, %dma_start3A_69] : memref<204800x128xf32, #tpu.memory_space<hbm>> -> memref<256x64xf32, #tpu.memory_space<hbm>>
    tpu.enqueue_dma source(%arg6 : memref<256x64xf32, #tpu.memory_space<vmem>>) target(%dma_start3A_70 : memref<256x64xf32, #tpu.memory_space<hbm>>) target_semaphore(%arg14 : memref<!tpu.dma_semaphore, #tpu.memory_space<semaphore_mem>>)
    %dma_start3A_71 = arith.constant 0 : i32
    %dma_start3A_72 = arith.constant 0 : i32
    %dma_start3A_73 = tpu.memref_slice %arg9[%dma_start3A_71, %dma_start3A_72] : memref<256x64xf32, #tpu.memory_space<vmem>> -> memref<128x64xf32, #tpu.memory_space<vmem>>
    %dma_start3A_74 = arith.constant 768 : i32
    %dma_start3A_75 = tpu.memref_slice %arg5[%dma_start3A_74] : memref<6400xi32, #tpu.memory_space<vmem>> -> memref<128xi32, #tpu.memory_space<vmem>>
    %dma_start3A_76 = arith.constant 0 : i32
    %dma_start3A_77 = arith.constant 0 : i32
    %dma_start3A_78 = tpu.memref_slice %arg3[%dma_start3A_76, %dma_start3A_77] : memref<100000x64xf32, #tpu.memory_space<hbm>> -> memref<100000x64xf32, #tpu.memory_space<hbm>>
    tpu.enqueue_indirect_dma source(%dma_start3A_78 : memref<100000x64xf32, #tpu.memory_space<hbm>>) target(%dma_start3A_73 : memref<128x64xf32, #tpu.memory_space<vmem>>) offsets(%dma_start3A_75 : memref<128xi32, #tpu.memory_space<vmem>>) semaphore(%arg13 : memref<!tpu.dma_semaphore, #tpu.memory_space<semaphore_mem>>)
    %dma_start3A_79 = arith.constant 128 : i32
    %dma_start3A_80 = arith.constant 0 : i32
    %dma_start3A_81 = tpu.memref_slice %arg9[%dma_start3A_79, %dma_start3A_80] : memref<256x64xf32, #tpu.memory_space<vmem>> -> memref<128x64xf32, #tpu.memory_space<vmem>>
    %dma_start3A_82 = arith.constant 896 : i32
    %dma_start3A_83 = tpu.memref_slice %arg5[%dma_start3A_82] : memref<6400xi32, #tpu.memory_space<vmem>> -> memref<128xi32, #tpu.memory_space<vmem>>
    %dma_start3A_84 = arith.constant 0 : i32
    %dma_start3A_85 = arith.constant 0 : i32
    %dma_start3A_86 = tpu.memref_slice %arg3[%dma_start3A_84, %dma_start3A_85] : memref<100000x64xf32, #tpu.memory_space<hbm>> -> memref<100000x64xf32, #tpu.memory_space<hbm>>
    tpu.enqueue_indirect_dma source(%dma_start3A_86 : memref<100000x64xf32, #tpu.memory_space<hbm>>) target(%dma_start3A_81 : memref<128x64xf32, #tpu.memory_space<vmem>>) offsets(%dma_start3A_83 : memref<128xi32, #tpu.memory_space<vmem>>) semaphore(%arg13 : memref<!tpu.dma_semaphore, #tpu.memory_space<semaphore_mem>>)
    %dma_wait3A_87 = arith.constant 0 : i32
    %dma_wait3A_88 = arith.constant 0 : i32
    %dma_wait3A_89 = tpu.memref_slice %arg7[%dma_wait3A_87, %dma_wait3A_88] : memref<256x64xf32, #tpu.memory_space<vmem>> -> memref<128x64xf32, #tpu.memory_space<vmem>>
    %dma_wait3A_90 = arith.constant 256 : i32
    %dma_wait3A_91 = tpu.memref_slice %arg5[%dma_wait3A_90] : memref<6400xi32, #tpu.memory_space<vmem>> -> memref<128xi32, #tpu.memory_space<vmem>>
    %dma_wait3A_92 = arith.constant 0 : i32
    %dma_wait3A_93 = arith.constant 0 : i32
    %dma_wait3A_94 = tpu.memref_slice %arg3[%dma_wait3A_92, %dma_wait3A_93] : memref<100000x64xf32, #tpu.memory_space<hbm>> -> memref<100000x64xf32, #tpu.memory_space<hbm>>
    tpu.wait_indirect_dma semaphore(%arg11 : memref<!tpu.dma_semaphore, #tpu.memory_space<semaphore_mem>>) src(%dma_wait3A_94 : memref<100000x64xf32, #tpu.memory_space<hbm>>) dst(%dma_wait3A_89 : memref<128x64xf32, #tpu.memory_space<vmem>>)
    %dma_wait3A_95 = arith.constant 128 : i32
    %dma_wait3A_96 = arith.constant 0 : i32
    %dma_wait3A_97 = tpu.memref_slice %arg7[%dma_wait3A_95, %dma_wait3A_96] : memref<256x64xf32, #tpu.memory_space<vmem>> -> memref<128x64xf32, #tpu.memory_space<vmem>>
    %dma_wait3A_98 = arith.constant 384 : i32
    %dma_wait3A_99 = tpu.memref_slice %arg5[%dma_wait3A_98] : memref<6400xi32, #tpu.memory_space<vmem>> -> memref<128xi32, #tpu.memory_space<vmem>>
    %dma_wait3A_100 = arith.constant 0 : i32
    %dma_wait3A_101 = arith.constant 0 : i32
    %dma_wait3A_102 = tpu.memref_slice %arg3[%dma_wait3A_100, %dma_wait3A_101] : memref<100000x64xf32, #tpu.memory_space<hbm>> -> memref<100000x64xf32, #tpu.memory_space<hbm>>
    tpu.wait_indirect_dma semaphore(%arg11 : memref<!tpu.dma_semaphore, #tpu.memory_space<semaphore_mem>>) src(%dma_wait3A_102 : memref<100000x64xf32, #tpu.memory_space<hbm>>) dst(%dma_wait3A_97 : memref<128x64xf32, #tpu.memory_space<vmem>>)
    %add3A_103 = arith.constant 256 : i32
    %add3A_104 = arith.addi %mul3A_2, %add3A_103 : i32
    %dma_start3A_105 = arith.constant 0 : i32
    %dma_start3A_106 = tpu.memref_slice %arg4[%add3A_104, %dma_start3A_105] : memref<204800x128xf32, #tpu.memory_space<hbm>> -> memref<256x64xf32, #tpu.memory_space<hbm>>
    %dma_start3A_107 = arith.constant 0 : i32
    %dma_start3A_108 = tpu.memref_slice %arg4[%add3A_104, %dma_start3A_107] : memref<204800x128xf32, #tpu.memory_space<hbm>> -> memref<256x64xf32, #tpu.memory_space<hbm>>
    tpu.enqueue_dma source(%arg7 : memref<256x64xf32, #tpu.memory_space<vmem>>) target(%dma_start3A_108 : memref<256x64xf32, #tpu.memory_space<hbm>>) target_semaphore(%arg15 : memref<!tpu.dma_semaphore, #tpu.memory_space<semaphore_mem>>)
    %dma_wait3A_109 = arith.constant 0 : i32
    %dma_wait3A_110 = tpu.memref_slice %arg4[%add3A_66, %dma_wait3A_109] : memref<204800x128xf32, #tpu.memory_space<hbm>> -> memref<256x64xf32, #tpu.memory_space<hbm>>
    %dma_wait3A_111 = arith.constant 0 : i32
    %dma_wait3A_112 = tpu.memref_slice %arg4[%add3A_66, %dma_wait3A_111] : memref<204800x128xf32, #tpu.memory_space<hbm>> -> memref<256x64xf32, #tpu.memory_space<hbm>>
    tpu.wait_dma2 semaphore(%arg14 : memref<!tpu.dma_semaphore, #tpu.memory_space<semaphore_mem>>) src(%arg6 : memref<256x64xf32, #tpu.memory_space<vmem>>) dst(%dma_wait3A_112 : memref<256x64xf32, #tpu.memory_space<hbm>>)
    %dma_start3A_113 = arith.constant 0 : i32
    %dma_start3A_114 = arith.constant 0 : i32
    %dma_start3A_115 = tpu.memref_slice %arg6[%dma_start3A_113, %dma_start3A_114] : memref<256x64xf32, #tpu.memory_space<vmem>> -> memref<128x64xf32, #tpu.memory_space<vmem>>
    %dma_start3A_116 = arith.constant 1024 : i32
    %dma_start3A_117 = tpu.memref_slice %arg5[%dma_start3A_116] : memref<6400xi32, #tpu.memory_space<vmem>> -> memref<128xi32, #tpu.memory_space<vmem>>
    %dma_start3A_118 = arith.constant 0 : i32
    %dma_start3A_119 = arith.constant 0 : i32
    %dma_start3A_120 = tpu.memref_slice %arg3[%dma_start3A_118, %dma_start3A_119] : memref<100000x64xf32, #tpu.memory_space<hbm>> -> memref<100000x64xf32, #tpu.memory_space<hbm>>
    tpu.enqueue_indirect_dma source(%dma_start3A_120 : memref<100000x64xf32, #tpu.memory_space<hbm>>) target(%dma_start3A_115 : memref<128x64xf32, #tpu.memory_space<vmem>>) offsets(%dma_start3A_117 : memref<128xi32, #tpu.memory_space<vmem>>) semaphore(%arg10 : memref<!tpu.dma_semaphore, #tpu.memory_space<semaphore_mem>>)
    %dma_start3A_121 = arith.constant 128 : i32
    %dma_start3A_122 = arith.constant 0 : i32
    %dma_start3A_123 = tpu.memref_slice %arg6[%dma_start3A_121, %dma_start3A_122] : memref<256x64xf32, #tpu.memory_space<vmem>> -> memref<128x64xf32, #tpu.memory_space<vmem>>
    %dma_start3A_124 = arith.constant 1152 : i32
    %dma_start3A_125 = tpu.memref_slice %arg5[%dma_start3A_124] : memref<6400xi32, #tpu.memory_space<vmem>> -> memref<128xi32, #tpu.memory_space<vmem>>
    %dma_start3A_126 = arith.constant 0 : i32
    %dma_start3A_127 = arith.constant 0 : i32
    %dma_start3A_128 = tpu.memref_slice %arg3[%dma_start3A_126, %dma_start3A_127] : memref<100000x64xf32, #tpu.memory_space<hbm>> -> memref<100000x64xf32, #tpu.memory_space<hbm>>
    tpu.enqueue_indirect_dma source(%dma_start3A_128 : memref<100000x64xf32, #tpu.memory_space<hbm>>) target(%dma_start3A_123 : memref<128x64xf32, #tpu.memory_space<vmem>>) offsets(%dma_start3A_125 : memref<128xi32, #tpu.memory_space<vmem>>) semaphore(%arg10 : memref<!tpu.dma_semaphore, #tpu.memory_space<semaphore_mem>>)
    %dma_wait3A_129 = arith.constant 0 : i32
    %dma_wait3A_130 = arith.constant 0 : i32
    %dma_wait3A_131 = tpu.memref_slice %arg8[%dma_wait3A_129, %dma_wait3A_130] : memref<256x64xf32, #tpu.memory_space<vmem>> -> memref<128x64xf32, #tpu.memory_space<vmem>>
    %dma_wait3A_132 = arith.constant 512 : i32
    %dma_wait3A_133 = tpu.memref_slice %arg5[%dma_wait3A_132] : memref<6400xi32, #tpu.memory_space<vmem>> -> memref<128xi32, #tpu.memory_space<vmem>>
    %dma_wait3A_134 = arith.constant 0 : i32
    %dma_wait3A_135 = arith.constant 0 : i32
    %dma_wait3A_136 = tpu.memref_slice %arg3[%dma_wait3A_134, %dma_wait3A_135] : memref<100000x64xf32, #tpu.memory_space<hbm>> -> memref<100000x64xf32, #tpu.memory_space<hbm>>
    tpu.wait_indirect_dma semaphore(%arg12 : memref<!tpu.dma_semaphore, #tpu.memory_space<semaphore_mem>>) src(%dma_wait3A_136 : memref<100000x64xf32, #tpu.memory_space<hbm>>) dst(%dma_wait3A_131 : memref<128x64xf32, #tpu.memory_space<vmem>>)
    %dma_wait3A_137 = arith.constant 128 : i32
    %dma_wait3A_138 = arith.constant 0 : i32
    %dma_wait3A_139 = tpu.memref_slice %arg8[%dma_wait3A_137, %dma_wait3A_138] : memref<256x64xf32, #tpu.memory_space<vmem>> -> memref<128x64xf32, #tpu.memory_space<vmem>>
    %dma_wait3A_140 = arith.constant 640 : i32
    %dma_wait3A_141 = tpu.memref_slice %arg5[%dma_wait3A_140] : memref<6400xi32, #tpu.memory_space<vmem>> -> memref<128xi32, #tpu.memory_space<vmem>>
    %dma_wait3A_142 = arith.constant 0 : i32
    %dma_wait3A_143 = arith.constant 0 : i32
    %dma_wait3A_144 = tpu.memref_slice %arg3[%dma_wait3A_142, %dma_wait3A_143] : memref<100000x64xf32, #tpu.memory_space<hbm>> -> memref<100000x64xf32, #tpu.memory_space<hbm>>
    tpu.wait_indirect_dma semaphore(%arg12 : memref<!tpu.dma_semaphore, #tpu.memory_space<semaphore_mem>>) src(%dma_wait3A_144 : memref<100000x64xf32, #tpu.memory_space<hbm>>) dst(%dma_wait3A_139 : memref<128x64xf32, #tpu.memory_space<vmem>>)
    %add3A_145 = arith.constant 512 : i32
    %add3A_146 = arith.addi %mul3A_2, %add3A_145 : i32
    %dma_start3A_147 = arith.constant 0 : i32
    %dma_start3A_148 = tpu.memref_slice %arg4[%add3A_146, %dma_start3A_147] : memref<204800x128xf32, #tpu.memory_space<hbm>> -> memref<256x64xf32, #tpu.memory_space<hbm>>
    %dma_start3A_149 = arith.constant 0 : i32
    %dma_start3A_150 = tpu.memref_slice %arg4[%add3A_146, %dma_start3A_149] : memref<204800x128xf32, #tpu.memory_space<hbm>> -> memref<256x64xf32, #tpu.memory_space<hbm>>
    tpu.enqueue_dma source(%arg8 : memref<256x64xf32, #tpu.memory_space<vmem>>) target(%dma_start3A_150 : memref<256x64xf32, #tpu.memory_space<hbm>>) target_semaphore(%arg16 : memref<!tpu.dma_semaphore, #tpu.memory_space<semaphore_mem>>)
    %dma_wait3A_151 = arith.constant 0 : i32
    %dma_wait3A_152 = tpu.memref_slice %arg4[%add3A_104, %dma_wait3A_151] : memref<204800x128xf32, #tpu.memory_space<hbm>> -> memref<256x64xf32, #tpu.memory_space<hbm>>
    %dma_wait3A_153 = arith.constant 0 : i32
    %dma_wait3A_154 = tpu.memref_slice %arg4[%add3A_104, %dma_wait3A_153] : memref<204800x128xf32, #tpu.memory_space<hbm>> -> memref<256x64xf32, #tpu.memory_space<hbm>>
    tpu.wait_dma2 semaphore(%arg15 : memref<!tpu.dma_semaphore, #tpu.memory_space<semaphore_mem>>) src(%arg7 : memref<256x64xf32, #tpu.memory_space<vmem>>) dst(%dma_wait3A_154 : memref<256x64xf32, #tpu.memory_space<hbm>>)
    %dma_start3A_155 = arith.constant 0 : i32
    %dma_start3A_156 = arith.constant 0 : i32
    %dma_start3A_157 = tpu.memref_slice %arg7[%dma_start3A_155, %dma_start3A_156] : memref<256x64xf32, #tpu.memory_space<vmem>> -> memref<128x64xf32, #tpu.memory_space<vmem>>
    %dma_start3A_158 = arith.constant 1280 : i32
    %dma_start3A_159 = tpu.memref_slice %arg5[%dma_start3A_158] : memref<6400xi32, #tpu.memory_space<vmem>> -> memref<128xi32, #tpu.memory_space<vmem>>
    %dma_start3A_160 = arith.constant 0 : i32
    %dma_start3A_161 = arith.constant 0 : i32
    %dma_start3A_162 = tpu.memref_slice %arg3[%dma_start3A_160, %dma_start3A_161] : memref<100000x64xf32, #tpu.memory_space<hbm>> -> memref<100000x64xf32, #tpu.memory_space<hbm>>
    tpu.enqueue_indirect_dma source(%dma_start3A_162 : memref<100000x64xf32, #tpu.memory_space<hbm>>) target(%dma_start3A_157 : memref<128x64xf32, #tpu.memory_space<vmem>>) offsets(%dma_start3A_159 : memref<128xi32, #tpu.memory_space<vmem>>) semaphore(%arg11 : memref<!tpu.dma_semaphore, #tpu.memory_space<semaphore_mem>>)
    %dma_start3A_163 = arith.constant 128 : i32
    %dma_start3A_164 = arith.constant 0 : i32
    %dma_start3A_165 = tpu.memref_slice %arg7[%dma_start3A_163, %dma_start3A_164] : memref<256x64xf32, #tpu.memory_space<vmem>> -> memref<128x64xf32, #tpu.memory_space<vmem>>
    %dma_start3A_166 = arith.constant 1408 : i32
    %dma_start3A_167 = tpu.memref_slice %arg5[%dma_start3A_166] : memref<6400xi32, #tpu.memory_space<vmem>> -> memref<128xi32, #tpu.memory_space<vmem>>
    %dma_start3A_168 = arith.constant 0 : i32
    %dma_start3A_169 = arith.constant 0 : i32
    %dma_start3A_170 = tpu.memref_slice %arg3[%dma_start3A_168, %dma_start3A_169] : memref<100000x64xf32, #tpu.memory_space<hbm>> -> memref<100000x64xf32, #tpu.memory_space<hbm>>
    tpu.enqueue_indirect_dma source(%dma_start3A_170 : memref<100000x64xf32, #tpu.memory_space<hbm>>) target(%dma_start3A_165 : memref<128x64xf32, #tpu.memory_space<vmem>>) offsets(%dma_start3A_167 : memref<128xi32, #tpu.memory_space<vmem>>) semaphore(%arg11 : memref<!tpu.dma_semaphore, #tpu.memory_space<semaphore_mem>>)
    %dma_wait3A_171 = arith.constant 0 : i32
    %dma_wait3A_172 = arith.constant 0 : i32
    %dma_wait3A_173 = tpu.memref_slice %arg9[%dma_wait3A_171, %dma_wait3A_172] : memref<256x64xf32, #tpu.memory_space<vmem>> -> memref<128x64xf32, #tpu.memory_space<vmem>>
    %dma_wait3A_174 = arith.constant 768 : i32
    %dma_wait3A_175 = tpu.memref_slice %arg5[%dma_wait3A_174] : memref<6400xi32, #tpu.memory_space<vmem>> -> memref<128xi32, #tpu.memory_space<vmem>>
    %dma_wait3A_176 = arith.constant 0 : i32
    %dma_wait3A_177 = arith.constant 0 : i32
    %dma_wait3A_178 = tpu.memref_slice %arg3[%dma_wait3A_176, %dma_wait3A_177] : memref<100000x64xf32, #tpu.memory_space<hbm>> -> memref<100000x64xf32, #tpu.memory_space<hbm>>
    tpu.wait_indirect_dma semaphore(%arg13 : memref<!tpu.dma_semaphore, #tpu.memory_space<semaphore_mem>>) src(%dma_wait3A_178 : memref<100000x64xf32, #tpu.memory_space<hbm>>) dst(%dma_wait3A_173 : memref<128x64xf32, #tpu.memory_space<vmem>>)
    %dma_wait3A_179 = arith.constant 128 : i32
    %dma_wait3A_180 = arith.constant 0 : i32
    %dma_wait3A_181 = tpu.memref_slice %arg9[%dma_wait3A_179, %dma_wait3A_180] : memref<256x64xf32, #tpu.memory_space<vmem>> -> memref<128x64xf32, #tpu.memory_space<vmem>>
    %dma_wait3A_182 = arith.constant 896 : i32
    %dma_wait3A_183 = tpu.memref_slice %arg5[%dma_wait3A_182] : memref<6400xi32, #tpu.memory_space<vmem>> -> memref<128xi32, #tpu.memory_space<vmem>>
    %dma_wait3A_184 = arith.constant 0 : i32
    %dma_wait3A_185 = arith.constant 0 : i32
    %dma_wait3A_186 = tpu.memref_slice %arg3[%dma_wait3A_184, %dma_wait3A_185] : memref<100000x64xf32, #tpu.memory_space<hbm>> -> memref<100000x64xf32, #tpu.memory_space<hbm>>
    tpu.wait_indirect_dma semaphore(%arg13 : memref<!tpu.dma_semaphore, #tpu.memory_space<semaphore_mem>>) src(%dma_wait3A_186 : memref<100000x64xf32, #tpu.memory_space<hbm>>) dst(%dma_wait3A_181 : memref<128x64xf32, #tpu.memory_space<vmem>>)
    %add3A_187 = arith.constant 768 : i32
    %add3A_188 = arith.addi %mul3A_2, %add3A_187 : i32
    %dma_start3A_189 = arith.constant 0 : i32
    %dma_start3A_190 = tpu.memref_slice %arg4[%add3A_188, %dma_start3A_189] : memref<204800x128xf32, #tpu.memory_space<hbm>> -> memref<256x64xf32, #tpu.memory_space<hbm>>
    %dma_start3A_191 = arith.constant 0 : i32
    %dma_start3A_192 = tpu.memref_slice %arg4[%add3A_188, %dma_start3A_191] : memref<204800x128xf32, #tpu.memory_space<hbm>> -> memref<256x64xf32, #tpu.memory_space<hbm>>
    tpu.enqueue_dma source(%arg9 : memref<256x64xf32, #tpu.memory_space<vmem>>) target(%dma_start3A_192 : memref<256x64xf32, #tpu.memory_space<hbm>>) target_semaphore(%arg17 : memref<!tpu.dma_semaphore, #tpu.memory_space<semaphore_mem>>)
    %dma_wait3A_193 = arith.constant 0 : i32
    %dma_wait3A_194 = tpu.memref_slice %arg4[%add3A_146, %dma_wait3A_193] : memref<204800x128xf32, #tpu.memory_space<hbm>> -> memref<256x64xf32, #tpu.memory_space<hbm>>
    %dma_wait3A_195 = arith.constant 0 : i32
    %dma_wait3A_196 = tpu.memref_slice %arg4[%add3A_146, %dma_wait3A_195] : memref<204800x128xf32, #tpu.memory_space<hbm>> -> memref<256x64xf32, #tpu.memory_space<hbm>>
    tpu.wait_dma2 semaphore(%arg16 : memref<!tpu.dma_semaphore, #tpu.memory_space<semaphore_mem>>) src(%arg8 : memref<256x64xf32, #tpu.memory_space<vmem>>) dst(%dma_wait3A_196 : memref<256x64xf32, #tpu.memory_space<hbm>>)
    %dma_start3A_197 = arith.constant 0 : i32
    %dma_start3A_198 = arith.constant 0 : i32
    %dma_start3A_199 = tpu.memref_slice %arg8[%dma_start3A_197, %dma_start3A_198] : memref<256x64xf32, #tpu.memory_space<vmem>> -> memref<128x64xf32, #tpu.memory_space<vmem>>
    %dma_start3A_200 = arith.constant 1536 : i32
    %dma_start3A_201 = tpu.memref_slice %arg5[%dma_start3A_200] : memref<6400xi32, #tpu.memory_space<vmem>> -> memref<128xi32, #tpu.memory_space<vmem>>
    %dma_start3A_202 = arith.constant 0 : i32
    %dma_start3A_203 = arith.constant 0 : i32
    %dma_start3A_204 = tpu.memref_slice %arg3[%dma_start3A_202, %dma_start3A_203] : memref<100000x64xf32, #tpu.memory_space<hbm>> -> memref<100000x64xf32, #tpu.memory_space<hbm>>
    tpu.enqueue_indirect_dma source(%dma_start3A_204 : memref<100000x64xf32, #tpu.memory_space<hbm>>) target(%dma_start3A_199 : memref<128x64xf32, #tpu.memory_space<vmem>>) offsets(%dma_start3A_201 : memref<128xi32, #tpu.memory_space<vmem>>) semaphore(%arg12 : memref<!tpu.dma_semaphore, #tpu.memory_space<semaphore_mem>>)
    %dma_start3A_205 = arith.constant 128 : i32
    %dma_start3A_206 = arith.constant 0 : i32
    %dma_start3A_207 = tpu.memref_slice %arg8[%dma_start3A_205, %dma_start3A_206] : memref<256x64xf32, #tpu.memory_space<vmem>> -> memref<128x64xf32, #tpu.memory_space<vmem>>
    %dma_start3A_208 = arith.constant 1664 : i32
    %dma_start3A_209 = tpu.memref_slice %arg5[%dma_start3A_208] : memref<6400xi32, #tpu.memory_space<vmem>> -> memref<128xi32, #tpu.memory_space<vmem>>
    %dma_start3A_210 = arith.constant 0 : i32
    %dma_start3A_211 = arith.constant 0 : i32
    %dma_start3A_212 = tpu.memref_slice %arg3[%dma_start3A_210, %dma_start3A_211] : memref<100000x64xf32, #tpu.memory_space<hbm>> -> memref<100000x64xf32, #tpu.memory_space<hbm>>
    tpu.enqueue_indirect_dma source(%dma_start3A_212 : memref<100000x64xf32, #tpu.memory_space<hbm>>) target(%dma_start3A_207 : memref<128x64xf32, #tpu.memory_space<vmem>>) offsets(%dma_start3A_209 : memref<128xi32, #tpu.memory_space<vmem>>) semaphore(%arg12 : memref<!tpu.dma_semaphore, #tpu.memory_space<semaphore_mem>>)
    %dma_wait3A_213 = arith.constant 0 : i32
    %dma_wait3A_214 = arith.constant 0 : i32
    %dma_wait3A_215 = tpu.memref_slice %arg6[%dma_wait3A_213, %dma_wait3A_214] : memref<256x64xf32, #tpu.memory_space<vmem>> -> memref<128x64xf32, #tpu.memory_space<vmem>>
    %dma_wait3A_216 = arith.constant 1024 : i32
    %dma_wait3A_217 = tpu.memref_slice %arg5[%dma_wait3A_216] : memref<6400xi32, #tpu.memory_space<vmem>> -> memref<128xi32, #tpu.memory_space<vmem>>
    %dma_wait3A_218 = arith.constant 0 : i32
    %dma_wait3A_219 = arith.constant 0 : i32
    %dma_wait3A_220 = tpu.memref_slice %arg3[%dma_wait3A_218, %dma_wait3A_219] : memref<100000x64xf32, #tpu.memory_space<hbm>> -> memref<100000x64xf32, #tpu.memory_space<hbm>>
    tpu.wait_indirect_dma semaphore(%arg10 : memref<!tpu.dma_semaphore, #tpu.memory_space<semaphore_mem>>) src(%dma_wait3A_220 : memref<100000x64xf32, #tpu.memory_space<hbm>>) dst(%dma_wait3A_215 : memref<128x64xf32, #tpu.memory_space<vmem>>)
    %dma_wait3A_221 = arith.constant 128 : i32
    %dma_wait3A_222 = arith.constant 0 : i32
    %dma_wait3A_223 = tpu.memref_slice %arg6[%dma_wait3A_221, %dma_wait3A_222] : memref<256x64xf32, #tpu.memory_space<vmem>> -> memref<128x64xf32, #tpu.memory_space<vmem>>
    %dma_wait3A_224 = arith.constant 1152 : i32
    %dma_wait3A_225 = tpu.memref_slice %arg5[%dma_wait3A_224] : memref<6400xi32, #tpu.memory_space<vmem>> -> memref<128xi32, #tpu.memory_space<vmem>>
    %dma_wait3A_226 = arith.constant 0 : i32
    %dma_wait3A_227 = arith.constant 0 : i32
    %dma_wait3A_228 = tpu.memref_slice %arg3[%dma_wait3A_226, %dma_wait3A_227] : memref<100000x64xf32, #tpu.memory_space<hbm>> -> memref<100000x64xf32, #tpu.memory_space<hbm>>
    tpu.wait_indirect_dma semaphore(%arg10 : memref<!tpu.dma_semaphore, #tpu.memory_space<semaphore_mem>>) src(%dma_wait3A_228 : memref<100000x64xf32, #tpu.memory_space<hbm>>) dst(%dma_wait3A_223 : memref<128x64xf32, #tpu.memory_space<vmem>>)
    %add3A_229 = arith.constant 1024 : i32
    %add3A_230 = arith.addi %mul3A_2, %add3A_229 : i32
    %dma_start3A_231 = arith.constant 0 : i32
    %dma_start3A_232 = tpu.memref_slice %arg4[%add3A_230, %dma_start3A_231] : memref<204800x128xf32, #tpu.memory_space<hbm>> -> memref<256x64xf32, #tpu.memory_space<hbm>>
    %dma_start3A_233 = arith.constant 0 : i32
    %dma_start3A_234 = tpu.memref_slice %arg4[%add3A_230, %dma_start3A_233] : memref<204800x128xf32, #tpu.memory_space<hbm>> -> memref<256x64xf32, #tpu.memory_space<hbm>>
    tpu.enqueue_dma source(%arg6 : memref<256x64xf32, #tpu.memory_space<vmem>>) target(%dma_start3A_234 : memref<256x64xf32, #tpu.memory_space<hbm>>) target_semaphore(%arg14 : memref<!tpu.dma_semaphore, #tpu.memory_space<semaphore_mem>>)
    %dma_wait3A_235 = arith.constant 0 : i32
    %dma_wait3A_236 = tpu.memref_slice %arg4[%add3A_188, %dma_wait3A_235] : memref<204800x128xf32, #tpu.memory_space<hbm>> -> memref<256x64xf32, #tpu.memory_space<hbm>>
    %dma_wait3A_237 = arith.constant 0 : i32
    %dma_wait3A_238 = tpu.memref_slice %arg4[%add3A_188, %dma_wait3A_237] : memref<204800x128xf32, #tpu.memory_space<hbm>> -> memref<256x64xf32, #tpu.memory_space<hbm>>
    tpu.wait_dma2 semaphore(%arg17 : memref<!tpu.dma_semaphore, #tpu.memory_space<semaphore_mem>>) src(%arg9 : memref<256x64xf32, #tpu.memory_space<vmem>>) dst(%dma_wait3A_238 : memref<256x64xf32, #tpu.memory_space<hbm>>)
    %dma_start3A_239 = arith.constant 0 : i32
    %dma_start3A_240 = arith.constant 0 : i32
    %dma_start3A_241 = tpu.memref_slice %arg9[%dma_start3A_239, %dma_start3A_240] : memref<256x64xf32, #tpu.memory_space<vmem>> -> memref<128x64xf32, #tpu.memory_space<vmem>>
    %dma_start3A_242 = arith.constant 1792 : i32
    %dma_start3A_243 = tpu.memref_slice %arg5[%dma_start3A_242] : memref<6400xi32, #tpu.memory_space<vmem>> -> memref<128xi32, #tpu.memory_space<vmem>>
    %dma_start3A_244 = arith.constant 0 : i32
    %dma_start3A_245 = arith.constant 0 : i32
    %dma_start3A_246 = tpu.memref_slice %arg3[%dma_start3A_244, %dma_start3A_245] : memref<100000x64xf32, #tpu.memory_space<hbm>> -> memref<100000x64xf32, #tpu.memory_space<hbm>>
    tpu.enqueue_indirect_dma source(%dma_start3A_246 : memref<100000x64xf32, #tpu.memory_space<hbm>>) target(%dma_start3A_241 : memref<128x64xf32, #tpu.memory_space<vmem>>) offsets(%dma_start3A_243 : memref<128xi32, #tpu.memory_space<vmem>>) semaphore(%arg13 : memref<!tpu.dma_semaphore, #tpu.memory_space<semaphore_mem>>)
    %dma_start3A_247 = arith.constant 128 : i32
    %dma_start3A_248 = arith.constant 0 : i32
    %dma_start3A_249 = tpu.memref_slice %arg9[%dma_start3A_247, %dma_start3A_248] : memref<256x64xf32, #tpu.memory_space<vmem>> -> memref<128x64xf32, #tpu.memory_space<vmem>>
    %dma_start3A_250 = arith.constant 1920 : i32
    %dma_start3A_251 = tpu.memref_slice %arg5[%dma_start3A_250] : memref<6400xi32, #tpu.memory_space<vmem>> -> memref<128xi32, #tpu.memory_space<vmem>>
    %dma_start3A_252 = arith.constant 0 : i32
    %dma_start3A_253 = arith.constant 0 : i32
    %dma_start3A_254 = tpu.memref_slice %arg3[%dma_start3A_252, %dma_start3A_253] : memref<100000x64xf32, #tpu.memory_space<hbm>> -> memref<100000x64xf32, #tpu.memory_space<hbm>>
    tpu.enqueue_indirect_dma source(%dma_start3A_254 : memref<100000x64xf32, #tpu.memory_space<hbm>>) target(%dma_start3A_249 : memref<128x64xf32, #tpu.memory_space<vmem>>) offsets(%dma_start3A_251 : memref<128xi32, #tpu.memory_space<vmem>>) semaphore(%arg13 : memref<!tpu.dma_semaphore, #tpu.memory_space<semaphore_mem>>)
    %dma_wait3A_255 = arith.constant 0 : i32
    %dma_wait3A_256 = arith.constant 0 : i32
    %dma_wait3A_257 = tpu.memref_slice %arg7[%dma_wait3A_255, %dma_wait3A_256] : memref<256x64xf32, #tpu.memory_space<vmem>> -> memref<128x64xf32, #tpu.memory_space<vmem>>
    %dma_wait3A_258 = arith.constant 1280 : i32
    %dma_wait3A_259 = tpu.memref_slice %arg5[%dma_wait3A_258] : memref<6400xi32, #tpu.memory_space<vmem>> -> memref<128xi32, #tpu.memory_space<vmem>>
    %dma_wait3A_260 = arith.constant 0 : i32
    %dma_wait3A_261 = arith.constant 0 : i32
    %dma_wait3A_262 = tpu.memref_slice %arg3[%dma_wait3A_260, %dma_wait3A_261] : memref<100000x64xf32, #tpu.memory_space<hbm>> -> memref<100000x64xf32, #tpu.memory_space<hbm>>
    tpu.wait_indirect_dma semaphore(%arg11 : memref<!tpu.dma_semaphore, #tpu.memory_space<semaphore_mem>>) src(%dma_wait3A_262 : memref<100000x64xf32, #tpu.memory_space<hbm>>) dst(%dma_wait3A_257 : memref<128x64xf32, #tpu.memory_space<vmem>>)
    %dma_wait3A_263 = arith.constant 128 : i32
    %dma_wait3A_264 = arith.constant 0 : i32
    %dma_wait3A_265 = tpu.memref_slice %arg7[%dma_wait3A_263, %dma_wait3A_264] : memref<256x64xf32, #tpu.memory_space<vmem>> -> memref<128x64xf32, #tpu.memory_space<vmem>>
    %dma_wait3A_266 = arith.constant 1408 : i32
    %dma_wait3A_267 = tpu.memref_slice %arg5[%dma_wait3A_266] : memref<6400xi32, #tpu.memory_space<vmem>> -> memref<128xi32, #tpu.memory_space<vmem>>
    %dma_wait3A_268 = arith.constant 0 : i32
    %dma_wait3A_269 = arith.constant 0 : i32
    %dma_wait3A_270 = tpu.memref_slice %arg3[%dma_wait3A_268, %dma_wait3A_269] : memref<100000x64xf32, #tpu.memory_space<hbm>> -> memref<100000x64xf32, #tpu.memory_space<hbm>>
    tpu.wait_indirect_dma semaphore(%arg11 : memref<!tpu.dma_semaphore, #tpu.memory_space<semaphore_mem>>) src(%dma_wait3A_270 : memref<100000x64xf32, #tpu.memory_space<hbm>>) dst(%dma_wait3A_265 : memref<128x64xf32, #tpu.memory_space<vmem>>)
    %add3A_271 = arith.constant 1280 : i32
    %add3A_272 = arith.addi %mul3A_2, %add3A_271 : i32
    %dma_start3A_273 = arith.constant 0 : i32
    %dma_start3A_274 = tpu.memref_slice %arg4[%add3A_272, %dma_start3A_273] : memref<204800x128xf32, #tpu.memory_space<hbm>> -> memref<256x64xf32, #tpu.memory_space<hbm>>
    %dma_start3A_275 = arith.constant 0 : i32
    %dma_start3A_276 = tpu.memref_slice %arg4[%add3A_272, %dma_start3A_275] : memref<204800x128xf32, #tpu.memory_space<hbm>> -> memref<256x64xf32, #tpu.memory_space<hbm>>
    tpu.enqueue_dma source(%arg7 : memref<256x64xf32, #tpu.memory_space<vmem>>) target(%dma_start3A_276 : memref<256x64xf32, #tpu.memory_space<hbm>>) target_semaphore(%arg15 : memref<!tpu.dma_semaphore, #tpu.memory_space<semaphore_mem>>)
    %dma_wait3A_277 = arith.constant 0 : i32
    %dma_wait3A_278 = tpu.memref_slice %arg4[%add3A_230, %dma_wait3A_277] : memref<204800x128xf32, #tpu.memory_space<hbm>> -> memref<256x64xf32, #tpu.memory_space<hbm>>
    %dma_wait3A_279 = arith.constant 0 : i32
    %dma_wait3A_280 = tpu.memref_slice %arg4[%add3A_230, %dma_wait3A_279] : memref<204800x128xf32, #tpu.memory_space<hbm>> -> memref<256x64xf32, #tpu.memory_space<hbm>>
    tpu.wait_dma2 semaphore(%arg14 : memref<!tpu.dma_semaphore, #tpu.memory_space<semaphore_mem>>) src(%arg6 : memref<256x64xf32, #tpu.memory_space<vmem>>) dst(%dma_wait3A_280 : memref<256x64xf32, #tpu.memory_space<hbm>>)
    %dma_start3A_281 = arith.constant 0 : i32
    %dma_start3A_282 = arith.constant 0 : i32
    %dma_start3A_283 = tpu.memref_slice %arg6[%dma_start3A_281, %dma_start3A_282] : memref<256x64xf32, #tpu.memory_space<vmem>> -> memref<128x64xf32, #tpu.memory_space<vmem>>
    %dma_start3A_284 = arith.constant 2048 : i32
    %dma_start3A_285 = tpu.memref_slice %arg5[%dma_start3A_284] : memref<6400xi32, #tpu.memory_space<vmem>> -> memref<128xi32, #tpu.memory_space<vmem>>
    %dma_start3A_286 = arith.constant 0 : i32
    %dma_start3A_287 = arith.constant 0 : i32
    %dma_start3A_288 = tpu.memref_slice %arg3[%dma_start3A_286, %dma_start3A_287] : memref<100000x64xf32, #tpu.memory_space<hbm>> -> memref<100000x64xf32, #tpu.memory_space<hbm>>
    tpu.enqueue_indirect_dma source(%dma_start3A_288 : memref<100000x64xf32, #tpu.memory_space<hbm>>) target(%dma_start3A_283 : memref<128x64xf32, #tpu.memory_space<vmem>>) offsets(%dma_start3A_285 : memref<128xi32, #tpu.memory_space<vmem>>) semaphore(%arg10 : memref<!tpu.dma_semaphore, #tpu.memory_space<semaphore_mem>>)
    %dma_start3A_289 = arith.constant 128 : i32
    %dma_start3A_290 = arith.constant 0 : i32
    %dma_start3A_291 = tpu.memref_slice %arg6[%dma_start3A_289, %dma_start3A_290] : memref<256x64xf32, #tpu.memory_space<vmem>> -> memref<128x64xf32, #tpu.memory_space<vmem>>
    %dma_start3A_292 = arith.constant 2176 : i32
    %dma_start3A_293 = tpu.memref_slice %arg5[%dma_start3A_292] : memref<6400xi32, #tpu.memory_space<vmem>> -> memref<128xi32, #tpu.memory_space<vmem>>
    %dma_start3A_294 = arith.constant 0 : i32
    %dma_start3A_295 = arith.constant 0 : i32
    %dma_start3A_296 = tpu.memref_slice %arg3[%dma_start3A_294, %dma_start3A_295] : memref<100000x64xf32, #tpu.memory_space<hbm>> -> memref<100000x64xf32, #tpu.memory_space<hbm>>
    tpu.enqueue_indirect_dma source(%dma_start3A_296 : memref<100000x64xf32, #tpu.memory_space<hbm>>) target(%dma_start3A_291 : memref<128x64xf32, #tpu.memory_space<vmem>>) offsets(%dma_start3A_293 : memref<128xi32, #tpu.memory_space<vmem>>) semaphore(%arg10 : memref<!tpu.dma_semaphore, #tpu.memory_space<semaphore_mem>>)
    %dma_wait3A_297 = arith.constant 0 : i32
    %dma_wait3A_298 = arith.constant 0 : i32
    %dma_wait3A_299 = tpu.memref_slice %arg8[%dma_wait3A_297, %dma_wait3A_298] : memref<256x64xf32, #tpu.memory_space<vmem>> -> memref<128x64xf32, #tpu.memory_space<vmem>>
    %dma_wait3A_300 = arith.constant 1536 : i32
    %dma_wait3A_301 = tpu.memref_slice %arg5[%dma_wait3A_300] : memref<6400xi32, #tpu.memory_space<vmem>> -> memref<128xi32, #tpu.memory_space<vmem>>
    %dma_wait3A_302 = arith.constant 0 : i32
    %dma_wait3A_303 = arith.constant 0 : i32
    %dma_wait3A_304 = tpu.memref_slice %arg3[%dma_wait3A_302, %dma_wait3A_303] : memref<100000x64xf32, #tpu.memory_space<hbm>> -> memref<100000x64xf32, #tpu.memory_space<hbm>>
    tpu.wait_indirect_dma semaphore(%arg12 : memref<!tpu.dma_semaphore, #tpu.memory_space<semaphore_mem>>) src(%dma_wait3A_304 : memref<100000x64xf32, #tpu.memory_space<hbm>>) dst(%dma_wait3A_299 : memref<128x64xf32, #tpu.memory_space<vmem>>)
    %dma_wait3A_305 = arith.constant 128 : i32
    %dma_wait3A_306 = arith.constant 0 : i32
    %dma_wait3A_307 = tpu.memref_slice %arg8[%dma_wait3A_305, %dma_wait3A_306] : memref<256x64xf32, #tpu.memory_space<vmem>> -> memref<128x64xf32, #tpu.memory_space<vmem>>
    %dma_wait3A_308 = arith.constant 1664 : i32
    %dma_wait3A_309 = tpu.memref_slice %arg5[%dma_wait3A_308] : memref<6400xi32, #tpu.memory_space<vmem>> -> memref<128xi32, #tpu.memory_space<vmem>>
    %dma_wait3A_310 = arith.constant 0 : i32
    %dma_wait3A_311 = arith.constant 0 : i32
    %dma_wait3A_312 = tpu.memref_slice %arg3[%dma_wait3A_310, %dma_wait3A_311] : memref<100000x64xf32, #tpu.memory_space<hbm>> -> memref<100000x64xf32, #tpu.memory_space<hbm>>
    tpu.wait_indirect_dma semaphore(%arg12 : memref<!tpu.dma_semaphore, #tpu.memory_space<semaphore_mem>>) src(%dma_wait3A_312 : memref<100000x64xf32, #tpu.memory_space<hbm>>) dst(%dma_wait3A_307 : memref<128x64xf32, #tpu.memory_space<vmem>>)
    %add3A_313 = arith.constant 1536 : i32
    %add3A_314 = arith.addi %mul3A_2, %add3A_313 : i32
    %dma_start3A_315 = arith.constant 0 : i32
    %dma_start3A_316 = tpu.memref_slice %arg4[%add3A_314, %dma_start3A_315] : memref<204800x128xf32, #tpu.memory_space<hbm>> -> memref<256x64xf32, #tpu.memory_space<hbm>>
    %dma_start3A_317 = arith.constant 0 : i32
    %dma_start3A_318 = tpu.memref_slice %arg4[%add3A_314, %dma_start3A_317] : memref<204800x128xf32, #tpu.memory_space<hbm>> -> memref<256x64xf32, #tpu.memory_space<hbm>>
    tpu.enqueue_dma source(%arg8 : memref<256x64xf32, #tpu.memory_space<vmem>>) target(%dma_start3A_318 : memref<256x64xf32, #tpu.memory_space<hbm>>) target_semaphore(%arg16 : memref<!tpu.dma_semaphore, #tpu.memory_space<semaphore_mem>>)
    %dma_wait3A_319 = arith.constant 0 : i32
    %dma_wait3A_320 = tpu.memref_slice %arg4[%add3A_272, %dma_wait3A_319] : memref<204800x128xf32, #tpu.memory_space<hbm>> -> memref<256x64xf32, #tpu.memory_space<hbm>>
    %dma_wait3A_321 = arith.constant 0 : i32
    %dma_wait3A_322 = tpu.memref_slice %arg4[%add3A_272, %dma_wait3A_321] : memref<204800x128xf32, #tpu.memory_space<hbm>> -> memref<256x64xf32, #tpu.memory_space<hbm>>
    tpu.wait_dma2 semaphore(%arg15 : memref<!tpu.dma_semaphore, #tpu.memory_space<semaphore_mem>>) src(%arg7 : memref<256x64xf32, #tpu.memory_space<vmem>>) dst(%dma_wait3A_322 : memref<256x64xf32, #tpu.memory_space<hbm>>)
    %dma_start3A_323 = arith.constant 0 : i32
    %dma_start3A_324 = arith.constant 0 : i32
    %dma_start3A_325 = tpu.memref_slice %arg7[%dma_start3A_323, %dma_start3A_324] : memref<256x64xf32, #tpu.memory_space<vmem>> -> memref<128x64xf32, #tpu.memory_space<vmem>>
    %dma_start3A_326 = arith.constant 2304 : i32
    %dma_start3A_327 = tpu.memref_slice %arg5[%dma_start3A_326] : memref<6400xi32, #tpu.memory_space<vmem>> -> memref<128xi32, #tpu.memory_space<vmem>>
    %dma_start3A_328 = arith.constant 0 : i32
    %dma_start3A_329 = arith.constant 0 : i32
    %dma_start3A_330 = tpu.memref_slice %arg3[%dma_start3A_328, %dma_start3A_329] : memref<100000x64xf32, #tpu.memory_space<hbm>> -> memref<100000x64xf32, #tpu.memory_space<hbm>>
    tpu.enqueue_indirect_dma source(%dma_start3A_330 : memref<100000x64xf32, #tpu.memory_space<hbm>>) target(%dma_start3A_325 : memref<128x64xf32, #tpu.memory_space<vmem>>) offsets(%dma_start3A_327 : memref<128xi32, #tpu.memory_space<vmem>>) semaphore(%arg11 : memref<!tpu.dma_semaphore, #tpu.memory_space<semaphore_mem>>)
    %dma_start3A_331 = arith.constant 128 : i32
    %dma_start3A_332 = arith.constant 0 : i32
    %dma_start3A_333 = tpu.memref_slice %arg7[%dma_start3A_331, %dma_start3A_332] : memref<256x64xf32, #tpu.memory_space<vmem>> -> memref<128x64xf32, #tpu.memory_space<vmem>>
    %dma_start3A_334 = arith.constant 2432 : i32
    %dma_start3A_335 = tpu.memref_slice %arg5[%dma_start3A_334] : memref<6400xi32, #tpu.memory_space<vmem>> -> memref<128xi32, #tpu.memory_space<vmem>>
    %dma_start3A_336 = arith.constant 0 : i32
    %dma_start3A_337 = arith.constant 0 : i32
    %dma_start3A_338 = tpu.memref_slice %arg3[%dma_start3A_336, %dma_start3A_337] : memref<100000x64xf32, #tpu.memory_space<hbm>> -> memref<100000x64xf32, #tpu.memory_space<hbm>>
    tpu.enqueue_indirect_dma source(%dma_start3A_338 : memref<100000x64xf32, #tpu.memory_space<hbm>>) target(%dma_start3A_333 : memref<128x64xf32, #tpu.memory_space<vmem>>) offsets(%dma_start3A_335 : memref<128xi32, #tpu.memory_space<vmem>>) semaphore(%arg11 : memref<!tpu.dma_semaphore, #tpu.memory_space<semaphore_mem>>)
    %dma_wait3A_339 = arith.constant 0 : i32
    %dma_wait3A_340 = arith.constant 0 : i32
    %dma_wait3A_341 = tpu.memref_slice %arg9[%dma_wait3A_339, %dma_wait3A_340] : memref<256x64xf32, #tpu.memory_space<vmem>> -> memref<128x64xf32, #tpu.memory_space<vmem>>
    %dma_wait3A_342 = arith.constant 1792 : i32
    %dma_wait3A_343 = tpu.memref_slice %arg5[%dma_wait3A_342] : memref<6400xi32, #tpu.memory_space<vmem>> -> memref<128xi32, #tpu.memory_space<vmem>>
    %dma_wait3A_344 = arith.constant 0 : i32
    %dma_wait3A_345 = arith.constant 0 : i32
    %dma_wait3A_346 = tpu.memref_slice %arg3[%dma_wait3A_344, %dma_wait3A_345] : memref<100000x64xf32, #tpu.memory_space<hbm>> -> memref<100000x64xf32, #tpu.memory_space<hbm>>
    tpu.wait_indirect_dma semaphore(%arg13 : memref<!tpu.dma_semaphore, #tpu.memory_space<semaphore_mem>>) src(%dma_wait3A_346 : memref<100000x64xf32, #tpu.memory_space<hbm>>) dst(%dma_wait3A_341 : memref<128x64xf32, #tpu.memory_space<vmem>>)
    %dma_wait3A_347 = arith.constant 128 : i32
    %dma_wait3A_348 = arith.constant 0 : i32
    %dma_wait3A_349 = tpu.memref_slice %arg9[%dma_wait3A_347, %dma_wait3A_348] : memref<256x64xf32, #tpu.memory_space<vmem>> -> memref<128x64xf32, #tpu.memory_space<vmem>>
    %dma_wait3A_350 = arith.constant 1920 : i32
    %dma_wait3A_351 = tpu.memref_slice %arg5[%dma_wait3A_350] : memref<6400xi32, #tpu.memory_space<vmem>> -> memref<128xi32, #tpu.memory_space<vmem>>
    %dma_wait3A_352 = arith.constant 0 : i32
    %dma_wait3A_353 = arith.constant 0 : i32
    %dma_wait3A_354 = tpu.memref_slice %arg3[%dma_wait3A_352, %dma_wait3A_353] : memref<100000x64xf32, #tpu.memory_space<hbm>> -> memref<100000x64xf32, #tpu.memory_space<hbm>>
    tpu.wait_indirect_dma semaphore(%arg13 : memref<!tpu.dma_semaphore, #tpu.memory_space<semaphore_mem>>) src(%dma_wait3A_354 : memref<100000x64xf32, #tpu.memory_space<hbm>>) dst(%dma_wait3A_349 : memref<128x64xf32, #tpu.memory_space<vmem>>)
    %add3A_355 = arith.constant 1792 : i32
    %add3A_356 = arith.addi %mul3A_2, %add3A_355 : i32
    %dma_start3A_357 = arith.constant 0 : i32
    %dma_start3A_358 = tpu.memref_slice %arg4[%add3A_356, %dma_start3A_357] : memref<204800x128xf32, #tpu.memory_space<hbm>> -> memref<256x64xf32, #tpu.memory_space<hbm>>
    %dma_start3A_359 = arith.constant 0 : i32
    %dma_start3A_360 = tpu.memref_slice %arg4[%add3A_356, %dma_start3A_359] : memref<204800x128xf32, #tpu.memory_space<hbm>> -> memref<256x64xf32, #tpu.memory_space<hbm>>
    tpu.enqueue_dma source(%arg9 : memref<256x64xf32, #tpu.memory_space<vmem>>) target(%dma_start3A_360 : memref<256x64xf32, #tpu.memory_space<hbm>>) target_semaphore(%arg17 : memref<!tpu.dma_semaphore, #tpu.memory_space<semaphore_mem>>)
    %dma_wait3A_361 = arith.constant 0 : i32
    %dma_wait3A_362 = tpu.memref_slice %arg4[%add3A_314, %dma_wait3A_361] : memref<204800x128xf32, #tpu.memory_space<hbm>> -> memref<256x64xf32, #tpu.memory_space<hbm>>
    %dma_wait3A_363 = arith.constant 0 : i32
    %dma_wait3A_364 = tpu.memref_slice %arg4[%add3A_314, %dma_wait3A_363] : memref<204800x128xf32, #tpu.memory_space<hbm>> -> memref<256x64xf32, #tpu.memory_space<hbm>>
    tpu.wait_dma2 semaphore(%arg16 : memref<!tpu.dma_semaphore, #tpu.memory_space<semaphore_mem>>) src(%arg8 : memref<256x64xf32, #tpu.memory_space<vmem>>) dst(%dma_wait3A_364 : memref<256x64xf32, #tpu.memory_space<hbm>>)
    %dma_start3A_365 = arith.constant 0 : i32
    %dma_start3A_366 = arith.constant 0 : i32
    %dma_start3A_367 = tpu.memref_slice %arg8[%dma_start3A_365, %dma_start3A_366] : memref<256x64xf32, #tpu.memory_space<vmem>> -> memref<128x64xf32, #tpu.memory_space<vmem>>
    %dma_start3A_368 = arith.constant 2560 : i32
    %dma_start3A_369 = tpu.memref_slice %arg5[%dma_start3A_368] : memref<6400xi32, #tpu.memory_space<vmem>> -> memref<128xi32, #tpu.memory_space<vmem>>
    %dma_start3A_370 = arith.constant 0 : i32
    %dma_start3A_371 = arith.constant 0 : i32
    %dma_start3A_372 = tpu.memref_slice %arg3[%dma_start3A_370, %dma_start3A_371] : memref<100000x64xf32, #tpu.memory_space<hbm>> -> memref<100000x64xf32, #tpu.memory_space<hbm>>
    tpu.enqueue_indirect_dma source(%dma_start3A_372 : memref<100000x64xf32, #tpu.memory_space<hbm>>) target(%dma_start3A_367 : memref<128x64xf32, #tpu.memory_space<vmem>>) offsets(%dma_start3A_369 : memref<128xi32, #tpu.memory_space<vmem>>) semaphore(%arg12 : memref<!tpu.dma_semaphore, #tpu.memory_space<semaphore_mem>>)
    %dma_start3A_373 = arith.constant 128 : i32
    %dma_start3A_374 = arith.constant 0 : i32
    %dma_start3A_375 = tpu.memref_slice %arg8[%dma_start3A_373, %dma_start3A_374] : memref<256x64xf32, #tpu.memory_space<vmem>> -> memref<128x64xf32, #tpu.memory_space<vmem>>
    %dma_start3A_376 = arith.constant 2688 : i32
    %dma_start3A_377 = tpu.memref_slice %arg5[%dma_start3A_376] : memref<6400xi32, #tpu.memory_space<vmem>> -> memref<128xi32, #tpu.memory_space<vmem>>
    %dma_start3A_378 = arith.constant 0 : i32
    %dma_start3A_379 = arith.constant 0 : i32
    %dma_start3A_380 = tpu.memref_slice %arg3[%dma_start3A_378, %dma_start3A_379] : memref<100000x64xf32, #tpu.memory_space<hbm>> -> memref<100000x64xf32, #tpu.memory_space<hbm>>
    tpu.enqueue_indirect_dma source(%dma_start3A_380 : memref<100000x64xf32, #tpu.memory_space<hbm>>) target(%dma_start3A_375 : memref<128x64xf32, #tpu.memory_space<vmem>>) offsets(%dma_start3A_377 : memref<128xi32, #tpu.memory_space<vmem>>) semaphore(%arg12 : memref<!tpu.dma_semaphore, #tpu.memory_space<semaphore_mem>>)
    %dma_wait3A_381 = arith.constant 0 : i32
    %dma_wait3A_382 = arith.constant 0 : i32
    %dma_wait3A_383 = tpu.memref_slice %arg6[%dma_wait3A_381, %dma_wait3A_382] : memref<256x64xf32, #tpu.memory_space<vmem>> -> memref<128x64xf32, #tpu.memory_space<vmem>>
    %dma_wait3A_384 = arith.constant 2048 : i32
    %dma_wait3A_385 = tpu.memref_slice %arg5[%dma_wait3A_384] : memref<6400xi32, #tpu.memory_space<vmem>> -> memref<128xi32, #tpu.memory_space<vmem>>
    %dma_wait3A_386 = arith.constant 0 : i32
    %dma_wait3A_387 = arith.constant 0 : i32
    %dma_wait3A_388 = tpu.memref_slice %arg3[%dma_wait3A_386, %dma_wait3A_387] : memref<100000x64xf32, #tpu.memory_space<hbm>> -> memref<100000x64xf32, #tpu.memory_space<hbm>>
    tpu.wait_indirect_dma semaphore(%arg10 : memref<!tpu.dma_semaphore, #tpu.memory_space<semaphore_mem>>) src(%dma_wait3A_388 : memref<100000x64xf32, #tpu.memory_space<hbm>>) dst(%dma_wait3A_383 : memref<128x64xf32, #tpu.memory_space<vmem>>)
    %dma_wait3A_389 = arith.constant 128 : i32
    %dma_wait3A_390 = arith.constant 0 : i32
    %dma_wait3A_391 = tpu.memref_slice %arg6[%dma_wait3A_389, %dma_wait3A_390] : memref<256x64xf32, #tpu.memory_space<vmem>> -> memref<128x64xf32, #tpu.memory_space<vmem>>
    %dma_wait3A_392 = arith.constant 2176 : i32
    %dma_wait3A_393 = tpu.memref_slice %arg5[%dma_wait3A_392] : memref<6400xi32, #tpu.memory_space<vmem>> -> memref<128xi32, #tpu.memory_space<vmem>>
    %dma_wait3A_394 = arith.constant 0 : i32
    %dma_wait3A_395 = arith.constant 0 : i32
    %dma_wait3A_396 = tpu.memref_slice %arg3[%dma_wait3A_394, %dma_wait3A_395] : memref<100000x64xf32, #tpu.memory_space<hbm>> -> memref<100000x64xf32, #tpu.memory_space<hbm>>
    tpu.wait_indirect_dma semaphore(%arg10 : memref<!tpu.dma_semaphore, #tpu.memory_space<semaphore_mem>>) src(%dma_wait3A_396 : memref<100000x64xf32, #tpu.memory_space<hbm>>) dst(%dma_wait3A_391 : memref<128x64xf32, #tpu.memory_space<vmem>>)
    %add3A_397 = arith.constant 2048 : i32
    %add3A_398 = arith.addi %mul3A_2, %add3A_397 : i32
    %dma_start3A_399 = arith.constant 0 : i32
    %dma_start3A_400 = tpu.memref_slice %arg4[%add3A_398, %dma_start3A_399] : memref<204800x128xf32, #tpu.memory_space<hbm>> -> memref<256x64xf32, #tpu.memory_space<hbm>>
    %dma_start3A_401 = arith.constant 0 : i32
    %dma_start3A_402 = tpu.memref_slice %arg4[%add3A_398, %dma_start3A_401] : memref<204800x128xf32, #tpu.memory_space<hbm>> -> memref<256x64xf32, #tpu.memory_space<hbm>>
    tpu.enqueue_dma source(%arg6 : memref<256x64xf32, #tpu.memory_space<vmem>>) target(%dma_start3A_402 : memref<256x64xf32, #tpu.memory_space<hbm>>) target_semaphore(%arg14 : memref<!tpu.dma_semaphore, #tpu.memory_space<semaphore_mem>>)
    %dma_wait3A_403 = arith.constant 0 : i32
    %dma_wait3A_404 = tpu.memref_slice %arg4[%add3A_356, %dma_wait3A_403] : memref<204800x128xf32, #tpu.memory_space<hbm>> -> memref<256x64xf32, #tpu.memory_space<hbm>>
    %dma_wait3A_405 = arith.constant 0 : i32
    %dma_wait3A_406 = tpu.memref_slice %arg4[%add3A_356, %dma_wait3A_405] : memref<204800x128xf32, #tpu.memory_space<hbm>> -> memref<256x64xf32, #tpu.memory_space<hbm>>
    tpu.wait_dma2 semaphore(%arg17 : memref<!tpu.dma_semaphore, #tpu.memory_space<semaphore_mem>>) src(%arg9 : memref<256x64xf32, #tpu.memory_space<vmem>>) dst(%dma_wait3A_406 : memref<256x64xf32, #tpu.memory_space<hbm>>)
    %dma_start3A_407 = arith.constant 0 : i32
    %dma_start3A_408 = arith.constant 0 : i32
    %dma_start3A_409 = tpu.memref_slice %arg9[%dma_start3A_407, %dma_start3A_408] : memref<256x64xf32, #tpu.memory_space<vmem>> -> memref<128x64xf32, #tpu.memory_space<vmem>>
    %dma_start3A_410 = arith.constant 2816 : i32
    %dma_start3A_411 = tpu.memref_slice %arg5[%dma_start3A_410] : memref<6400xi32, #tpu.memory_space<vmem>> -> memref<128xi32, #tpu.memory_space<vmem>>
    %dma_start3A_412 = arith.constant 0 : i32
    %dma_start3A_413 = arith.constant 0 : i32
    %dma_start3A_414 = tpu.memref_slice %arg3[%dma_start3A_412, %dma_start3A_413] : memref<100000x64xf32, #tpu.memory_space<hbm>> -> memref<100000x64xf32, #tpu.memory_space<hbm>>
    tpu.enqueue_indirect_dma source(%dma_start3A_414 : memref<100000x64xf32, #tpu.memory_space<hbm>>) target(%dma_start3A_409 : memref<128x64xf32, #tpu.memory_space<vmem>>) offsets(%dma_start3A_411 : memref<128xi32, #tpu.memory_space<vmem>>) semaphore(%arg13 : memref<!tpu.dma_semaphore, #tpu.memory_space<semaphore_mem>>)
    %dma_start3A_415 = arith.constant 128 : i32
    %dma_start3A_416 = arith.constant 0 : i32
    %dma_start3A_417 = tpu.memref_slice %arg9[%dma_start3A_415, %dma_start3A_416] : memref<256x64xf32, #tpu.memory_space<vmem>> -> memref<128x64xf32, #tpu.memory_space<vmem>>
    %dma_start3A_418 = arith.constant 2944 : i32
    %dma_start3A_419 = tpu.memref_slice %arg5[%dma_start3A_418] : memref<6400xi32, #tpu.memory_space<vmem>> -> memref<128xi32, #tpu.memory_space<vmem>>
    %dma_start3A_420 = arith.constant 0 : i32
    %dma_start3A_421 = arith.constant 0 : i32
    %dma_start3A_422 = tpu.memref_slice %arg3[%dma_start3A_420, %dma_start3A_421] : memref<100000x64xf32, #tpu.memory_space<hbm>> -> memref<100000x64xf32, #tpu.memory_space<hbm>>
    tpu.enqueue_indirect_dma source(%dma_start3A_422 : memref<100000x64xf32, #tpu.memory_space<hbm>>) target(%dma_start3A_417 : memref<128x64xf32, #tpu.memory_space<vmem>>) offsets(%dma_start3A_419 : memref<128xi32, #tpu.memory_space<vmem>>) semaphore(%arg13 : memref<!tpu.dma_semaphore, #tpu.memory_space<semaphore_mem>>)
    %dma_wait3A_423 = arith.constant 0 : i32
    %dma_wait3A_424 = arith.constant 0 : i32
    %dma_wait3A_425 = tpu.memref_slice %arg7[%dma_wait3A_423, %dma_wait3A_424] : memref<256x64xf32, #tpu.memory_space<vmem>> -> memref<128x64xf32, #tpu.memory_space<vmem>>
    %dma_wait3A_426 = arith.constant 2304 : i32
    %dma_wait3A_427 = tpu.memref_slice %arg5[%dma_wait3A_426] : memref<6400xi32, #tpu.memory_space<vmem>> -> memref<128xi32, #tpu.memory_space<vmem>>
    %dma_wait3A_428 = arith.constant 0 : i32
    %dma_wait3A_429 = arith.constant 0 : i32
    %dma_wait3A_430 = tpu.memref_slice %arg3[%dma_wait3A_428, %dma_wait3A_429] : memref<100000x64xf32, #tpu.memory_space<hbm>> -> memref<100000x64xf32, #tpu.memory_space<hbm>>
    tpu.wait_indirect_dma semaphore(%arg11 : memref<!tpu.dma_semaphore, #tpu.memory_space<semaphore_mem>>) src(%dma_wait3A_430 : memref<100000x64xf32, #tpu.memory_space<hbm>>) dst(%dma_wait3A_425 : memref<128x64xf32, #tpu.memory_space<vmem>>)
    %dma_wait3A_431 = arith.constant 128 : i32
    %dma_wait3A_432 = arith.constant 0 : i32
    %dma_wait3A_433 = tpu.memref_slice %arg7[%dma_wait3A_431, %dma_wait3A_432] : memref<256x64xf32, #tpu.memory_space<vmem>> -> memref<128x64xf32, #tpu.memory_space<vmem>>
    %dma_wait3A_434 = arith.constant 2432 : i32
    %dma_wait3A_435 = tpu.memref_slice %arg5[%dma_wait3A_434] : memref<6400xi32, #tpu.memory_space<vmem>> -> memref<128xi32, #tpu.memory_space<vmem>>
    %dma_wait3A_436 = arith.constant 0 : i32
    %dma_wait3A_437 = arith.constant 0 : i32
    %dma_wait3A_438 = tpu.memref_slice %arg3[%dma_wait3A_436, %dma_wait3A_437] : memref<100000x64xf32, #tpu.memory_space<hbm>> -> memref<100000x64xf32, #tpu.memory_space<hbm>>
    tpu.wait_indirect_dma semaphore(%arg11 : memref<!tpu.dma_semaphore, #tpu.memory_space<semaphore_mem>>) src(%dma_wait3A_438 : memref<100000x64xf32, #tpu.memory_space<hbm>>) dst(%dma_wait3A_433 : memref<128x64xf32, #tpu.memory_space<vmem>>)
    %add3A_439 = arith.constant 2304 : i32
    %add3A_440 = arith.addi %mul3A_2, %add3A_439 : i32
    %dma_start3A_441 = arith.constant 0 : i32
    %dma_start3A_442 = tpu.memref_slice %arg4[%add3A_440, %dma_start3A_441] : memref<204800x128xf32, #tpu.memory_space<hbm>> -> memref<256x64xf32, #tpu.memory_space<hbm>>
    %dma_start3A_443 = arith.constant 0 : i32
    %dma_start3A_444 = tpu.memref_slice %arg4[%add3A_440, %dma_start3A_443] : memref<204800x128xf32, #tpu.memory_space<hbm>> -> memref<256x64xf32, #tpu.memory_space<hbm>>
    tpu.enqueue_dma source(%arg7 : memref<256x64xf32, #tpu.memory_space<vmem>>) target(%dma_start3A_444 : memref<256x64xf32, #tpu.memory_space<hbm>>) target_semaphore(%arg15 : memref<!tpu.dma_semaphore, #tpu.memory_space<semaphore_mem>>)
    %dma_wait3A_445 = arith.constant 0 : i32
    %dma_wait3A_446 = tpu.memref_slice %arg4[%add3A_398, %dma_wait3A_445] : memref<204800x128xf32, #tpu.memory_space<hbm>> -> memref<256x64xf32, #tpu.memory_space<hbm>>
    %dma_wait3A_447 = arith.constant 0 : i32
    %dma_wait3A_448 = tpu.memref_slice %arg4[%add3A_398, %dma_wait3A_447] : memref<204800x128xf32, #tpu.memory_space<hbm>> -> memref<256x64xf32, #tpu.memory_space<hbm>>
    tpu.wait_dma2 semaphore(%arg14 : memref<!tpu.dma_semaphore, #tpu.memory_space<semaphore_mem>>) src(%arg6 : memref<256x64xf32, #tpu.memory_space<vmem>>) dst(%dma_wait3A_448 : memref<256x64xf32, #tpu.memory_space<hbm>>)
    %dma_start3A_449 = arith.constant 0 : i32
    %dma_start3A_450 = arith.constant 0 : i32
    %dma_start3A_451 = tpu.memref_slice %arg6[%dma_start3A_449, %dma_start3A_450] : memref<256x64xf32, #tpu.memory_space<vmem>> -> memref<128x64xf32, #tpu.memory_space<vmem>>
    %dma_start3A_452 = arith.constant 3072 : i32
    %dma_start3A_453 = tpu.memref_slice %arg5[%dma_start3A_452] : memref<6400xi32, #tpu.memory_space<vmem>> -> memref<128xi32, #tpu.memory_space<vmem>>
    %dma_start3A_454 = arith.constant 0 : i32
    %dma_start3A_455 = arith.constant 0 : i32
    %dma_start3A_456 = tpu.memref_slice %arg3[%dma_start3A_454, %dma_start3A_455] : memref<100000x64xf32, #tpu.memory_space<hbm>> -> memref<100000x64xf32, #tpu.memory_space<hbm>>
    tpu.enqueue_indirect_dma source(%dma_start3A_456 : memref<100000x64xf32, #tpu.memory_space<hbm>>) target(%dma_start3A_451 : memref<128x64xf32, #tpu.memory_space<vmem>>) offsets(%dma_start3A_453 : memref<128xi32, #tpu.memory_space<vmem>>) semaphore(%arg10 : memref<!tpu.dma_semaphore, #tpu.memory_space<semaphore_mem>>)
    %dma_start3A_457 = arith.constant 128 : i32
    %dma_start3A_458 = arith.constant 0 : i32
    %dma_start3A_459 = tpu.memref_slice %arg6[%dma_start3A_457, %dma_start3A_458] : memref<256x64xf32, #tpu.memory_space<vmem>> -> memref<128x64xf32, #tpu.memory_space<vmem>>
    %dma_start3A_460 = arith.constant 3200 : i32
    %dma_start3A_461 = tpu.memref_slice %arg5[%dma_start3A_460] : memref<6400xi32, #tpu.memory_space<vmem>> -> memref<128xi32, #tpu.memory_space<vmem>>
    %dma_start3A_462 = arith.constant 0 : i32
    %dma_start3A_463 = arith.constant 0 : i32
    %dma_start3A_464 = tpu.memref_slice %arg3[%dma_start3A_462, %dma_start3A_463] : memref<100000x64xf32, #tpu.memory_space<hbm>> -> memref<100000x64xf32, #tpu.memory_space<hbm>>
    tpu.enqueue_indirect_dma source(%dma_start3A_464 : memref<100000x64xf32, #tpu.memory_space<hbm>>) target(%dma_start3A_459 : memref<128x64xf32, #tpu.memory_space<vmem>>) offsets(%dma_start3A_461 : memref<128xi32, #tpu.memory_space<vmem>>) semaphore(%arg10 : memref<!tpu.dma_semaphore, #tpu.memory_space<semaphore_mem>>)
    %dma_wait3A_465 = arith.constant 0 : i32
    %dma_wait3A_466 = arith.constant 0 : i32
    %dma_wait3A_467 = tpu.memref_slice %arg8[%dma_wait3A_465, %dma_wait3A_466] : memref<256x64xf32, #tpu.memory_space<vmem>> -> memref<128x64xf32, #tpu.memory_space<vmem>>
    %dma_wait3A_468 = arith.constant 2560 : i32
    %dma_wait3A_469 = tpu.memref_slice %arg5[%dma_wait3A_468] : memref<6400xi32, #tpu.memory_space<vmem>> -> memref<128xi32, #tpu.memory_space<vmem>>
    %dma_wait3A_470 = arith.constant 0 : i32
    %dma_wait3A_471 = arith.constant 0 : i32
    %dma_wait3A_472 = tpu.memref_slice %arg3[%dma_wait3A_470, %dma_wait3A_471] : memref<100000x64xf32, #tpu.memory_space<hbm>> -> memref<100000x64xf32, #tpu.memory_space<hbm>>
    tpu.wait_indirect_dma semaphore(%arg12 : memref<!tpu.dma_semaphore, #tpu.memory_space<semaphore_mem>>) src(%dma_wait3A_472 : memref<100000x64xf32, #tpu.memory_space<hbm>>) dst(%dma_wait3A_467 : memref<128x64xf32, #tpu.memory_space<vmem>>)
    %dma_wait3A_473 = arith.constant 128 : i32
    %dma_wait3A_474 = arith.constant 0 : i32
    %dma_wait3A_475 = tpu.memref_slice %arg8[%dma_wait3A_473, %dma_wait3A_474] : memref<256x64xf32, #tpu.memory_space<vmem>> -> memref<128x64xf32, #tpu.memory_space<vmem>>
    %dma_wait3A_476 = arith.constant 2688 : i32
    %dma_wait3A_477 = tpu.memref_slice %arg5[%dma_wait3A_476] : memref<6400xi32, #tpu.memory_space<vmem>> -> memref<128xi32, #tpu.memory_space<vmem>>
    %dma_wait3A_478 = arith.constant 0 : i32
    %dma_wait3A_479 = arith.constant 0 : i32
    %dma_wait3A_480 = tpu.memref_slice %arg3[%dma_wait3A_478, %dma_wait3A_479] : memref<100000x64xf32, #tpu.memory_space<hbm>> -> memref<100000x64xf32, #tpu.memory_space<hbm>>
    tpu.wait_indirect_dma semaphore(%arg12 : memref<!tpu.dma_semaphore, #tpu.memory_space<semaphore_mem>>) src(%dma_wait3A_480 : memref<100000x64xf32, #tpu.memory_space<hbm>>) dst(%dma_wait3A_475 : memref<128x64xf32, #tpu.memory_space<vmem>>)
    %add3A_481 = arith.constant 2560 : i32
    %add3A_482 = arith.addi %mul3A_2, %add3A_481 : i32
    %dma_start3A_483 = arith.constant 0 : i32
    %dma_start3A_484 = tpu.memref_slice %arg4[%add3A_482, %dma_start3A_483] : memref<204800x128xf32, #tpu.memory_space<hbm>> -> memref<256x64xf32, #tpu.memory_space<hbm>>
    %dma_start3A_485 = arith.constant 0 : i32
    %dma_start3A_486 = tpu.memref_slice %arg4[%add3A_482, %dma_start3A_485] : memref<204800x128xf32, #tpu.memory_space<hbm>> -> memref<256x64xf32, #tpu.memory_space<hbm>>
    tpu.enqueue_dma source(%arg8 : memref<256x64xf32, #tpu.memory_space<vmem>>) target(%dma_start3A_486 : memref<256x64xf32, #tpu.memory_space<hbm>>) target_semaphore(%arg16 : memref<!tpu.dma_semaphore, #tpu.memory_space<semaphore_mem>>)
    %dma_wait3A_487 = arith.constant 0 : i32
    %dma_wait3A_488 = tpu.memref_slice %arg4[%add3A_440, %dma_wait3A_487] : memref<204800x128xf32, #tpu.memory_space<hbm>> -> memref<256x64xf32, #tpu.memory_space<hbm>>
    %dma_wait3A_489 = arith.constant 0 : i32
    %dma_wait3A_490 = tpu.memref_slice %arg4[%add3A_440, %dma_wait3A_489] : memref<204800x128xf32, #tpu.memory_space<hbm>> -> memref<256x64xf32, #tpu.memory_space<hbm>>
    tpu.wait_dma2 semaphore(%arg15 : memref<!tpu.dma_semaphore, #tpu.memory_space<semaphore_mem>>) src(%arg7 : memref<256x64xf32, #tpu.memory_space<vmem>>) dst(%dma_wait3A_490 : memref<256x64xf32, #tpu.memory_space<hbm>>)
    %dma_start3A_491 = arith.constant 0 : i32
    %dma_start3A_492 = arith.constant 0 : i32
    %dma_start3A_493 = tpu.memref_slice %arg7[%dma_start3A_491, %dma_start3A_492] : memref<256x64xf32, #tpu.memory_space<vmem>> -> memref<128x64xf32, #tpu.memory_space<vmem>>
    %dma_start3A_494 = arith.constant 3328 : i32
    %dma_start3A_495 = tpu.memref_slice %arg5[%dma_start3A_494] : memref<6400xi32, #tpu.memory_space<vmem>> -> memref<128xi32, #tpu.memory_space<vmem>>
    %dma_start3A_496 = arith.constant 0 : i32
    %dma_start3A_497 = arith.constant 0 : i32
    %dma_start3A_498 = tpu.memref_slice %arg3[%dma_start3A_496, %dma_start3A_497] : memref<100000x64xf32, #tpu.memory_space<hbm>> -> memref<100000x64xf32, #tpu.memory_space<hbm>>
    tpu.enqueue_indirect_dma source(%dma_start3A_498 : memref<100000x64xf32, #tpu.memory_space<hbm>>) target(%dma_start3A_493 : memref<128x64xf32, #tpu.memory_space<vmem>>) offsets(%dma_start3A_495 : memref<128xi32, #tpu.memory_space<vmem>>) semaphore(%arg11 : memref<!tpu.dma_semaphore, #tpu.memory_space<semaphore_mem>>)
    %dma_start3A_499 = arith.constant 128 : i32
    %dma_start3A_500 = arith.constant 0 : i32
    %dma_start3A_501 = tpu.memref_slice %arg7[%dma_start3A_499, %dma_start3A_500] : memref<256x64xf32, #tpu.memory_space<vmem>> -> memref<128x64xf32, #tpu.memory_space<vmem>>
    %dma_start3A_502 = arith.constant 3456 : i32
    %dma_start3A_503 = tpu.memref_slice %arg5[%dma_start3A_502] : memref<6400xi32, #tpu.memory_space<vmem>> -> memref<128xi32, #tpu.memory_space<vmem>>
    %dma_start3A_504 = arith.constant 0 : i32
    %dma_start3A_505 = arith.constant 0 : i32
    %dma_start3A_506 = tpu.memref_slice %arg3[%dma_start3A_504, %dma_start3A_505] : memref<100000x64xf32, #tpu.memory_space<hbm>> -> memref<100000x64xf32, #tpu.memory_space<hbm>>
    tpu.enqueue_indirect_dma source(%dma_start3A_506 : memref<100000x64xf32, #tpu.memory_space<hbm>>) target(%dma_start3A_501 : memref<128x64xf32, #tpu.memory_space<vmem>>) offsets(%dma_start3A_503 : memref<128xi32, #tpu.memory_space<vmem>>) semaphore(%arg11 : memref<!tpu.dma_semaphore, #tpu.memory_space<semaphore_mem>>)
    %dma_wait3A_507 = arith.constant 0 : i32
    %dma_wait3A_508 = arith.constant 0 : i32
    %dma_wait3A_509 = tpu.memref_slice %arg9[%dma_wait3A_507, %dma_wait3A_508] : memref<256x64xf32, #tpu.memory_space<vmem>> -> memref<128x64xf32, #tpu.memory_space<vmem>>
    %dma_wait3A_510 = arith.constant 2816 : i32
    %dma_wait3A_511 = tpu.memref_slice %arg5[%dma_wait3A_510] : memref<6400xi32, #tpu.memory_space<vmem>> -> memref<128xi32, #tpu.memory_space<vmem>>
    %dma_wait3A_512 = arith.constant 0 : i32
    %dma_wait3A_513 = arith.constant 0 : i32
    %dma_wait3A_514 = tpu.memref_slice %arg3[%dma_wait3A_512, %dma_wait3A_513] : memref<100000x64xf32, #tpu.memory_space<hbm>> -> memref<100000x64xf32, #tpu.memory_space<hbm>>
    tpu.wait_indirect_dma semaphore(%arg13 : memref<!tpu.dma_semaphore, #tpu.memory_space<semaphore_mem>>) src(%dma_wait3A_514 : memref<100000x64xf32, #tpu.memory_space<hbm>>) dst(%dma_wait3A_509 : memref<128x64xf32, #tpu.memory_space<vmem>>)
    %dma_wait3A_515 = arith.constant 128 : i32
    %dma_wait3A_516 = arith.constant 0 : i32
    %dma_wait3A_517 = tpu.memref_slice %arg9[%dma_wait3A_515, %dma_wait3A_516] : memref<256x64xf32, #tpu.memory_space<vmem>> -> memref<128x64xf32, #tpu.memory_space<vmem>>
    %dma_wait3A_518 = arith.constant 2944 : i32
    %dma_wait3A_519 = tpu.memref_slice %arg5[%dma_wait3A_518] : memref<6400xi32, #tpu.memory_space<vmem>> -> memref<128xi32, #tpu.memory_space<vmem>>
    %dma_wait3A_520 = arith.constant 0 : i32
    %dma_wait3A_521 = arith.constant 0 : i32
    %dma_wait3A_522 = tpu.memref_slice %arg3[%dma_wait3A_520, %dma_wait3A_521] : memref<100000x64xf32, #tpu.memory_space<hbm>> -> memref<100000x64xf32, #tpu.memory_space<hbm>>
    tpu.wait_indirect_dma semaphore(%arg13 : memref<!tpu.dma_semaphore, #tpu.memory_space<semaphore_mem>>) src(%dma_wait3A_522 : memref<100000x64xf32, #tpu.memory_space<hbm>>) dst(%dma_wait3A_517 : memref<128x64xf32, #tpu.memory_space<vmem>>)
    %add3A_523 = arith.constant 2816 : i32
    %add3A_524 = arith.addi %mul3A_2, %add3A_523 : i32
    %dma_start3A_525 = arith.constant 0 : i32
    %dma_start3A_526 = tpu.memref_slice %arg4[%add3A_524, %dma_start3A_525] : memref<204800x128xf32, #tpu.memory_space<hbm>> -> memref<256x64xf32, #tpu.memory_space<hbm>>
    %dma_start3A_527 = arith.constant 0 : i32
    %dma_start3A_528 = tpu.memref_slice %arg4[%add3A_524, %dma_start3A_527] : memref<204800x128xf32, #tpu.memory_space<hbm>> -> memref<256x64xf32, #tpu.memory_space<hbm>>
    tpu.enqueue_dma source(%arg9 : memref<256x64xf32, #tpu.memory_space<vmem>>) target(%dma_start3A_528 : memref<256x64xf32, #tpu.memory_space<hbm>>) target_semaphore(%arg17 : memref<!tpu.dma_semaphore, #tpu.memory_space<semaphore_mem>>)
    %dma_wait3A_529 = arith.constant 0 : i32
    %dma_wait3A_530 = tpu.memref_slice %arg4[%add3A_482, %dma_wait3A_529] : memref<204800x128xf32, #tpu.memory_space<hbm>> -> memref<256x64xf32, #tpu.memory_space<hbm>>
    %dma_wait3A_531 = arith.constant 0 : i32
    %dma_wait3A_532 = tpu.memref_slice %arg4[%add3A_482, %dma_wait3A_531] : memref<204800x128xf32, #tpu.memory_space<hbm>> -> memref<256x64xf32, #tpu.memory_space<hbm>>
    tpu.wait_dma2 semaphore(%arg16 : memref<!tpu.dma_semaphore, #tpu.memory_space<semaphore_mem>>) src(%arg8 : memref<256x64xf32, #tpu.memory_space<vmem>>) dst(%dma_wait3A_532 : memref<256x64xf32, #tpu.memory_space<hbm>>)
    %dma_start3A_533 = arith.constant 0 : i32
    %dma_start3A_534 = arith.constant 0 : i32
    %dma_start3A_535 = tpu.memref_slice %arg8[%dma_start3A_533, %dma_start3A_534] : memref<256x64xf32, #tpu.memory_space<vmem>> -> memref<128x64xf32, #tpu.memory_space<vmem>>
    %dma_start3A_536 = arith.constant 3584 : i32
    %dma_start3A_537 = tpu.memref_slice %arg5[%dma_start3A_536] : memref<6400xi32, #tpu.memory_space<vmem>> -> memref<128xi32, #tpu.memory_space<vmem>>
    %dma_start3A_538 = arith.constant 0 : i32
    %dma_start3A_539 = arith.constant 0 : i32
    %dma_start3A_540 = tpu.memref_slice %arg3[%dma_start3A_538, %dma_start3A_539] : memref<100000x64xf32, #tpu.memory_space<hbm>> -> memref<100000x64xf32, #tpu.memory_space<hbm>>
    tpu.enqueue_indirect_dma source(%dma_start3A_540 : memref<100000x64xf32, #tpu.memory_space<hbm>>) target(%dma_start3A_535 : memref<128x64xf32, #tpu.memory_space<vmem>>) offsets(%dma_start3A_537 : memref<128xi32, #tpu.memory_space<vmem>>) semaphore(%arg12 : memref<!tpu.dma_semaphore, #tpu.memory_space<semaphore_mem>>)
    %dma_start3A_541 = arith.constant 128 : i32
    %dma_start3A_542 = arith.constant 0 : i32
    %dma_start3A_543 = tpu.memref_slice %arg8[%dma_start3A_541, %dma_start3A_542] : memref<256x64xf32, #tpu.memory_space<vmem>> -> memref<128x64xf32, #tpu.memory_space<vmem>>
    %dma_start3A_544 = arith.constant 3712 : i32
    %dma_start3A_545 = tpu.memref_slice %arg5[%dma_start3A_544] : memref<6400xi32, #tpu.memory_space<vmem>> -> memref<128xi32, #tpu.memory_space<vmem>>
    %dma_start3A_546 = arith.constant 0 : i32
    %dma_start3A_547 = arith.constant 0 : i32
    %dma_start3A_548 = tpu.memref_slice %arg3[%dma_start3A_546, %dma_start3A_547] : memref<100000x64xf32, #tpu.memory_space<hbm>> -> memref<100000x64xf32, #tpu.memory_space<hbm>>
    tpu.enqueue_indirect_dma source(%dma_start3A_548 : memref<100000x64xf32, #tpu.memory_space<hbm>>) target(%dma_start3A_543 : memref<128x64xf32, #tpu.memory_space<vmem>>) offsets(%dma_start3A_545 : memref<128xi32, #tpu.memory_space<vmem>>) semaphore(%arg12 : memref<!tpu.dma_semaphore, #tpu.memory_space<semaphore_mem>>)
    %dma_wait3A_549 = arith.constant 0 : i32
    %dma_wait3A_550 = arith.constant 0 : i32
    %dma_wait3A_551 = tpu.memref_slice %arg6[%dma_wait3A_549, %dma_wait3A_550] : memref<256x64xf32, #tpu.memory_space<vmem>> -> memref<128x64xf32, #tpu.memory_space<vmem>>
    %dma_wait3A_552 = arith.constant 3072 : i32
    %dma_wait3A_553 = tpu.memref_slice %arg5[%dma_wait3A_552] : memref<6400xi32, #tpu.memory_space<vmem>> -> memref<128xi32, #tpu.memory_space<vmem>>
    %dma_wait3A_554 = arith.constant 0 : i32
    %dma_wait3A_555 = arith.constant 0 : i32
    %dma_wait3A_556 = tpu.memref_slice %arg3[%dma_wait3A_554, %dma_wait3A_555] : memref<100000x64xf32, #tpu.memory_space<hbm>> -> memref<100000x64xf32, #tpu.memory_space<hbm>>
    tpu.wait_indirect_dma semaphore(%arg10 : memref<!tpu.dma_semaphore, #tpu.memory_space<semaphore_mem>>) src(%dma_wait3A_556 : memref<100000x64xf32, #tpu.memory_space<hbm>>) dst(%dma_wait3A_551 : memref<128x64xf32, #tpu.memory_space<vmem>>)
    %dma_wait3A_557 = arith.constant 128 : i32
    %dma_wait3A_558 = arith.constant 0 : i32
    %dma_wait3A_559 = tpu.memref_slice %arg6[%dma_wait3A_557, %dma_wait3A_558] : memref<256x64xf32, #tpu.memory_space<vmem>> -> memref<128x64xf32, #tpu.memory_space<vmem>>
    %dma_wait3A_560 = arith.constant 3200 : i32
    %dma_wait3A_561 = tpu.memref_slice %arg5[%dma_wait3A_560] : memref<6400xi32, #tpu.memory_space<vmem>> -> memref<128xi32, #tpu.memory_space<vmem>>
    %dma_wait3A_562 = arith.constant 0 : i32
    %dma_wait3A_563 = arith.constant 0 : i32
    %dma_wait3A_564 = tpu.memref_slice %arg3[%dma_wait3A_562, %dma_wait3A_563] : memref<100000x64xf32, #tpu.memory_space<hbm>> -> memref<100000x64xf32, #tpu.memory_space<hbm>>
    tpu.wait_indirect_dma semaphore(%arg10 : memref<!tpu.dma_semaphore, #tpu.memory_space<semaphore_mem>>) src(%dma_wait3A_564 : memref<100000x64xf32, #tpu.memory_space<hbm>>) dst(%dma_wait3A_559 : memref<128x64xf32, #tpu.memory_space<vmem>>)
    %add3A_565 = arith.constant 3072 : i32
    %add3A_566 = arith.addi %mul3A_2, %add3A_565 : i32
    %dma_start3A_567 = arith.constant 0 : i32
    %dma_start3A_568 = tpu.memref_slice %arg4[%add3A_566, %dma_start3A_567] : memref<204800x128xf32, #tpu.memory_space<hbm>> -> memref<256x64xf32, #tpu.memory_space<hbm>>
    %dma_start3A_569 = arith.constant 0 : i32
    %dma_start3A_570 = tpu.memref_slice %arg4[%add3A_566, %dma_start3A_569] : memref<204800x128xf32, #tpu.memory_space<hbm>> -> memref<256x64xf32, #tpu.memory_space<hbm>>
    tpu.enqueue_dma source(%arg6 : memref<256x64xf32, #tpu.memory_space<vmem>>) target(%dma_start3A_570 : memref<256x64xf32, #tpu.memory_space<hbm>>) target_semaphore(%arg14 : memref<!tpu.dma_semaphore, #tpu.memory_space<semaphore_mem>>)
    %dma_wait3A_571 = arith.constant 0 : i32
    %dma_wait3A_572 = tpu.memref_slice %arg4[%add3A_524, %dma_wait3A_571] : memref<204800x128xf32, #tpu.memory_space<hbm>> -> memref<256x64xf32, #tpu.memory_space<hbm>>
    %dma_wait3A_573 = arith.constant 0 : i32
    %dma_wait3A_574 = tpu.memref_slice %arg4[%add3A_524, %dma_wait3A_573] : memref<204800x128xf32, #tpu.memory_space<hbm>> -> memref<256x64xf32, #tpu.memory_space<hbm>>
    tpu.wait_dma2 semaphore(%arg17 : memref<!tpu.dma_semaphore, #tpu.memory_space<semaphore_mem>>) src(%arg9 : memref<256x64xf32, #tpu.memory_space<vmem>>) dst(%dma_wait3A_574 : memref<256x64xf32, #tpu.memory_space<hbm>>)
    %dma_start3A_575 = arith.constant 0 : i32
    %dma_start3A_576 = arith.constant 0 : i32
    %dma_start3A_577 = tpu.memref_slice %arg9[%dma_start3A_575, %dma_start3A_576] : memref<256x64xf32, #tpu.memory_space<vmem>> -> memref<128x64xf32, #tpu.memory_space<vmem>>
    %dma_start3A_578 = arith.constant 3840 : i32
    %dma_start3A_579 = tpu.memref_slice %arg5[%dma_start3A_578] : memref<6400xi32, #tpu.memory_space<vmem>> -> memref<128xi32, #tpu.memory_space<vmem>>
    %dma_start3A_580 = arith.constant 0 : i32
    %dma_start3A_581 = arith.constant 0 : i32
    %dma_start3A_582 = tpu.memref_slice %arg3[%dma_start3A_580, %dma_start3A_581] : memref<100000x64xf32, #tpu.memory_space<hbm>> -> memref<100000x64xf32, #tpu.memory_space<hbm>>
    tpu.enqueue_indirect_dma source(%dma_start3A_582 : memref<100000x64xf32, #tpu.memory_space<hbm>>) target(%dma_start3A_577 : memref<128x64xf32, #tpu.memory_space<vmem>>) offsets(%dma_start3A_579 : memref<128xi32, #tpu.memory_space<vmem>>) semaphore(%arg13 : memref<!tpu.dma_semaphore, #tpu.memory_space<semaphore_mem>>)
    %dma_start3A_583 = arith.constant 128 : i32
    %dma_start3A_584 = arith.constant 0 : i32
    %dma_start3A_585 = tpu.memref_slice %arg9[%dma_start3A_583, %dma_start3A_584] : memref<256x64xf32, #tpu.memory_space<vmem>> -> memref<128x64xf32, #tpu.memory_space<vmem>>
    %dma_start3A_586 = arith.constant 3968 : i32
    %dma_start3A_587 = tpu.memref_slice %arg5[%dma_start3A_586] : memref<6400xi32, #tpu.memory_space<vmem>> -> memref<128xi32, #tpu.memory_space<vmem>>
    %dma_start3A_588 = arith.constant 0 : i32
    %dma_start3A_589 = arith.constant 0 : i32
    %dma_start3A_590 = tpu.memref_slice %arg3[%dma_start3A_588, %dma_start3A_589] : memref<100000x64xf32, #tpu.memory_space<hbm>> -> memref<100000x64xf32, #tpu.memory_space<hbm>>
    tpu.enqueue_indirect_dma source(%dma_start3A_590 : memref<100000x64xf32, #tpu.memory_space<hbm>>) target(%dma_start3A_585 : memref<128x64xf32, #tpu.memory_space<vmem>>) offsets(%dma_start3A_587 : memref<128xi32, #tpu.memory_space<vmem>>) semaphore(%arg13 : memref<!tpu.dma_semaphore, #tpu.memory_space<semaphore_mem>>)
    %dma_wait3A_591 = arith.constant 0 : i32
    %dma_wait3A_592 = arith.constant 0 : i32
    %dma_wait3A_593 = tpu.memref_slice %arg7[%dma_wait3A_591, %dma_wait3A_592] : memref<256x64xf32, #tpu.memory_space<vmem>> -> memref<128x64xf32, #tpu.memory_space<vmem>>
    %dma_wait3A_594 = arith.constant 3328 : i32
    %dma_wait3A_595 = tpu.memref_slice %arg5[%dma_wait3A_594] : memref<6400xi32, #tpu.memory_space<vmem>> -> memref<128xi32, #tpu.memory_space<vmem>>
    %dma_wait3A_596 = arith.constant 0 : i32
    %dma_wait3A_597 = arith.constant 0 : i32
    %dma_wait3A_598 = tpu.memref_slice %arg3[%dma_wait3A_596, %dma_wait3A_597] : memref<100000x64xf32, #tpu.memory_space<hbm>> -> memref<100000x64xf32, #tpu.memory_space<hbm>>
    tpu.wait_indirect_dma semaphore(%arg11 : memref<!tpu.dma_semaphore, #tpu.memory_space<semaphore_mem>>) src(%dma_wait3A_598 : memref<100000x64xf32, #tpu.memory_space<hbm>>) dst(%dma_wait3A_593 : memref<128x64xf32, #tpu.memory_space<vmem>>)
    %dma_wait3A_599 = arith.constant 128 : i32
    %dma_wait3A_600 = arith.constant 0 : i32
    %dma_wait3A_601 = tpu.memref_slice %arg7[%dma_wait3A_599, %dma_wait3A_600] : memref<256x64xf32, #tpu.memory_space<vmem>> -> memref<128x64xf32, #tpu.memory_space<vmem>>
    %dma_wait3A_602 = arith.constant 3456 : i32
    %dma_wait3A_603 = tpu.memref_slice %arg5[%dma_wait3A_602] : memref<6400xi32, #tpu.memory_space<vmem>> -> memref<128xi32, #tpu.memory_space<vmem>>
    %dma_wait3A_604 = arith.constant 0 : i32
    %dma_wait3A_605 = arith.constant 0 : i32
    %dma_wait3A_606 = tpu.memref_slice %arg3[%dma_wait3A_604, %dma_wait3A_605] : memref<100000x64xf32, #tpu.memory_space<hbm>> -> memref<100000x64xf32, #tpu.memory_space<hbm>>
    tpu.wait_indirect_dma semaphore(%arg11 : memref<!tpu.dma_semaphore, #tpu.memory_space<semaphore_mem>>) src(%dma_wait3A_606 : memref<100000x64xf32, #tpu.memory_space<hbm>>) dst(%dma_wait3A_601 : memref<128x64xf32, #tpu.memory_space<vmem>>)
    %add3A_607 = arith.constant 3328 : i32
    %add3A_608 = arith.addi %mul3A_2, %add3A_607 : i32
    %dma_start3A_609 = arith.constant 0 : i32
    %dma_start3A_610 = tpu.memref_slice %arg4[%add3A_608, %dma_start3A_609] : memref<204800x128xf32, #tpu.memory_space<hbm>> -> memref<256x64xf32, #tpu.memory_space<hbm>>
    %dma_start3A_611 = arith.constant 0 : i32
    %dma_start3A_612 = tpu.memref_slice %arg4[%add3A_608, %dma_start3A_611] : memref<204800x128xf32, #tpu.memory_space<hbm>> -> memref<256x64xf32, #tpu.memory_space<hbm>>
    tpu.enqueue_dma source(%arg7 : memref<256x64xf32, #tpu.memory_space<vmem>>) target(%dma_start3A_612 : memref<256x64xf32, #tpu.memory_space<hbm>>) target_semaphore(%arg15 : memref<!tpu.dma_semaphore, #tpu.memory_space<semaphore_mem>>)
    %dma_wait3A_613 = arith.constant 0 : i32
    %dma_wait3A_614 = tpu.memref_slice %arg4[%add3A_566, %dma_wait3A_613] : memref<204800x128xf32, #tpu.memory_space<hbm>> -> memref<256x64xf32, #tpu.memory_space<hbm>>
    %dma_wait3A_615 = arith.constant 0 : i32
    %dma_wait3A_616 = tpu.memref_slice %arg4[%add3A_566, %dma_wait3A_615] : memref<204800x128xf32, #tpu.memory_space<hbm>> -> memref<256x64xf32, #tpu.memory_space<hbm>>
    tpu.wait_dma2 semaphore(%arg14 : memref<!tpu.dma_semaphore, #tpu.memory_space<semaphore_mem>>) src(%arg6 : memref<256x64xf32, #tpu.memory_space<vmem>>) dst(%dma_wait3A_616 : memref<256x64xf32, #tpu.memory_space<hbm>>)
    %dma_start3A_617 = arith.constant 0 : i32
    %dma_start3A_618 = arith.constant 0 : i32
    %dma_start3A_619 = tpu.memref_slice %arg6[%dma_start3A_617, %dma_start3A_618] : memref<256x64xf32, #tpu.memory_space<vmem>> -> memref<128x64xf32, #tpu.memory_space<vmem>>
    %dma_start3A_620 = arith.constant 4096 : i32
    %dma_start3A_621 = tpu.memref_slice %arg5[%dma_start3A_620] : memref<6400xi32, #tpu.memory_space<vmem>> -> memref<128xi32, #tpu.memory_space<vmem>>
    %dma_start3A_622 = arith.constant 0 : i32
    %dma_start3A_623 = arith.constant 0 : i32
    %dma_start3A_624 = tpu.memref_slice %arg3[%dma_start3A_622, %dma_start3A_623] : memref<100000x64xf32, #tpu.memory_space<hbm>> -> memref<100000x64xf32, #tpu.memory_space<hbm>>
    tpu.enqueue_indirect_dma source(%dma_start3A_624 : memref<100000x64xf32, #tpu.memory_space<hbm>>) target(%dma_start3A_619 : memref<128x64xf32, #tpu.memory_space<vmem>>) offsets(%dma_start3A_621 : memref<128xi32, #tpu.memory_space<vmem>>) semaphore(%arg10 : memref<!tpu.dma_semaphore, #tpu.memory_space<semaphore_mem>>)
    %dma_start3A_625 = arith.constant 128 : i32
    %dma_start3A_626 = arith.constant 0 : i32
    %dma_start3A_627 = tpu.memref_slice %arg6[%dma_start3A_625, %dma_start3A_626] : memref<256x64xf32, #tpu.memory_space<vmem>> -> memref<128x64xf32, #tpu.memory_space<vmem>>
    %dma_start3A_628 = arith.constant 4224 : i32
    %dma_start3A_629 = tpu.memref_slice %arg5[%dma_start3A_628] : memref<6400xi32, #tpu.memory_space<vmem>> -> memref<128xi32, #tpu.memory_space<vmem>>
    %dma_start3A_630 = arith.constant 0 : i32
    %dma_start3A_631 = arith.constant 0 : i32
    %dma_start3A_632 = tpu.memref_slice %arg3[%dma_start3A_630, %dma_start3A_631] : memref<100000x64xf32, #tpu.memory_space<hbm>> -> memref<100000x64xf32, #tpu.memory_space<hbm>>
    tpu.enqueue_indirect_dma source(%dma_start3A_632 : memref<100000x64xf32, #tpu.memory_space<hbm>>) target(%dma_start3A_627 : memref<128x64xf32, #tpu.memory_space<vmem>>) offsets(%dma_start3A_629 : memref<128xi32, #tpu.memory_space<vmem>>) semaphore(%arg10 : memref<!tpu.dma_semaphore, #tpu.memory_space<semaphore_mem>>)
    %dma_wait3A_633 = arith.constant 0 : i32
    %dma_wait3A_634 = arith.constant 0 : i32
    %dma_wait3A_635 = tpu.memref_slice %arg8[%dma_wait3A_633, %dma_wait3A_634] : memref<256x64xf32, #tpu.memory_space<vmem>> -> memref<128x64xf32, #tpu.memory_space<vmem>>
    %dma_wait3A_636 = arith.constant 3584 : i32
    %dma_wait3A_637 = tpu.memref_slice %arg5[%dma_wait3A_636] : memref<6400xi32, #tpu.memory_space<vmem>> -> memref<128xi32, #tpu.memory_space<vmem>>
    %dma_wait3A_638 = arith.constant 0 : i32
    %dma_wait3A_639 = arith.constant 0 : i32
    %dma_wait3A_640 = tpu.memref_slice %arg3[%dma_wait3A_638, %dma_wait3A_639] : memref<100000x64xf32, #tpu.memory_space<hbm>> -> memref<100000x64xf32, #tpu.memory_space<hbm>>
    tpu.wait_indirect_dma semaphore(%arg12 : memref<!tpu.dma_semaphore, #tpu.memory_space<semaphore_mem>>) src(%dma_wait3A_640 : memref<100000x64xf32, #tpu.memory_space<hbm>>) dst(%dma_wait3A_635 : memref<128x64xf32, #tpu.memory_space<vmem>>)
    %dma_wait3A_641 = arith.constant 128 : i32
    %dma_wait3A_642 = arith.constant 0 : i32
    %dma_wait3A_643 = tpu.memref_slice %arg8[%dma_wait3A_641, %dma_wait3A_642] : memref<256x64xf32, #tpu.memory_space<vmem>> -> memref<128x64xf32, #tpu.memory_space<vmem>>
    %dma_wait3A_644 = arith.constant 3712 : i32
    %dma_wait3A_645 = tpu.memref_slice %arg5[%dma_wait3A_644] : memref<6400xi32, #tpu.memory_space<vmem>> -> memref<128xi32, #tpu.memory_space<vmem>>
    %dma_wait3A_646 = arith.constant 0 : i32
    %dma_wait3A_647 = arith.constant 0 : i32
    %dma_wait3A_648 = tpu.memref_slice %arg3[%dma_wait3A_646, %dma_wait3A_647] : memref<100000x64xf32, #tpu.memory_space<hbm>> -> memref<100000x64xf32, #tpu.memory_space<hbm>>
    tpu.wait_indirect_dma semaphore(%arg12 : memref<!tpu.dma_semaphore, #tpu.memory_space<semaphore_mem>>) src(%dma_wait3A_648 : memref<100000x64xf32, #tpu.memory_space<hbm>>) dst(%dma_wait3A_643 : memref<128x64xf32, #tpu.memory_space<vmem>>)
    %add3A_649 = arith.constant 3584 : i32
    %add3A_650 = arith.addi %mul3A_2, %add3A_649 : i32
    %dma_start3A_651 = arith.constant 0 : i32
    %dma_start3A_652 = tpu.memref_slice %arg4[%add3A_650, %dma_start3A_651] : memref<204800x128xf32, #tpu.memory_space<hbm>> -> memref<256x64xf32, #tpu.memory_space<hbm>>
    %dma_start3A_653 = arith.constant 0 : i32
    %dma_start3A_654 = tpu.memref_slice %arg4[%add3A_650, %dma_start3A_653] : memref<204800x128xf32, #tpu.memory_space<hbm>> -> memref<256x64xf32, #tpu.memory_space<hbm>>
    tpu.enqueue_dma source(%arg8 : memref<256x64xf32, #tpu.memory_space<vmem>>) target(%dma_start3A_654 : memref<256x64xf32, #tpu.memory_space<hbm>>) target_semaphore(%arg16 : memref<!tpu.dma_semaphore, #tpu.memory_space<semaphore_mem>>)
    %dma_wait3A_655 = arith.constant 0 : i32
    %dma_wait3A_656 = tpu.memref_slice %arg4[%add3A_608, %dma_wait3A_655] : memref<204800x128xf32, #tpu.memory_space<hbm>> -> memref<256x64xf32, #tpu.memory_space<hbm>>
    %dma_wait3A_657 = arith.constant 0 : i32
    %dma_wait3A_658 = tpu.memref_slice %arg4[%add3A_608, %dma_wait3A_657] : memref<204800x128xf32, #tpu.memory_space<hbm>> -> memref<256x64xf32, #tpu.memory_space<hbm>>
    tpu.wait_dma2 semaphore(%arg15 : memref<!tpu.dma_semaphore, #tpu.memory_space<semaphore_mem>>) src(%arg7 : memref<256x64xf32, #tpu.memory_space<vmem>>) dst(%dma_wait3A_658 : memref<256x64xf32, #tpu.memory_space<hbm>>)
    %dma_start3A_659 = arith.constant 0 : i32
    %dma_start3A_660 = arith.constant 0 : i32
    %dma_start3A_661 = tpu.memref_slice %arg7[%dma_start3A_659, %dma_start3A_660] : memref<256x64xf32, #tpu.memory_space<vmem>> -> memref<128x64xf32, #tpu.memory_space<vmem>>
    %dma_start3A_662 = arith.constant 4352 : i32
    %dma_start3A_663 = tpu.memref_slice %arg5[%dma_start3A_662] : memref<6400xi32, #tpu.memory_space<vmem>> -> memref<128xi32, #tpu.memory_space<vmem>>
    %dma_start3A_664 = arith.constant 0 : i32
    %dma_start3A_665 = arith.constant 0 : i32
    %dma_start3A_666 = tpu.memref_slice %arg3[%dma_start3A_664, %dma_start3A_665] : memref<100000x64xf32, #tpu.memory_space<hbm>> -> memref<100000x64xf32, #tpu.memory_space<hbm>>
    tpu.enqueue_indirect_dma source(%dma_start3A_666 : memref<100000x64xf32, #tpu.memory_space<hbm>>) target(%dma_start3A_661 : memref<128x64xf32, #tpu.memory_space<vmem>>) offsets(%dma_start3A_663 : memref<128xi32, #tpu.memory_space<vmem>>) semaphore(%arg11 : memref<!tpu.dma_semaphore, #tpu.memory_space<semaphore_mem>>)
    %dma_start3A_667 = arith.constant 128 : i32
    %dma_start3A_668 = arith.constant 0 : i32
    %dma_start3A_669 = tpu.memref_slice %arg7[%dma_start3A_667, %dma_start3A_668] : memref<256x64xf32, #tpu.memory_space<vmem>> -> memref<128x64xf32, #tpu.memory_space<vmem>>
    %dma_start3A_670 = arith.constant 4480 : i32
    %dma_start3A_671 = tpu.memref_slice %arg5[%dma_start3A_670] : memref<6400xi32, #tpu.memory_space<vmem>> -> memref<128xi32, #tpu.memory_space<vmem>>
    %dma_start3A_672 = arith.constant 0 : i32
    %dma_start3A_673 = arith.constant 0 : i32
    %dma_start3A_674 = tpu.memref_slice %arg3[%dma_start3A_672, %dma_start3A_673] : memref<100000x64xf32, #tpu.memory_space<hbm>> -> memref<100000x64xf32, #tpu.memory_space<hbm>>
    tpu.enqueue_indirect_dma source(%dma_start3A_674 : memref<100000x64xf32, #tpu.memory_space<hbm>>) target(%dma_start3A_669 : memref<128x64xf32, #tpu.memory_space<vmem>>) offsets(%dma_start3A_671 : memref<128xi32, #tpu.memory_space<vmem>>) semaphore(%arg11 : memref<!tpu.dma_semaphore, #tpu.memory_space<semaphore_mem>>)
    %dma_wait3A_675 = arith.constant 0 : i32
    %dma_wait3A_676 = arith.constant 0 : i32
    %dma_wait3A_677 = tpu.memref_slice %arg9[%dma_wait3A_675, %dma_wait3A_676] : memref<256x64xf32, #tpu.memory_space<vmem>> -> memref<128x64xf32, #tpu.memory_space<vmem>>
    %dma_wait3A_678 = arith.constant 3840 : i32
    %dma_wait3A_679 = tpu.memref_slice %arg5[%dma_wait3A_678] : memref<6400xi32, #tpu.memory_space<vmem>> -> memref<128xi32, #tpu.memory_space<vmem>>
    %dma_wait3A_680 = arith.constant 0 : i32
    %dma_wait3A_681 = arith.constant 0 : i32
    %dma_wait3A_682 = tpu.memref_slice %arg3[%dma_wait3A_680, %dma_wait3A_681] : memref<100000x64xf32, #tpu.memory_space<hbm>> -> memref<100000x64xf32, #tpu.memory_space<hbm>>
    tpu.wait_indirect_dma semaphore(%arg13 : memref<!tpu.dma_semaphore, #tpu.memory_space<semaphore_mem>>) src(%dma_wait3A_682 : memref<100000x64xf32, #tpu.memory_space<hbm>>) dst(%dma_wait3A_677 : memref<128x64xf32, #tpu.memory_space<vmem>>)
    %dma_wait3A_683 = arith.constant 128 : i32
    %dma_wait3A_684 = arith.constant 0 : i32
    %dma_wait3A_685 = tpu.memref_slice %arg9[%dma_wait3A_683, %dma_wait3A_684] : memref<256x64xf32, #tpu.memory_space<vmem>> -> memref<128x64xf32, #tpu.memory_space<vmem>>
    %dma_wait3A_686 = arith.constant 3968 : i32
    %dma_wait3A_687 = tpu.memref_slice %arg5[%dma_wait3A_686] : memref<6400xi32, #tpu.memory_space<vmem>> -> memref<128xi32, #tpu.memory_space<vmem>>
    %dma_wait3A_688 = arith.constant 0 : i32
    %dma_wait3A_689 = arith.constant 0 : i32
    %dma_wait3A_690 = tpu.memref_slice %arg3[%dma_wait3A_688, %dma_wait3A_689] : memref<100000x64xf32, #tpu.memory_space<hbm>> -> memref<100000x64xf32, #tpu.memory_space<hbm>>
    tpu.wait_indirect_dma semaphore(%arg13 : memref<!tpu.dma_semaphore, #tpu.memory_space<semaphore_mem>>) src(%dma_wait3A_690 : memref<100000x64xf32, #tpu.memory_space<hbm>>) dst(%dma_wait3A_685 : memref<128x64xf32, #tpu.memory_space<vmem>>)
    %add3A_691 = arith.constant 3840 : i32
    %add3A_692 = arith.addi %mul3A_2, %add3A_691 : i32
    %dma_start3A_693 = arith.constant 0 : i32
    %dma_start3A_694 = tpu.memref_slice %arg4[%add3A_692, %dma_start3A_693] : memref<204800x128xf32, #tpu.memory_space<hbm>> -> memref<256x64xf32, #tpu.memory_space<hbm>>
    %dma_start3A_695 = arith.constant 0 : i32
    %dma_start3A_696 = tpu.memref_slice %arg4[%add3A_692, %dma_start3A_695] : memref<204800x128xf32, #tpu.memory_space<hbm>> -> memref<256x64xf32, #tpu.memory_space<hbm>>
    tpu.enqueue_dma source(%arg9 : memref<256x64xf32, #tpu.memory_space<vmem>>) target(%dma_start3A_696 : memref<256x64xf32, #tpu.memory_space<hbm>>) target_semaphore(%arg17 : memref<!tpu.dma_semaphore, #tpu.memory_space<semaphore_mem>>)
    %dma_wait3A_697 = arith.constant 0 : i32
    %dma_wait3A_698 = tpu.memref_slice %arg4[%add3A_650, %dma_wait3A_697] : memref<204800x128xf32, #tpu.memory_space<hbm>> -> memref<256x64xf32, #tpu.memory_space<hbm>>
    %dma_wait3A_699 = arith.constant 0 : i32
    %dma_wait3A_700 = tpu.memref_slice %arg4[%add3A_650, %dma_wait3A_699] : memref<204800x128xf32, #tpu.memory_space<hbm>> -> memref<256x64xf32, #tpu.memory_space<hbm>>
    tpu.wait_dma2 semaphore(%arg16 : memref<!tpu.dma_semaphore, #tpu.memory_space<semaphore_mem>>) src(%arg8 : memref<256x64xf32, #tpu.memory_space<vmem>>) dst(%dma_wait3A_700 : memref<256x64xf32, #tpu.memory_space<hbm>>)
    %dma_start3A_701 = arith.constant 0 : i32
    %dma_start3A_702 = arith.constant 0 : i32
    %dma_start3A_703 = tpu.memref_slice %arg8[%dma_start3A_701, %dma_start3A_702] : memref<256x64xf32, #tpu.memory_space<vmem>> -> memref<128x64xf32, #tpu.memory_space<vmem>>
    %dma_start3A_704 = arith.constant 4608 : i32
    %dma_start3A_705 = tpu.memref_slice %arg5[%dma_start3A_704] : memref<6400xi32, #tpu.memory_space<vmem>> -> memref<128xi32, #tpu.memory_space<vmem>>
    %dma_start3A_706 = arith.constant 0 : i32
    %dma_start3A_707 = arith.constant 0 : i32
    %dma_start3A_708 = tpu.memref_slice %arg3[%dma_start3A_706, %dma_start3A_707] : memref<100000x64xf32, #tpu.memory_space<hbm>> -> memref<100000x64xf32, #tpu.memory_space<hbm>>
    tpu.enqueue_indirect_dma source(%dma_start3A_708 : memref<100000x64xf32, #tpu.memory_space<hbm>>) target(%dma_start3A_703 : memref<128x64xf32, #tpu.memory_space<vmem>>) offsets(%dma_start3A_705 : memref<128xi32, #tpu.memory_space<vmem>>) semaphore(%arg12 : memref<!tpu.dma_semaphore, #tpu.memory_space<semaphore_mem>>)
    %dma_start3A_709 = arith.constant 128 : i32
    %dma_start3A_710 = arith.constant 0 : i32
    %dma_start3A_711 = tpu.memref_slice %arg8[%dma_start3A_709, %dma_start3A_710] : memref<256x64xf32, #tpu.memory_space<vmem>> -> memref<128x64xf32, #tpu.memory_space<vmem>>
    %dma_start3A_712 = arith.constant 4736 : i32
    %dma_start3A_713 = tpu.memref_slice %arg5[%dma_start3A_712] : memref<6400xi32, #tpu.memory_space<vmem>> -> memref<128xi32, #tpu.memory_space<vmem>>
    %dma_start3A_714 = arith.constant 0 : i32
    %dma_start3A_715 = arith.constant 0 : i32
    %dma_start3A_716 = tpu.memref_slice %arg3[%dma_start3A_714, %dma_start3A_715] : memref<100000x64xf32, #tpu.memory_space<hbm>> -> memref<100000x64xf32, #tpu.memory_space<hbm>>
    tpu.enqueue_indirect_dma source(%dma_start3A_716 : memref<100000x64xf32, #tpu.memory_space<hbm>>) target(%dma_start3A_711 : memref<128x64xf32, #tpu.memory_space<vmem>>) offsets(%dma_start3A_713 : memref<128xi32, #tpu.memory_space<vmem>>) semaphore(%arg12 : memref<!tpu.dma_semaphore, #tpu.memory_space<semaphore_mem>>)
    %dma_wait3A_717 = arith.constant 0 : i32
    %dma_wait3A_718 = arith.constant 0 : i32
    %dma_wait3A_719 = tpu.memref_slice %arg6[%dma_wait3A_717, %dma_wait3A_718] : memref<256x64xf32, #tpu.memory_space<vmem>> -> memref<128x64xf32, #tpu.memory_space<vmem>>
    %dma_wait3A_720 = arith.constant 4096 : i32
    %dma_wait3A_721 = tpu.memref_slice %arg5[%dma_wait3A_720] : memref<6400xi32, #tpu.memory_space<vmem>> -> memref<128xi32, #tpu.memory_space<vmem>>
    %dma_wait3A_722 = arith.constant 0 : i32
    %dma_wait3A_723 = arith.constant 0 : i32
    %dma_wait3A_724 = tpu.memref_slice %arg3[%dma_wait3A_722, %dma_wait3A_723] : memref<100000x64xf32, #tpu.memory_space<hbm>> -> memref<100000x64xf32, #tpu.memory_space<hbm>>
    tpu.wait_indirect_dma semaphore(%arg10 : memref<!tpu.dma_semaphore, #tpu.memory_space<semaphore_mem>>) src(%dma_wait3A_724 : memref<100000x64xf32, #tpu.memory_space<hbm>>) dst(%dma_wait3A_719 : memref<128x64xf32, #tpu.memory_space<vmem>>)
    %dma_wait3A_725 = arith.constant 128 : i32
    %dma_wait3A_726 = arith.constant 0 : i32
    %dma_wait3A_727 = tpu.memref_slice %arg6[%dma_wait3A_725, %dma_wait3A_726] : memref<256x64xf32, #tpu.memory_space<vmem>> -> memref<128x64xf32, #tpu.memory_space<vmem>>
    %dma_wait3A_728 = arith.constant 4224 : i32
    %dma_wait3A_729 = tpu.memref_slice %arg5[%dma_wait3A_728] : memref<6400xi32, #tpu.memory_space<vmem>> -> memref<128xi32, #tpu.memory_space<vmem>>
    %dma_wait3A_730 = arith.constant 0 : i32
    %dma_wait3A_731 = arith.constant 0 : i32
    %dma_wait3A_732 = tpu.memref_slice %arg3[%dma_wait3A_730, %dma_wait3A_731] : memref<100000x64xf32, #tpu.memory_space<hbm>> -> memref<100000x64xf32, #tpu.memory_space<hbm>>
    tpu.wait_indirect_dma semaphore(%arg10 : memref<!tpu.dma_semaphore, #tpu.memory_space<semaphore_mem>>) src(%dma_wait3A_732 : memref<100000x64xf32, #tpu.memory_space<hbm>>) dst(%dma_wait3A_727 : memref<128x64xf32, #tpu.memory_space<vmem>>)
    %add3A_733 = arith.constant 4096 : i32
    %add3A_734 = arith.addi %mul3A_2, %add3A_733 : i32
    %dma_start3A_735 = arith.constant 0 : i32
    %dma_start3A_736 = tpu.memref_slice %arg4[%add3A_734, %dma_start3A_735] : memref<204800x128xf32, #tpu.memory_space<hbm>> -> memref<256x64xf32, #tpu.memory_space<hbm>>
    %dma_start3A_737 = arith.constant 0 : i32
    %dma_start3A_738 = tpu.memref_slice %arg4[%add3A_734, %dma_start3A_737] : memref<204800x128xf32, #tpu.memory_space<hbm>> -> memref<256x64xf32, #tpu.memory_space<hbm>>
    tpu.enqueue_dma source(%arg6 : memref<256x64xf32, #tpu.memory_space<vmem>>) target(%dma_start3A_738 : memref<256x64xf32, #tpu.memory_space<hbm>>) target_semaphore(%arg14 : memref<!tpu.dma_semaphore, #tpu.memory_space<semaphore_mem>>)
    %dma_wait3A_739 = arith.constant 0 : i32
    %dma_wait3A_740 = tpu.memref_slice %arg4[%add3A_692, %dma_wait3A_739] : memref<204800x128xf32, #tpu.memory_space<hbm>> -> memref<256x64xf32, #tpu.memory_space<hbm>>
    %dma_wait3A_741 = arith.constant 0 : i32
    %dma_wait3A_742 = tpu.memref_slice %arg4[%add3A_692, %dma_wait3A_741] : memref<204800x128xf32, #tpu.memory_space<hbm>> -> memref<256x64xf32, #tpu.memory_space<hbm>>
    tpu.wait_dma2 semaphore(%arg17 : memref<!tpu.dma_semaphore, #tpu.memory_space<semaphore_mem>>) src(%arg9 : memref<256x64xf32, #tpu.memory_space<vmem>>) dst(%dma_wait3A_742 : memref<256x64xf32, #tpu.memory_space<hbm>>)
    %dma_start3A_743 = arith.constant 0 : i32
    %dma_start3A_744 = arith.constant 0 : i32
    %dma_start3A_745 = tpu.memref_slice %arg9[%dma_start3A_743, %dma_start3A_744] : memref<256x64xf32, #tpu.memory_space<vmem>> -> memref<128x64xf32, #tpu.memory_space<vmem>>
    %dma_start3A_746 = arith.constant 4864 : i32
    %dma_start3A_747 = tpu.memref_slice %arg5[%dma_start3A_746] : memref<6400xi32, #tpu.memory_space<vmem>> -> memref<128xi32, #tpu.memory_space<vmem>>
    %dma_start3A_748 = arith.constant 0 : i32
    %dma_start3A_749 = arith.constant 0 : i32
    %dma_start3A_750 = tpu.memref_slice %arg3[%dma_start3A_748, %dma_start3A_749] : memref<100000x64xf32, #tpu.memory_space<hbm>> -> memref<100000x64xf32, #tpu.memory_space<hbm>>
    tpu.enqueue_indirect_dma source(%dma_start3A_750 : memref<100000x64xf32, #tpu.memory_space<hbm>>) target(%dma_start3A_745 : memref<128x64xf32, #tpu.memory_space<vmem>>) offsets(%dma_start3A_747 : memref<128xi32, #tpu.memory_space<vmem>>) semaphore(%arg13 : memref<!tpu.dma_semaphore, #tpu.memory_space<semaphore_mem>>)
    %dma_start3A_751 = arith.constant 128 : i32
    %dma_start3A_752 = arith.constant 0 : i32
    %dma_start3A_753 = tpu.memref_slice %arg9[%dma_start3A_751, %dma_start3A_752] : memref<256x64xf32, #tpu.memory_space<vmem>> -> memref<128x64xf32, #tpu.memory_space<vmem>>
    %dma_start3A_754 = arith.constant 4992 : i32
    %dma_start3A_755 = tpu.memref_slice %arg5[%dma_start3A_754] : memref<6400xi32, #tpu.memory_space<vmem>> -> memref<128xi32, #tpu.memory_space<vmem>>
    %dma_start3A_756 = arith.constant 0 : i32
    %dma_start3A_757 = arith.constant 0 : i32
    %dma_start3A_758 = tpu.memref_slice %arg3[%dma_start3A_756, %dma_start3A_757] : memref<100000x64xf32, #tpu.memory_space<hbm>> -> memref<100000x64xf32, #tpu.memory_space<hbm>>
    tpu.enqueue_indirect_dma source(%dma_start3A_758 : memref<100000x64xf32, #tpu.memory_space<hbm>>) target(%dma_start3A_753 : memref<128x64xf32, #tpu.memory_space<vmem>>) offsets(%dma_start3A_755 : memref<128xi32, #tpu.memory_space<vmem>>) semaphore(%arg13 : memref<!tpu.dma_semaphore, #tpu.memory_space<semaphore_mem>>)
    %dma_wait3A_759 = arith.constant 0 : i32
    %dma_wait3A_760 = arith.constant 0 : i32
    %dma_wait3A_761 = tpu.memref_slice %arg7[%dma_wait3A_759, %dma_wait3A_760] : memref<256x64xf32, #tpu.memory_space<vmem>> -> memref<128x64xf32, #tpu.memory_space<vmem>>
    %dma_wait3A_762 = arith.constant 4352 : i32
    %dma_wait3A_763 = tpu.memref_slice %arg5[%dma_wait3A_762] : memref<6400xi32, #tpu.memory_space<vmem>> -> memref<128xi32, #tpu.memory_space<vmem>>
    %dma_wait3A_764 = arith.constant 0 : i32
    %dma_wait3A_765 = arith.constant 0 : i32
    %dma_wait3A_766 = tpu.memref_slice %arg3[%dma_wait3A_764, %dma_wait3A_765] : memref<100000x64xf32, #tpu.memory_space<hbm>> -> memref<100000x64xf32, #tpu.memory_space<hbm>>
    tpu.wait_indirect_dma semaphore(%arg11 : memref<!tpu.dma_semaphore, #tpu.memory_space<semaphore_mem>>) src(%dma_wait3A_766 : memref<100000x64xf32, #tpu.memory_space<hbm>>) dst(%dma_wait3A_761 : memref<128x64xf32, #tpu.memory_space<vmem>>)
    %dma_wait3A_767 = arith.constant 128 : i32
    %dma_wait3A_768 = arith.constant 0 : i32
    %dma_wait3A_769 = tpu.memref_slice %arg7[%dma_wait3A_767, %dma_wait3A_768] : memref<256x64xf32, #tpu.memory_space<vmem>> -> memref<128x64xf32, #tpu.memory_space<vmem>>
    %dma_wait3A_770 = arith.constant 4480 : i32
    %dma_wait3A_771 = tpu.memref_slice %arg5[%dma_wait3A_770] : memref<6400xi32, #tpu.memory_space<vmem>> -> memref<128xi32, #tpu.memory_space<vmem>>
    %dma_wait3A_772 = arith.constant 0 : i32
    %dma_wait3A_773 = arith.constant 0 : i32
    %dma_wait3A_774 = tpu.memref_slice %arg3[%dma_wait3A_772, %dma_wait3A_773] : memref<100000x64xf32, #tpu.memory_space<hbm>> -> memref<100000x64xf32, #tpu.memory_space<hbm>>
    tpu.wait_indirect_dma semaphore(%arg11 : memref<!tpu.dma_semaphore, #tpu.memory_space<semaphore_mem>>) src(%dma_wait3A_774 : memref<100000x64xf32, #tpu.memory_space<hbm>>) dst(%dma_wait3A_769 : memref<128x64xf32, #tpu.memory_space<vmem>>)
    %add3A_775 = arith.constant 4352 : i32
    %add3A_776 = arith.addi %mul3A_2, %add3A_775 : i32
    %dma_start3A_777 = arith.constant 0 : i32
    %dma_start3A_778 = tpu.memref_slice %arg4[%add3A_776, %dma_start3A_777] : memref<204800x128xf32, #tpu.memory_space<hbm>> -> memref<256x64xf32, #tpu.memory_space<hbm>>
    %dma_start3A_779 = arith.constant 0 : i32
    %dma_start3A_780 = tpu.memref_slice %arg4[%add3A_776, %dma_start3A_779] : memref<204800x128xf32, #tpu.memory_space<hbm>> -> memref<256x64xf32, #tpu.memory_space<hbm>>
    tpu.enqueue_dma source(%arg7 : memref<256x64xf32, #tpu.memory_space<vmem>>) target(%dma_start3A_780 : memref<256x64xf32, #tpu.memory_space<hbm>>) target_semaphore(%arg15 : memref<!tpu.dma_semaphore, #tpu.memory_space<semaphore_mem>>)
    %dma_wait3A_781 = arith.constant 0 : i32
    %dma_wait3A_782 = tpu.memref_slice %arg4[%add3A_734, %dma_wait3A_781] : memref<204800x128xf32, #tpu.memory_space<hbm>> -> memref<256x64xf32, #tpu.memory_space<hbm>>
    %dma_wait3A_783 = arith.constant 0 : i32
    %dma_wait3A_784 = tpu.memref_slice %arg4[%add3A_734, %dma_wait3A_783] : memref<204800x128xf32, #tpu.memory_space<hbm>> -> memref<256x64xf32, #tpu.memory_space<hbm>>
    tpu.wait_dma2 semaphore(%arg14 : memref<!tpu.dma_semaphore, #tpu.memory_space<semaphore_mem>>) src(%arg6 : memref<256x64xf32, #tpu.memory_space<vmem>>) dst(%dma_wait3A_784 : memref<256x64xf32, #tpu.memory_space<hbm>>)
    %dma_start3A_785 = arith.constant 0 : i32
    %dma_start3A_786 = arith.constant 0 : i32
    %dma_start3A_787 = tpu.memref_slice %arg6[%dma_start3A_785, %dma_start3A_786] : memref<256x64xf32, #tpu.memory_space<vmem>> -> memref<128x64xf32, #tpu.memory_space<vmem>>
    %dma_start3A_788 = arith.constant 5120 : i32
    %dma_start3A_789 = tpu.memref_slice %arg5[%dma_start3A_788] : memref<6400xi32, #tpu.memory_space<vmem>> -> memref<128xi32, #tpu.memory_space<vmem>>
    %dma_start3A_790 = arith.constant 0 : i32
    %dma_start3A_791 = arith.constant 0 : i32
    %dma_start3A_792 = tpu.memref_slice %arg3[%dma_start3A_790, %dma_start3A_791] : memref<100000x64xf32, #tpu.memory_space<hbm>> -> memref<100000x64xf32, #tpu.memory_space<hbm>>
    tpu.enqueue_indirect_dma source(%dma_start3A_792 : memref<100000x64xf32, #tpu.memory_space<hbm>>) target(%dma_start3A_787 : memref<128x64xf32, #tpu.memory_space<vmem>>) offsets(%dma_start3A_789 : memref<128xi32, #tpu.memory_space<vmem>>) semaphore(%arg10 : memref<!tpu.dma_semaphore, #tpu.memory_space<semaphore_mem>>)
    %dma_start3A_793 = arith.constant 128 : i32
    %dma_start3A_794 = arith.constant 0 : i32
    %dma_start3A_795 = tpu.memref_slice %arg6[%dma_start3A_793, %dma_start3A_794] : memref<256x64xf32, #tpu.memory_space<vmem>> -> memref<128x64xf32, #tpu.memory_space<vmem>>
    %dma_start3A_796 = arith.constant 5248 : i32
    %dma_start3A_797 = tpu.memref_slice %arg5[%dma_start3A_796] : memref<6400xi32, #tpu.memory_space<vmem>> -> memref<128xi32, #tpu.memory_space<vmem>>
    %dma_start3A_798 = arith.constant 0 : i32
    %dma_start3A_799 = arith.constant 0 : i32
    %dma_start3A_800 = tpu.memref_slice %arg3[%dma_start3A_798, %dma_start3A_799] : memref<100000x64xf32, #tpu.memory_space<hbm>> -> memref<100000x64xf32, #tpu.memory_space<hbm>>
    tpu.enqueue_indirect_dma source(%dma_start3A_800 : memref<100000x64xf32, #tpu.memory_space<hbm>>) target(%dma_start3A_795 : memref<128x64xf32, #tpu.memory_space<vmem>>) offsets(%dma_start3A_797 : memref<128xi32, #tpu.memory_space<vmem>>) semaphore(%arg10 : memref<!tpu.dma_semaphore, #tpu.memory_space<semaphore_mem>>)
    %dma_wait3A_801 = arith.constant 0 : i32
    %dma_wait3A_802 = arith.constant 0 : i32
    %dma_wait3A_803 = tpu.memref_slice %arg8[%dma_wait3A_801, %dma_wait3A_802] : memref<256x64xf32, #tpu.memory_space<vmem>> -> memref<128x64xf32, #tpu.memory_space<vmem>>
    %dma_wait3A_804 = arith.constant 4608 : i32
    %dma_wait3A_805 = tpu.memref_slice %arg5[%dma_wait3A_804] : memref<6400xi32, #tpu.memory_space<vmem>> -> memref<128xi32, #tpu.memory_space<vmem>>
    %dma_wait3A_806 = arith.constant 0 : i32
    %dma_wait3A_807 = arith.constant 0 : i32
    %dma_wait3A_808 = tpu.memref_slice %arg3[%dma_wait3A_806, %dma_wait3A_807] : memref<100000x64xf32, #tpu.memory_space<hbm>> -> memref<100000x64xf32, #tpu.memory_space<hbm>>
    tpu.wait_indirect_dma semaphore(%arg12 : memref<!tpu.dma_semaphore, #tpu.memory_space<semaphore_mem>>) src(%dma_wait3A_808 : memref<100000x64xf32, #tpu.memory_space<hbm>>) dst(%dma_wait3A_803 : memref<128x64xf32, #tpu.memory_space<vmem>>)
    %dma_wait3A_809 = arith.constant 128 : i32
    %dma_wait3A_810 = arith.constant 0 : i32
    %dma_wait3A_811 = tpu.memref_slice %arg8[%dma_wait3A_809, %dma_wait3A_810] : memref<256x64xf32, #tpu.memory_space<vmem>> -> memref<128x64xf32, #tpu.memory_space<vmem>>
    %dma_wait3A_812 = arith.constant 4736 : i32
    %dma_wait3A_813 = tpu.memref_slice %arg5[%dma_wait3A_812] : memref<6400xi32, #tpu.memory_space<vmem>> -> memref<128xi32, #tpu.memory_space<vmem>>
    %dma_wait3A_814 = arith.constant 0 : i32
    %dma_wait3A_815 = arith.constant 0 : i32
    %dma_wait3A_816 = tpu.memref_slice %arg3[%dma_wait3A_814, %dma_wait3A_815] : memref<100000x64xf32, #tpu.memory_space<hbm>> -> memref<100000x64xf32, #tpu.memory_space<hbm>>
    tpu.wait_indirect_dma semaphore(%arg12 : memref<!tpu.dma_semaphore, #tpu.memory_space<semaphore_mem>>) src(%dma_wait3A_816 : memref<100000x64xf32, #tpu.memory_space<hbm>>) dst(%dma_wait3A_811 : memref<128x64xf32, #tpu.memory_space<vmem>>)
    %add3A_817 = arith.constant 4608 : i32
    %add3A_818 = arith.addi %mul3A_2, %add3A_817 : i32
    %dma_start3A_819 = arith.constant 0 : i32
    %dma_start3A_820 = tpu.memref_slice %arg4[%add3A_818, %dma_start3A_819] : memref<204800x128xf32, #tpu.memory_space<hbm>> -> memref<256x64xf32, #tpu.memory_space<hbm>>
    %dma_start3A_821 = arith.constant 0 : i32
    %dma_start3A_822 = tpu.memref_slice %arg4[%add3A_818, %dma_start3A_821] : memref<204800x128xf32, #tpu.memory_space<hbm>> -> memref<256x64xf32, #tpu.memory_space<hbm>>
    tpu.enqueue_dma source(%arg8 : memref<256x64xf32, #tpu.memory_space<vmem>>) target(%dma_start3A_822 : memref<256x64xf32, #tpu.memory_space<hbm>>) target_semaphore(%arg16 : memref<!tpu.dma_semaphore, #tpu.memory_space<semaphore_mem>>)
    %dma_wait3A_823 = arith.constant 0 : i32
    %dma_wait3A_824 = tpu.memref_slice %arg4[%add3A_776, %dma_wait3A_823] : memref<204800x128xf32, #tpu.memory_space<hbm>> -> memref<256x64xf32, #tpu.memory_space<hbm>>
    %dma_wait3A_825 = arith.constant 0 : i32
    %dma_wait3A_826 = tpu.memref_slice %arg4[%add3A_776, %dma_wait3A_825] : memref<204800x128xf32, #tpu.memory_space<hbm>> -> memref<256x64xf32, #tpu.memory_space<hbm>>
    tpu.wait_dma2 semaphore(%arg15 : memref<!tpu.dma_semaphore, #tpu.memory_space<semaphore_mem>>) src(%arg7 : memref<256x64xf32, #tpu.memory_space<vmem>>) dst(%dma_wait3A_826 : memref<256x64xf32, #tpu.memory_space<hbm>>)
    %dma_start3A_827 = arith.constant 0 : i32
    %dma_start3A_828 = arith.constant 0 : i32
    %dma_start3A_829 = tpu.memref_slice %arg7[%dma_start3A_827, %dma_start3A_828] : memref<256x64xf32, #tpu.memory_space<vmem>> -> memref<128x64xf32, #tpu.memory_space<vmem>>
    %dma_start3A_830 = arith.constant 5376 : i32
    %dma_start3A_831 = tpu.memref_slice %arg5[%dma_start3A_830] : memref<6400xi32, #tpu.memory_space<vmem>> -> memref<128xi32, #tpu.memory_space<vmem>>
    %dma_start3A_832 = arith.constant 0 : i32
    %dma_start3A_833 = arith.constant 0 : i32
    %dma_start3A_834 = tpu.memref_slice %arg3[%dma_start3A_832, %dma_start3A_833] : memref<100000x64xf32, #tpu.memory_space<hbm>> -> memref<100000x64xf32, #tpu.memory_space<hbm>>
    tpu.enqueue_indirect_dma source(%dma_start3A_834 : memref<100000x64xf32, #tpu.memory_space<hbm>>) target(%dma_start3A_829 : memref<128x64xf32, #tpu.memory_space<vmem>>) offsets(%dma_start3A_831 : memref<128xi32, #tpu.memory_space<vmem>>) semaphore(%arg11 : memref<!tpu.dma_semaphore, #tpu.memory_space<semaphore_mem>>)
    %dma_start3A_835 = arith.constant 128 : i32
    %dma_start3A_836 = arith.constant 0 : i32
    %dma_start3A_837 = tpu.memref_slice %arg7[%dma_start3A_835, %dma_start3A_836] : memref<256x64xf32, #tpu.memory_space<vmem>> -> memref<128x64xf32, #tpu.memory_space<vmem>>
    %dma_start3A_838 = arith.constant 5504 : i32
    %dma_start3A_839 = tpu.memref_slice %arg5[%dma_start3A_838] : memref<6400xi32, #tpu.memory_space<vmem>> -> memref<128xi32, #tpu.memory_space<vmem>>
    %dma_start3A_840 = arith.constant 0 : i32
    %dma_start3A_841 = arith.constant 0 : i32
    %dma_start3A_842 = tpu.memref_slice %arg3[%dma_start3A_840, %dma_start3A_841] : memref<100000x64xf32, #tpu.memory_space<hbm>> -> memref<100000x64xf32, #tpu.memory_space<hbm>>
    tpu.enqueue_indirect_dma source(%dma_start3A_842 : memref<100000x64xf32, #tpu.memory_space<hbm>>) target(%dma_start3A_837 : memref<128x64xf32, #tpu.memory_space<vmem>>) offsets(%dma_start3A_839 : memref<128xi32, #tpu.memory_space<vmem>>) semaphore(%arg11 : memref<!tpu.dma_semaphore, #tpu.memory_space<semaphore_mem>>)
    %dma_wait3A_843 = arith.constant 0 : i32
    %dma_wait3A_844 = arith.constant 0 : i32
    %dma_wait3A_845 = tpu.memref_slice %arg9[%dma_wait3A_843, %dma_wait3A_844] : memref<256x64xf32, #tpu.memory_space<vmem>> -> memref<128x64xf32, #tpu.memory_space<vmem>>
    %dma_wait3A_846 = arith.constant 4864 : i32
    %dma_wait3A_847 = tpu.memref_slice %arg5[%dma_wait3A_846] : memref<6400xi32, #tpu.memory_space<vmem>> -> memref<128xi32, #tpu.memory_space<vmem>>
    %dma_wait3A_848 = arith.constant 0 : i32
    %dma_wait3A_849 = arith.constant 0 : i32
    %dma_wait3A_850 = tpu.memref_slice %arg3[%dma_wait3A_848, %dma_wait3A_849] : memref<100000x64xf32, #tpu.memory_space<hbm>> -> memref<100000x64xf32, #tpu.memory_space<hbm>>
    tpu.wait_indirect_dma semaphore(%arg13 : memref<!tpu.dma_semaphore, #tpu.memory_space<semaphore_mem>>) src(%dma_wait3A_850 : memref<100000x64xf32, #tpu.memory_space<hbm>>) dst(%dma_wait3A_845 : memref<128x64xf32, #tpu.memory_space<vmem>>)
    %dma_wait3A_851 = arith.constant 128 : i32
    %dma_wait3A_852 = arith.constant 0 : i32
    %dma_wait3A_853 = tpu.memref_slice %arg9[%dma_wait3A_851, %dma_wait3A_852] : memref<256x64xf32, #tpu.memory_space<vmem>> -> memref<128x64xf32, #tpu.memory_space<vmem>>
    %dma_wait3A_854 = arith.constant 4992 : i32
    %dma_wait3A_855 = tpu.memref_slice %arg5[%dma_wait3A_854] : memref<6400xi32, #tpu.memory_space<vmem>> -> memref<128xi32, #tpu.memory_space<vmem>>
    %dma_wait3A_856 = arith.constant 0 : i32
    %dma_wait3A_857 = arith.constant 0 : i32
    %dma_wait3A_858 = tpu.memref_slice %arg3[%dma_wait3A_856, %dma_wait3A_857] : memref<100000x64xf32, #tpu.memory_space<hbm>> -> memref<100000x64xf32, #tpu.memory_space<hbm>>
    tpu.wait_indirect_dma semaphore(%arg13 : memref<!tpu.dma_semaphore, #tpu.memory_space<semaphore_mem>>) src(%dma_wait3A_858 : memref<100000x64xf32, #tpu.memory_space<hbm>>) dst(%dma_wait3A_853 : memref<128x64xf32, #tpu.memory_space<vmem>>)
    %add3A_859 = arith.constant 4864 : i32
    %add3A_860 = arith.addi %mul3A_2, %add3A_859 : i32
    %dma_start3A_861 = arith.constant 0 : i32
    %dma_start3A_862 = tpu.memref_slice %arg4[%add3A_860, %dma_start3A_861] : memref<204800x128xf32, #tpu.memory_space<hbm>> -> memref<256x64xf32, #tpu.memory_space<hbm>>
    %dma_start3A_863 = arith.constant 0 : i32
    %dma_start3A_864 = tpu.memref_slice %arg4[%add3A_860, %dma_start3A_863] : memref<204800x128xf32, #tpu.memory_space<hbm>> -> memref<256x64xf32, #tpu.memory_space<hbm>>
    tpu.enqueue_dma source(%arg9 : memref<256x64xf32, #tpu.memory_space<vmem>>) target(%dma_start3A_864 : memref<256x64xf32, #tpu.memory_space<hbm>>) target_semaphore(%arg17 : memref<!tpu.dma_semaphore, #tpu.memory_space<semaphore_mem>>)
    %dma_wait3A_865 = arith.constant 0 : i32
    %dma_wait3A_866 = tpu.memref_slice %arg4[%add3A_818, %dma_wait3A_865] : memref<204800x128xf32, #tpu.memory_space<hbm>> -> memref<256x64xf32, #tpu.memory_space<hbm>>
    %dma_wait3A_867 = arith.constant 0 : i32
    %dma_wait3A_868 = tpu.memref_slice %arg4[%add3A_818, %dma_wait3A_867] : memref<204800x128xf32, #tpu.memory_space<hbm>> -> memref<256x64xf32, #tpu.memory_space<hbm>>
    tpu.wait_dma2 semaphore(%arg16 : memref<!tpu.dma_semaphore, #tpu.memory_space<semaphore_mem>>) src(%arg8 : memref<256x64xf32, #tpu.memory_space<vmem>>) dst(%dma_wait3A_868 : memref<256x64xf32, #tpu.memory_space<hbm>>)
    %dma_start3A_869 = arith.constant 0 : i32
    %dma_start3A_870 = arith.constant 0 : i32
    %dma_start3A_871 = tpu.memref_slice %arg8[%dma_start3A_869, %dma_start3A_870] : memref<256x64xf32, #tpu.memory_space<vmem>> -> memref<128x64xf32, #tpu.memory_space<vmem>>
    %dma_start3A_872 = arith.constant 5632 : i32
    %dma_start3A_873 = tpu.memref_slice %arg5[%dma_start3A_872] : memref<6400xi32, #tpu.memory_space<vmem>> -> memref<128xi32, #tpu.memory_space<vmem>>
    %dma_start3A_874 = arith.constant 0 : i32
    %dma_start3A_875 = arith.constant 0 : i32
    %dma_start3A_876 = tpu.memref_slice %arg3[%dma_start3A_874, %dma_start3A_875] : memref<100000x64xf32, #tpu.memory_space<hbm>> -> memref<100000x64xf32, #tpu.memory_space<hbm>>
    tpu.enqueue_indirect_dma source(%dma_start3A_876 : memref<100000x64xf32, #tpu.memory_space<hbm>>) target(%dma_start3A_871 : memref<128x64xf32, #tpu.memory_space<vmem>>) offsets(%dma_start3A_873 : memref<128xi32, #tpu.memory_space<vmem>>) semaphore(%arg12 : memref<!tpu.dma_semaphore, #tpu.memory_space<semaphore_mem>>)
    %dma_start3A_877 = arith.constant 128 : i32
    %dma_start3A_878 = arith.constant 0 : i32
    %dma_start3A_879 = tpu.memref_slice %arg8[%dma_start3A_877, %dma_start3A_878] : memref<256x64xf32, #tpu.memory_space<vmem>> -> memref<128x64xf32, #tpu.memory_space<vmem>>
    %dma_start3A_880 = arith.constant 5760 : i32
    %dma_start3A_881 = tpu.memref_slice %arg5[%dma_start3A_880] : memref<6400xi32, #tpu.memory_space<vmem>> -> memref<128xi32, #tpu.memory_space<vmem>>
    %dma_start3A_882 = arith.constant 0 : i32
    %dma_start3A_883 = arith.constant 0 : i32
    %dma_start3A_884 = tpu.memref_slice %arg3[%dma_start3A_882, %dma_start3A_883] : memref<100000x64xf32, #tpu.memory_space<hbm>> -> memref<100000x64xf32, #tpu.memory_space<hbm>>
    tpu.enqueue_indirect_dma source(%dma_start3A_884 : memref<100000x64xf32, #tpu.memory_space<hbm>>) target(%dma_start3A_879 : memref<128x64xf32, #tpu.memory_space<vmem>>) offsets(%dma_start3A_881 : memref<128xi32, #tpu.memory_space<vmem>>) semaphore(%arg12 : memref<!tpu.dma_semaphore, #tpu.memory_space<semaphore_mem>>)
    %dma_wait3A_885 = arith.constant 0 : i32
    %dma_wait3A_886 = arith.constant 0 : i32
    %dma_wait3A_887 = tpu.memref_slice %arg6[%dma_wait3A_885, %dma_wait3A_886] : memref<256x64xf32, #tpu.memory_space<vmem>> -> memref<128x64xf32, #tpu.memory_space<vmem>>
    %dma_wait3A_888 = arith.constant 5120 : i32
    %dma_wait3A_889 = tpu.memref_slice %arg5[%dma_wait3A_888] : memref<6400xi32, #tpu.memory_space<vmem>> -> memref<128xi32, #tpu.memory_space<vmem>>
    %dma_wait3A_890 = arith.constant 0 : i32
    %dma_wait3A_891 = arith.constant 0 : i32
    %dma_wait3A_892 = tpu.memref_slice %arg3[%dma_wait3A_890, %dma_wait3A_891] : memref<100000x64xf32, #tpu.memory_space<hbm>> -> memref<100000x64xf32, #tpu.memory_space<hbm>>
    tpu.wait_indirect_dma semaphore(%arg10 : memref<!tpu.dma_semaphore, #tpu.memory_space<semaphore_mem>>) src(%dma_wait3A_892 : memref<100000x64xf32, #tpu.memory_space<hbm>>) dst(%dma_wait3A_887 : memref<128x64xf32, #tpu.memory_space<vmem>>)
    %dma_wait3A_893 = arith.constant 128 : i32
    %dma_wait3A_894 = arith.constant 0 : i32
    %dma_wait3A_895 = tpu.memref_slice %arg6[%dma_wait3A_893, %dma_wait3A_894] : memref<256x64xf32, #tpu.memory_space<vmem>> -> memref<128x64xf32, #tpu.memory_space<vmem>>
    %dma_wait3A_896 = arith.constant 5248 : i32
    %dma_wait3A_897 = tpu.memref_slice %arg5[%dma_wait3A_896] : memref<6400xi32, #tpu.memory_space<vmem>> -> memref<128xi32, #tpu.memory_space<vmem>>
    %dma_wait3A_898 = arith.constant 0 : i32
    %dma_wait3A_899 = arith.constant 0 : i32
    %dma_wait3A_900 = tpu.memref_slice %arg3[%dma_wait3A_898, %dma_wait3A_899] : memref<100000x64xf32, #tpu.memory_space<hbm>> -> memref<100000x64xf32, #tpu.memory_space<hbm>>
    tpu.wait_indirect_dma semaphore(%arg10 : memref<!tpu.dma_semaphore, #tpu.memory_space<semaphore_mem>>) src(%dma_wait3A_900 : memref<100000x64xf32, #tpu.memory_space<hbm>>) dst(%dma_wait3A_895 : memref<128x64xf32, #tpu.memory_space<vmem>>)
    %add3A_901 = arith.constant 5120 : i32
    %add3A_902 = arith.addi %mul3A_2, %add3A_901 : i32
    %dma_start3A_903 = arith.constant 0 : i32
    %dma_start3A_904 = tpu.memref_slice %arg4[%add3A_902, %dma_start3A_903] : memref<204800x128xf32, #tpu.memory_space<hbm>> -> memref<256x64xf32, #tpu.memory_space<hbm>>
    %dma_start3A_905 = arith.constant 0 : i32
    %dma_start3A_906 = tpu.memref_slice %arg4[%add3A_902, %dma_start3A_905] : memref<204800x128xf32, #tpu.memory_space<hbm>> -> memref<256x64xf32, #tpu.memory_space<hbm>>
    tpu.enqueue_dma source(%arg6 : memref<256x64xf32, #tpu.memory_space<vmem>>) target(%dma_start3A_906 : memref<256x64xf32, #tpu.memory_space<hbm>>) target_semaphore(%arg14 : memref<!tpu.dma_semaphore, #tpu.memory_space<semaphore_mem>>)
    %dma_wait3A_907 = arith.constant 0 : i32
    %dma_wait3A_908 = tpu.memref_slice %arg4[%add3A_860, %dma_wait3A_907] : memref<204800x128xf32, #tpu.memory_space<hbm>> -> memref<256x64xf32, #tpu.memory_space<hbm>>
    %dma_wait3A_909 = arith.constant 0 : i32
    %dma_wait3A_910 = tpu.memref_slice %arg4[%add3A_860, %dma_wait3A_909] : memref<204800x128xf32, #tpu.memory_space<hbm>> -> memref<256x64xf32, #tpu.memory_space<hbm>>
    tpu.wait_dma2 semaphore(%arg17 : memref<!tpu.dma_semaphore, #tpu.memory_space<semaphore_mem>>) src(%arg9 : memref<256x64xf32, #tpu.memory_space<vmem>>) dst(%dma_wait3A_910 : memref<256x64xf32, #tpu.memory_space<hbm>>)
    %dma_start3A_911 = arith.constant 0 : i32
    %dma_start3A_912 = arith.constant 0 : i32
    %dma_start3A_913 = tpu.memref_slice %arg9[%dma_start3A_911, %dma_start3A_912] : memref<256x64xf32, #tpu.memory_space<vmem>> -> memref<128x64xf32, #tpu.memory_space<vmem>>
    %dma_start3A_914 = arith.constant 5888 : i32
    %dma_start3A_915 = tpu.memref_slice %arg5[%dma_start3A_914] : memref<6400xi32, #tpu.memory_space<vmem>> -> memref<128xi32, #tpu.memory_space<vmem>>
    %dma_start3A_916 = arith.constant 0 : i32
    %dma_start3A_917 = arith.constant 0 : i32
    %dma_start3A_918 = tpu.memref_slice %arg3[%dma_start3A_916, %dma_start3A_917] : memref<100000x64xf32, #tpu.memory_space<hbm>> -> memref<100000x64xf32, #tpu.memory_space<hbm>>
    tpu.enqueue_indirect_dma source(%dma_start3A_918 : memref<100000x64xf32, #tpu.memory_space<hbm>>) target(%dma_start3A_913 : memref<128x64xf32, #tpu.memory_space<vmem>>) offsets(%dma_start3A_915 : memref<128xi32, #tpu.memory_space<vmem>>) semaphore(%arg13 : memref<!tpu.dma_semaphore, #tpu.memory_space<semaphore_mem>>)
    %dma_start3A_919 = arith.constant 128 : i32
    %dma_start3A_920 = arith.constant 0 : i32
    %dma_start3A_921 = tpu.memref_slice %arg9[%dma_start3A_919, %dma_start3A_920] : memref<256x64xf32, #tpu.memory_space<vmem>> -> memref<128x64xf32, #tpu.memory_space<vmem>>
    %dma_start3A_922 = arith.constant 6016 : i32
    %dma_start3A_923 = tpu.memref_slice %arg5[%dma_start3A_922] : memref<6400xi32, #tpu.memory_space<vmem>> -> memref<128xi32, #tpu.memory_space<vmem>>
    %dma_start3A_924 = arith.constant 0 : i32
    %dma_start3A_925 = arith.constant 0 : i32
    %dma_start3A_926 = tpu.memref_slice %arg3[%dma_start3A_924, %dma_start3A_925] : memref<100000x64xf32, #tpu.memory_space<hbm>> -> memref<100000x64xf32, #tpu.memory_space<hbm>>
    tpu.enqueue_indirect_dma source(%dma_start3A_926 : memref<100000x64xf32, #tpu.memory_space<hbm>>) target(%dma_start3A_921 : memref<128x64xf32, #tpu.memory_space<vmem>>) offsets(%dma_start3A_923 : memref<128xi32, #tpu.memory_space<vmem>>) semaphore(%arg13 : memref<!tpu.dma_semaphore, #tpu.memory_space<semaphore_mem>>)
    %dma_wait3A_927 = arith.constant 0 : i32
    %dma_wait3A_928 = arith.constant 0 : i32
    %dma_wait3A_929 = tpu.memref_slice %arg7[%dma_wait3A_927, %dma_wait3A_928] : memref<256x64xf32, #tpu.memory_space<vmem>> -> memref<128x64xf32, #tpu.memory_space<vmem>>
    %dma_wait3A_930 = arith.constant 5376 : i32
    %dma_wait3A_931 = tpu.memref_slice %arg5[%dma_wait3A_930] : memref<6400xi32, #tpu.memory_space<vmem>> -> memref<128xi32, #tpu.memory_space<vmem>>
    %dma_wait3A_932 = arith.constant 0 : i32
    %dma_wait3A_933 = arith.constant 0 : i32
    %dma_wait3A_934 = tpu.memref_slice %arg3[%dma_wait3A_932, %dma_wait3A_933] : memref<100000x64xf32, #tpu.memory_space<hbm>> -> memref<100000x64xf32, #tpu.memory_space<hbm>>
    tpu.wait_indirect_dma semaphore(%arg11 : memref<!tpu.dma_semaphore, #tpu.memory_space<semaphore_mem>>) src(%dma_wait3A_934 : memref<100000x64xf32, #tpu.memory_space<hbm>>) dst(%dma_wait3A_929 : memref<128x64xf32, #tpu.memory_space<vmem>>)
    %dma_wait3A_935 = arith.constant 128 : i32
    %dma_wait3A_936 = arith.constant 0 : i32
    %dma_wait3A_937 = tpu.memref_slice %arg7[%dma_wait3A_935, %dma_wait3A_936] : memref<256x64xf32, #tpu.memory_space<vmem>> -> memref<128x64xf32, #tpu.memory_space<vmem>>
    %dma_wait3A_938 = arith.constant 5504 : i32
    %dma_wait3A_939 = tpu.memref_slice %arg5[%dma_wait3A_938] : memref<6400xi32, #tpu.memory_space<vmem>> -> memref<128xi32, #tpu.memory_space<vmem>>
    %dma_wait3A_940 = arith.constant 0 : i32
    %dma_wait3A_941 = arith.constant 0 : i32
    %dma_wait3A_942 = tpu.memref_slice %arg3[%dma_wait3A_940, %dma_wait3A_941] : memref<100000x64xf32, #tpu.memory_space<hbm>> -> memref<100000x64xf32, #tpu.memory_space<hbm>>
    tpu.wait_indirect_dma semaphore(%arg11 : memref<!tpu.dma_semaphore, #tpu.memory_space<semaphore_mem>>) src(%dma_wait3A_942 : memref<100000x64xf32, #tpu.memory_space<hbm>>) dst(%dma_wait3A_937 : memref<128x64xf32, #tpu.memory_space<vmem>>)
    %add3A_943 = arith.constant 5376 : i32
    %add3A_944 = arith.addi %mul3A_2, %add3A_943 : i32
    %dma_start3A_945 = arith.constant 0 : i32
    %dma_start3A_946 = tpu.memref_slice %arg4[%add3A_944, %dma_start3A_945] : memref<204800x128xf32, #tpu.memory_space<hbm>> -> memref<256x64xf32, #tpu.memory_space<hbm>>
    %dma_start3A_947 = arith.constant 0 : i32
    %dma_start3A_948 = tpu.memref_slice %arg4[%add3A_944, %dma_start3A_947] : memref<204800x128xf32, #tpu.memory_space<hbm>> -> memref<256x64xf32, #tpu.memory_space<hbm>>
    tpu.enqueue_dma source(%arg7 : memref<256x64xf32, #tpu.memory_space<vmem>>) target(%dma_start3A_948 : memref<256x64xf32, #tpu.memory_space<hbm>>) target_semaphore(%arg15 : memref<!tpu.dma_semaphore, #tpu.memory_space<semaphore_mem>>)
    %dma_wait3A_949 = arith.constant 0 : i32
    %dma_wait3A_950 = tpu.memref_slice %arg4[%add3A_902, %dma_wait3A_949] : memref<204800x128xf32, #tpu.memory_space<hbm>> -> memref<256x64xf32, #tpu.memory_space<hbm>>
    %dma_wait3A_951 = arith.constant 0 : i32
    %dma_wait3A_952 = tpu.memref_slice %arg4[%add3A_902, %dma_wait3A_951] : memref<204800x128xf32, #tpu.memory_space<hbm>> -> memref<256x64xf32, #tpu.memory_space<hbm>>
    tpu.wait_dma2 semaphore(%arg14 : memref<!tpu.dma_semaphore, #tpu.memory_space<semaphore_mem>>) src(%arg6 : memref<256x64xf32, #tpu.memory_space<vmem>>) dst(%dma_wait3A_952 : memref<256x64xf32, #tpu.memory_space<hbm>>)
    %dma_start3A_953 = arith.constant 0 : i32
    %dma_start3A_954 = arith.constant 0 : i32
    %dma_start3A_955 = tpu.memref_slice %arg6[%dma_start3A_953, %dma_start3A_954] : memref<256x64xf32, #tpu.memory_space<vmem>> -> memref<128x64xf32, #tpu.memory_space<vmem>>
    %dma_start3A_956 = arith.constant 6144 : i32
    %dma_start3A_957 = tpu.memref_slice %arg5[%dma_start3A_956] : memref<6400xi32, #tpu.memory_space<vmem>> -> memref<128xi32, #tpu.memory_space<vmem>>
    %dma_start3A_958 = arith.constant 0 : i32
    %dma_start3A_959 = arith.constant 0 : i32
    %dma_start3A_960 = tpu.memref_slice %arg3[%dma_start3A_958, %dma_start3A_959] : memref<100000x64xf32, #tpu.memory_space<hbm>> -> memref<100000x64xf32, #tpu.memory_space<hbm>>
    tpu.enqueue_indirect_dma source(%dma_start3A_960 : memref<100000x64xf32, #tpu.memory_space<hbm>>) target(%dma_start3A_955 : memref<128x64xf32, #tpu.memory_space<vmem>>) offsets(%dma_start3A_957 : memref<128xi32, #tpu.memory_space<vmem>>) semaphore(%arg10 : memref<!tpu.dma_semaphore, #tpu.memory_space<semaphore_mem>>)
    %dma_start3A_961 = arith.constant 128 : i32
    %dma_start3A_962 = arith.constant 0 : i32
    %dma_start3A_963 = tpu.memref_slice %arg6[%dma_start3A_961, %dma_start3A_962] : memref<256x64xf32, #tpu.memory_space<vmem>> -> memref<128x64xf32, #tpu.memory_space<vmem>>
    %dma_start3A_964 = arith.constant 6272 : i32
    %dma_start3A_965 = tpu.memref_slice %arg5[%dma_start3A_964] : memref<6400xi32, #tpu.memory_space<vmem>> -> memref<128xi32, #tpu.memory_space<vmem>>
    %dma_start3A_966 = arith.constant 0 : i32
    %dma_start3A_967 = arith.constant 0 : i32
    %dma_start3A_968 = tpu.memref_slice %arg3[%dma_start3A_966, %dma_start3A_967] : memref<100000x64xf32, #tpu.memory_space<hbm>> -> memref<100000x64xf32, #tpu.memory_space<hbm>>
    tpu.enqueue_indirect_dma source(%dma_start3A_968 : memref<100000x64xf32, #tpu.memory_space<hbm>>) target(%dma_start3A_963 : memref<128x64xf32, #tpu.memory_space<vmem>>) offsets(%dma_start3A_965 : memref<128xi32, #tpu.memory_space<vmem>>) semaphore(%arg10 : memref<!tpu.dma_semaphore, #tpu.memory_space<semaphore_mem>>)
    %dma_wait3A_969 = arith.constant 0 : i32
    %dma_wait3A_970 = arith.constant 0 : i32
    %dma_wait3A_971 = tpu.memref_slice %arg8[%dma_wait3A_969, %dma_wait3A_970] : memref<256x64xf32, #tpu.memory_space<vmem>> -> memref<128x64xf32, #tpu.memory_space<vmem>>
    %dma_wait3A_972 = arith.constant 5632 : i32
    %dma_wait3A_973 = tpu.memref_slice %arg5[%dma_wait3A_972] : memref<6400xi32, #tpu.memory_space<vmem>> -> memref<128xi32, #tpu.memory_space<vmem>>
    %dma_wait3A_974 = arith.constant 0 : i32
    %dma_wait3A_975 = arith.constant 0 : i32
    %dma_wait3A_976 = tpu.memref_slice %arg3[%dma_wait3A_974, %dma_wait3A_975] : memref<100000x64xf32, #tpu.memory_space<hbm>> -> memref<100000x64xf32, #tpu.memory_space<hbm>>
    tpu.wait_indirect_dma semaphore(%arg12 : memref<!tpu.dma_semaphore, #tpu.memory_space<semaphore_mem>>) src(%dma_wait3A_976 : memref<100000x64xf32, #tpu.memory_space<hbm>>) dst(%dma_wait3A_971 : memref<128x64xf32, #tpu.memory_space<vmem>>)
    %dma_wait3A_977 = arith.constant 128 : i32
    %dma_wait3A_978 = arith.constant 0 : i32
    %dma_wait3A_979 = tpu.memref_slice %arg8[%dma_wait3A_977, %dma_wait3A_978] : memref<256x64xf32, #tpu.memory_space<vmem>> -> memref<128x64xf32, #tpu.memory_space<vmem>>
    %dma_wait3A_980 = arith.constant 5760 : i32
    %dma_wait3A_981 = tpu.memref_slice %arg5[%dma_wait3A_980] : memref<6400xi32, #tpu.memory_space<vmem>> -> memref<128xi32, #tpu.memory_space<vmem>>
    %dma_wait3A_982 = arith.constant 0 : i32
    %dma_wait3A_983 = arith.constant 0 : i32
    %dma_wait3A_984 = tpu.memref_slice %arg3[%dma_wait3A_982, %dma_wait3A_983] : memref<100000x64xf32, #tpu.memory_space<hbm>> -> memref<100000x64xf32, #tpu.memory_space<hbm>>
    tpu.wait_indirect_dma semaphore(%arg12 : memref<!tpu.dma_semaphore, #tpu.memory_space<semaphore_mem>>) src(%dma_wait3A_984 : memref<100000x64xf32, #tpu.memory_space<hbm>>) dst(%dma_wait3A_979 : memref<128x64xf32, #tpu.memory_space<vmem>>)
    %add3A_985 = arith.constant 5632 : i32
    %add3A_986 = arith.addi %mul3A_2, %add3A_985 : i32
    %dma_start3A_987 = arith.constant 0 : i32
    %dma_start3A_988 = tpu.memref_slice %arg4[%add3A_986, %dma_start3A_987] : memref<204800x128xf32, #tpu.memory_space<hbm>> -> memref<256x64xf32, #tpu.memory_space<hbm>>
    %dma_start3A_989 = arith.constant 0 : i32
    %dma_start3A_990 = tpu.memref_slice %arg4[%add3A_986, %dma_start3A_989] : memref<204800x128xf32, #tpu.memory_space<hbm>> -> memref<256x64xf32, #tpu.memory_space<hbm>>
    tpu.enqueue_dma source(%arg8 : memref<256x64xf32, #tpu.memory_space<vmem>>) target(%dma_start3A_990 : memref<256x64xf32, #tpu.memory_space<hbm>>) target_semaphore(%arg16 : memref<!tpu.dma_semaphore, #tpu.memory_space<semaphore_mem>>)
    %dma_wait3A_991 = arith.constant 0 : i32
    %dma_wait3A_992 = arith.constant 0 : i32
    %dma_wait3A_993 = tpu.memref_slice %arg9[%dma_wait3A_991, %dma_wait3A_992] : memref<256x64xf32, #tpu.memory_space<vmem>> -> memref<128x64xf32, #tpu.memory_space<vmem>>
    %dma_wait3A_994 = arith.constant 5888 : i32
    %dma_wait3A_995 = tpu.memref_slice %arg5[%dma_wait3A_994] : memref<6400xi32, #tpu.memory_space<vmem>> -> memref<128xi32, #tpu.memory_space<vmem>>
    %dma_wait3A_996 = arith.constant 0 : i32
    %dma_wait3A_997 = arith.constant 0 : i32
    %dma_wait3A_998 = tpu.memref_slice %arg3[%dma_wait3A_996, %dma_wait3A_997] : memref<100000x64xf32, #tpu.memory_space<hbm>> -> memref<100000x64xf32, #tpu.memory_space<hbm>>
    tpu.wait_indirect_dma semaphore(%arg13 : memref<!tpu.dma_semaphore, #tpu.memory_space<semaphore_mem>>) src(%dma_wait3A_998 : memref<100000x64xf32, #tpu.memory_space<hbm>>) dst(%dma_wait3A_993 : memref<128x64xf32, #tpu.memory_space<vmem>>)
    %dma_wait3A_999 = arith.constant 128 : i32
    %dma_wait3A_1000 = arith.constant 0 : i32
    %dma_wait3A_1001 = tpu.memref_slice %arg9[%dma_wait3A_999, %dma_wait3A_1000] : memref<256x64xf32, #tpu.memory_space<vmem>> -> memref<128x64xf32, #tpu.memory_space<vmem>>
    %dma_wait3A_1002 = arith.constant 6016 : i32
    %dma_wait3A_1003 = tpu.memref_slice %arg5[%dma_wait3A_1002] : memref<6400xi32, #tpu.memory_space<vmem>> -> memref<128xi32, #tpu.memory_space<vmem>>
    %dma_wait3A_1004 = arith.constant 0 : i32
    %dma_wait3A_1005 = arith.constant 0 : i32
    %dma_wait3A_1006 = tpu.memref_slice %arg3[%dma_wait3A_1004, %dma_wait3A_1005] : memref<100000x64xf32, #tpu.memory_space<hbm>> -> memref<100000x64xf32, #tpu.memory_space<hbm>>
    tpu.wait_indirect_dma semaphore(%arg13 : memref<!tpu.dma_semaphore, #tpu.memory_space<semaphore_mem>>) src(%dma_wait3A_1006 : memref<100000x64xf32, #tpu.memory_space<hbm>>) dst(%dma_wait3A_1001 : memref<128x64xf32, #tpu.memory_space<vmem>>)
    %add3A_1007 = arith.constant 5888 : i32
    %add3A_1008 = arith.addi %mul3A_2, %add3A_1007 : i32
    %dma_start3A_1009 = arith.constant 0 : i32
    %dma_start3A_1010 = tpu.memref_slice %arg4[%add3A_1008, %dma_start3A_1009] : memref<204800x128xf32, #tpu.memory_space<hbm>> -> memref<256x64xf32, #tpu.memory_space<hbm>>
    %dma_start3A_1011 = arith.constant 0 : i32
    %dma_start3A_1012 = tpu.memref_slice %arg4[%add3A_1008, %dma_start3A_1011] : memref<204800x128xf32, #tpu.memory_space<hbm>> -> memref<256x64xf32, #tpu.memory_space<hbm>>
    tpu.enqueue_dma source(%arg9 : memref<256x64xf32, #tpu.memory_space<vmem>>) target(%dma_start3A_1012 : memref<256x64xf32, #tpu.memory_space<hbm>>) target_semaphore(%arg17 : memref<!tpu.dma_semaphore, #tpu.memory_space<semaphore_mem>>)
    %dma_wait3A_1013 = arith.constant 0 : i32
    %dma_wait3A_1014 = arith.constant 0 : i32
    %dma_wait3A_1015 = tpu.memref_slice %arg6[%dma_wait3A_1013, %dma_wait3A_1014] : memref<256x64xf32, #tpu.memory_space<vmem>> -> memref<128x64xf32, #tpu.memory_space<vmem>>
    %dma_wait3A_1016 = arith.constant 6144 : i32
    %dma_wait3A_1017 = tpu.memref_slice %arg5[%dma_wait3A_1016] : memref<6400xi32, #tpu.memory_space<vmem>> -> memref<128xi32, #tpu.memory_space<vmem>>
    %dma_wait3A_1018 = arith.constant 0 : i32
    %dma_wait3A_1019 = arith.constant 0 : i32
    %dma_wait3A_1020 = tpu.memref_slice %arg3[%dma_wait3A_1018, %dma_wait3A_1019] : memref<100000x64xf32, #tpu.memory_space<hbm>> -> memref<100000x64xf32, #tpu.memory_space<hbm>>
    tpu.wait_indirect_dma semaphore(%arg10 : memref<!tpu.dma_semaphore, #tpu.memory_space<semaphore_mem>>) src(%dma_wait3A_1020 : memref<100000x64xf32, #tpu.memory_space<hbm>>) dst(%dma_wait3A_1015 : memref<128x64xf32, #tpu.memory_space<vmem>>)
    %dma_wait3A_1021 = arith.constant 128 : i32
    %dma_wait3A_1022 = arith.constant 0 : i32
    %dma_wait3A_1023 = tpu.memref_slice %arg6[%dma_wait3A_1021, %dma_wait3A_1022] : memref<256x64xf32, #tpu.memory_space<vmem>> -> memref<128x64xf32, #tpu.memory_space<vmem>>
    %dma_wait3A_1024 = arith.constant 6272 : i32
    %dma_wait3A_1025 = tpu.memref_slice %arg5[%dma_wait3A_1024] : memref<6400xi32, #tpu.memory_space<vmem>> -> memref<128xi32, #tpu.memory_space<vmem>>
    %dma_wait3A_1026 = arith.constant 0 : i32
    %dma_wait3A_1027 = arith.constant 0 : i32
    %dma_wait3A_1028 = tpu.memref_slice %arg3[%dma_wait3A_1026, %dma_wait3A_1027] : memref<100000x64xf32, #tpu.memory_space<hbm>> -> memref<100000x64xf32, #tpu.memory_space<hbm>>
    tpu.wait_indirect_dma semaphore(%arg10 : memref<!tpu.dma_semaphore, #tpu.memory_space<semaphore_mem>>) src(%dma_wait3A_1028 : memref<100000x64xf32, #tpu.memory_space<hbm>>) dst(%dma_wait3A_1023 : memref<128x64xf32, #tpu.memory_space<vmem>>)
    %add3A_1029 = arith.constant 6144 : i32
    %add3A_1030 = arith.addi %mul3A_2, %add3A_1029 : i32
    %dma_start3A_1031 = arith.constant 0 : i32
    %dma_start3A_1032 = tpu.memref_slice %arg4[%add3A_1030, %dma_start3A_1031] : memref<204800x128xf32, #tpu.memory_space<hbm>> -> memref<256x64xf32, #tpu.memory_space<hbm>>
    %dma_start3A_1033 = arith.constant 0 : i32
    %dma_start3A_1034 = tpu.memref_slice %arg4[%add3A_1030, %dma_start3A_1033] : memref<204800x128xf32, #tpu.memory_space<hbm>> -> memref<256x64xf32, #tpu.memory_space<hbm>>
    tpu.enqueue_dma source(%arg6 : memref<256x64xf32, #tpu.memory_space<vmem>>) target(%dma_start3A_1034 : memref<256x64xf32, #tpu.memory_space<hbm>>) target_semaphore(%arg14 : memref<!tpu.dma_semaphore, #tpu.memory_space<semaphore_mem>>)
    %dma_wait3A_1035 = arith.constant 0 : i32
    %dma_wait3A_1036 = tpu.memref_slice %arg4[%add3A_1030, %dma_wait3A_1035] : memref<204800x128xf32, #tpu.memory_space<hbm>> -> memref<256x64xf32, #tpu.memory_space<hbm>>
    %dma_wait3A_1037 = arith.constant 0 : i32
    %dma_wait3A_1038 = tpu.memref_slice %arg4[%add3A_1030, %dma_wait3A_1037] : memref<204800x128xf32, #tpu.memory_space<hbm>> -> memref<256x64xf32, #tpu.memory_space<hbm>>
    tpu.wait_dma2 semaphore(%arg14 : memref<!tpu.dma_semaphore, #tpu.memory_space<semaphore_mem>>) src(%arg6 : memref<256x64xf32, #tpu.memory_space<vmem>>) dst(%dma_wait3A_1038 : memref<256x64xf32, #tpu.memory_space<hbm>>)
    %dma_wait3A_1039 = arith.constant 0 : i32
    %dma_wait3A_1040 = tpu.memref_slice %arg4[%add3A_944, %dma_wait3A_1039] : memref<204800x128xf32, #tpu.memory_space<hbm>> -> memref<256x64xf32, #tpu.memory_space<hbm>>
    %dma_wait3A_1041 = arith.constant 0 : i32
    %dma_wait3A_1042 = tpu.memref_slice %arg4[%add3A_944, %dma_wait3A_1041] : memref<204800x128xf32, #tpu.memory_space<hbm>> -> memref<256x64xf32, #tpu.memory_space<hbm>>
    tpu.wait_dma2 semaphore(%arg15 : memref<!tpu.dma_semaphore, #tpu.memory_space<semaphore_mem>>) src(%arg7 : memref<256x64xf32, #tpu.memory_space<vmem>>) dst(%dma_wait3A_1042 : memref<256x64xf32, #tpu.memory_space<hbm>>)
    %dma_wait3A_1043 = arith.constant 0 : i32
    %dma_wait3A_1044 = tpu.memref_slice %arg4[%add3A_986, %dma_wait3A_1043] : memref<204800x128xf32, #tpu.memory_space<hbm>> -> memref<256x64xf32, #tpu.memory_space<hbm>>
    %dma_wait3A_1045 = arith.constant 0 : i32
    %dma_wait3A_1046 = tpu.memref_slice %arg4[%add3A_986, %dma_wait3A_1045] : memref<204800x128xf32, #tpu.memory_space<hbm>> -> memref<256x64xf32, #tpu.memory_space<hbm>>
    tpu.wait_dma2 semaphore(%arg16 : memref<!tpu.dma_semaphore, #tpu.memory_space<semaphore_mem>>) src(%arg8 : memref<256x64xf32, #tpu.memory_space<vmem>>) dst(%dma_wait3A_1046 : memref<256x64xf32, #tpu.memory_space<hbm>>)
    %dma_wait3A_1047 = arith.constant 0 : i32
    %dma_wait3A_1048 = tpu.memref_slice %arg4[%add3A_1008, %dma_wait3A_1047] : memref<204800x128xf32, #tpu.memory_space<hbm>> -> memref<256x64xf32, #tpu.memory_space<hbm>>
    %dma_wait3A_1049 = arith.constant 0 : i32
    %dma_wait3A_1050 = tpu.memref_slice %arg4[%add3A_1008, %dma_wait3A_1049] : memref<204800x128xf32, #tpu.memory_space<hbm>> -> memref<256x64xf32, #tpu.memory_space<hbm>>
    tpu.wait_dma2 semaphore(%arg17 : memref<!tpu.dma_semaphore, #tpu.memory_space<semaphore_mem>>) src(%arg9 : memref<256x64xf32, #tpu.memory_space<vmem>>) dst(%dma_wait3A_1050 : memref<256x64xf32, #tpu.memory_space<hbm>>)
    return
  }
}

module attributes {stable_mosaic.version = 14 : i64} {
  func.func @body(%arg0: i32, %arg1: memref<1x4096x128xf32, #tpu.memory_space<vmem>>, %arg2: memref<1x8x32x8x128xf32, #tpu.memory_space<vmem>>) attributes {dimension_semantics = [#tpu.dimension_semantics<arbitrary>], iteration_bounds = array<i64: 50>, scalar_prefetch = 0 : i64, scratch_operands = 0 : i64, tpu.core_type = #tpu.core_type<tc>, window_params = [{transform_indices = @transform_0, window_bounds = array<i64: 1, 4096, 128>}, {transform_indices = @transform_1, window_bounds = array<i64: 1, 8, 32, 8, 128>}]} {
    %iota3A = tpu.iota {dimensions = array<i32: 0>} : vector<128x128xi32>
    %iota3A_0 = tpu.iota {dimensions = array<i32: 1>} : vector<128x128xi32>
    %eq3A = arith.cmpi eq, %iota3A, %iota3A_0 : vector<128x128xi32>
    %jit3A = arith.constant 1.000000e+00 : f32
    %jit3A_1 = arith.constant 0.000000e+00 : f32
    %broadcast_in_dim3A = vector.broadcast %jit3A : f32 to vector<128x128xf32>
    %broadcast_in_dim3A_2 = vector.broadcast %jit3A_1 : f32 to vector<128x128xf32>
    %select_n3A = arith.select %eq3A, %broadcast_in_dim3A, %broadcast_in_dim3A_2 : vector<128x128xi1>, vector<128x128xf32>
    %get3A = arith.constant 0 : index
    %get3A_3 = arith.constant 0 : index
    %get3A_4 = arith.constant 0 : index
    %get3A_5 = vector.load %arg1[%get3A, %get3A_3, %get3A_4] : memref<1x4096x128xf32, #tpu.memory_space<vmem>>, vector<1x128x64xf32>
    %get3A_6 = vector.shape_cast %get3A_5 : vector<1x128x64xf32> to vector<128x64xf32>
    %dot_general3A = arith.constant dense<0.000000e+00> : vector<64x128xf32>
    %dot_general3A_7 = tpu.matmul %get3A_6, %select_n3A, %dot_general3A {dimension_numbers = #tpu.dot_dimension_numbers<[0], [0], [1], [1], [0, 1, 1, 1], [], []>, transpose_lhs_hint = false} : vector<128x64xf32>, vector<128x128xf32>, vector<64x128xf32> -> vector<64x128xf32>
    %reshape3A = vector.shape_cast %dot_general3A_7 : vector<64x128xf32> to vector<8x8x128xf32>
    %swap3A = arith.constant 0 : index
    %swap3A_8 = arith.constant 0 : index
    %swap3A_9 = arith.constant 0 : index
    %swap3A_10 = arith.constant 0 : index
    %swap3A_11 = arith.constant 0 : index
    %swap3A_12 = vector.load %arg2[%swap3A, %swap3A_8, %swap3A_9, %swap3A_10, %swap3A_11] : memref<1x8x32x8x128xf32, #tpu.memory_space<vmem>>, vector<1x8x1x8x128xf32>
    %swap3A_13 = vector.shape_cast %swap3A_12 : vector<1x8x1x8x128xf32> to vector<8x8x128xf32>
    %swap3A_14 = vector.shape_cast %reshape3A : vector<8x8x128xf32> to vector<1x8x1x8x128xf32>
    tpu.vector_store %arg2[%swap3A, %swap3A_8, %swap3A_9, %swap3A_10, %swap3A_11], %swap3A_14 {strides = array<i32>} : memref<1x8x32x8x128xf32, #tpu.memory_space<vmem>>, vector<1x8x1x8x128xf32>,
    %get3A_15 = arith.constant 0 : index
    %get3A_16 = arith.constant 128 : index
    %get3A_17 = arith.constant 0 : index
    %get3A_18 = vector.load %arg1[%get3A_15, %get3A_16, %get3A_17] : memref<1x4096x128xf32, #tpu.memory_space<vmem>>, vector<1x128x64xf32>
    %get3A_19 = vector.shape_cast %get3A_18 : vector<1x128x64xf32> to vector<128x64xf32>
    %dot_general3A_20 = arith.constant dense<0.000000e+00> : vector<64x128xf32>
    %dot_general3A_21 = tpu.matmul %get3A_19, %select_n3A, %dot_general3A_20 {dimension_numbers = #tpu.dot_dimension_numbers<[0], [0], [1], [1], [0, 1, 1, 1], [], []>, transpose_lhs_hint = false} : vector<128x64xf32>, vector<128x128xf32>, vector<64x128xf32> -> vector<64x128xf32>
    %reshape3A_22 = vector.shape_cast %dot_general3A_21 : vector<64x128xf32> to vector<8x8x128xf32>
    %swap3A_23 = arith.constant 0 : index
    %swap3A_24 = arith.constant 0 : index
    %swap3A_25 = arith.constant 1 : index
    %swap3A_26 = arith.constant 0 : index
    %swap3A_27 = arith.constant 0 : index
    %swap3A_28 = vector.load %arg2[%swap3A_23, %swap3A_24, %swap3A_25, %swap3A_26, %swap3A_27] : memref<1x8x32x8x128xf32, #tpu.memory_space<vmem>>, vector<1x8x1x8x128xf32>
    %swap3A_29 = vector.shape_cast %swap3A_28 : vector<1x8x1x8x128xf32> to vector<8x8x128xf32>
    %swap3A_30 = vector.shape_cast %reshape3A_22 : vector<8x8x128xf32> to vector<1x8x1x8x128xf32>
    tpu.vector_store %arg2[%swap3A_23, %swap3A_24, %swap3A_25, %swap3A_26, %swap3A_27], %swap3A_30 {strides = array<i32>} : memref<1x8x32x8x128xf32, #tpu.memory_space<vmem>>, vector<1x8x1x8x128xf32>,
    %get3A_31 = arith.constant 0 : index
    %get3A_32 = arith.constant 256 : index
    %get3A_33 = arith.constant 0 : index
    %get3A_34 = vector.load %arg1[%get3A_31, %get3A_32, %get3A_33] : memref<1x4096x128xf32, #tpu.memory_space<vmem>>, vector<1x128x64xf32>
    %get3A_35 = vector.shape_cast %get3A_34 : vector<1x128x64xf32> to vector<128x64xf32>
    %dot_general3A_36 = arith.constant dense<0.000000e+00> : vector<64x128xf32>
    %dot_general3A_37 = tpu.matmul %get3A_35, %select_n3A, %dot_general3A_36 {dimension_numbers = #tpu.dot_dimension_numbers<[0], [0], [1], [1], [0, 1, 1, 1], [], []>, transpose_lhs_hint = false} : vector<128x64xf32>, vector<128x128xf32>, vector<64x128xf32> -> vector<64x128xf32>
    %reshape3A_38 = vector.shape_cast %dot_general3A_37 : vector<64x128xf32> to vector<8x8x128xf32>
    %swap3A_39 = arith.constant 0 : index
    %swap3A_40 = arith.constant 0 : index
    %swap3A_41 = arith.constant 2 : index
    %swap3A_42 = arith.constant 0 : index
    %swap3A_43 = arith.constant 0 : index
    %swap3A_44 = vector.load %arg2[%swap3A_39, %swap3A_40, %swap3A_41, %swap3A_42, %swap3A_43] : memref<1x8x32x8x128xf32, #tpu.memory_space<vmem>>, vector<1x8x1x8x128xf32>
    %swap3A_45 = vector.shape_cast %swap3A_44 : vector<1x8x1x8x128xf32> to vector<8x8x128xf32>
    %swap3A_46 = vector.shape_cast %reshape3A_38 : vector<8x8x128xf32> to vector<1x8x1x8x128xf32>
    tpu.vector_store %arg2[%swap3A_39, %swap3A_40, %swap3A_41, %swap3A_42, %swap3A_43], %swap3A_46 {strides = array<i32>} : memref<1x8x32x8x128xf32, #tpu.memory_space<vmem>>, vector<1x8x1x8x128xf32>,
    %get3A_47 = arith.constant 0 : index
    %get3A_48 = arith.constant 384 : index
    %get3A_49 = arith.constant 0 : index
    %get3A_50 = vector.load %arg1[%get3A_47, %get3A_48, %get3A_49] : memref<1x4096x128xf32, #tpu.memory_space<vmem>>, vector<1x128x64xf32>
    %get3A_51 = vector.shape_cast %get3A_50 : vector<1x128x64xf32> to vector<128x64xf32>
    %dot_general3A_52 = arith.constant dense<0.000000e+00> : vector<64x128xf32>
    %dot_general3A_53 = tpu.matmul %get3A_51, %select_n3A, %dot_general3A_52 {dimension_numbers = #tpu.dot_dimension_numbers<[0], [0], [1], [1], [0, 1, 1, 1], [], []>, transpose_lhs_hint = false} : vector<128x64xf32>, vector<128x128xf32>, vector<64x128xf32> -> vector<64x128xf32>
    %reshape3A_54 = vector.shape_cast %dot_general3A_53 : vector<64x128xf32> to vector<8x8x128xf32>
    %swap3A_55 = arith.constant 0 : index
    %swap3A_56 = arith.constant 0 : index
    %swap3A_57 = arith.constant 3 : index
    %swap3A_58 = arith.constant 0 : index
    %swap3A_59 = arith.constant 0 : index
    %swap3A_60 = vector.load %arg2[%swap3A_55, %swap3A_56, %swap3A_57, %swap3A_58, %swap3A_59] : memref<1x8x32x8x128xf32, #tpu.memory_space<vmem>>, vector<1x8x1x8x128xf32>
    %swap3A_61 = vector.shape_cast %swap3A_60 : vector<1x8x1x8x128xf32> to vector<8x8x128xf32>
    %swap3A_62 = vector.shape_cast %reshape3A_54 : vector<8x8x128xf32> to vector<1x8x1x8x128xf32>
    tpu.vector_store %arg2[%swap3A_55, %swap3A_56, %swap3A_57, %swap3A_58, %swap3A_59], %swap3A_62 {strides = array<i32>} : memref<1x8x32x8x128xf32, #tpu.memory_space<vmem>>, vector<1x8x1x8x128xf32>,
    %get3A_63 = arith.constant 0 : index
    %get3A_64 = arith.constant 512 : index
    %get3A_65 = arith.constant 0 : index
    %get3A_66 = vector.load %arg1[%get3A_63, %get3A_64, %get3A_65] : memref<1x4096x128xf32, #tpu.memory_space<vmem>>, vector<1x128x64xf32>
    %get3A_67 = vector.shape_cast %get3A_66 : vector<1x128x64xf32> to vector<128x64xf32>
    %dot_general3A_68 = arith.constant dense<0.000000e+00> : vector<64x128xf32>
    %dot_general3A_69 = tpu.matmul %get3A_67, %select_n3A, %dot_general3A_68 {dimension_numbers = #tpu.dot_dimension_numbers<[0], [0], [1], [1], [0, 1, 1, 1], [], []>, transpose_lhs_hint = false} : vector<128x64xf32>, vector<128x128xf32>, vector<64x128xf32> -> vector<64x128xf32>
    %reshape3A_70 = vector.shape_cast %dot_general3A_69 : vector<64x128xf32> to vector<8x8x128xf32>
    %swap3A_71 = arith.constant 0 : index
    %swap3A_72 = arith.constant 0 : index
    %swap3A_73 = arith.constant 4 : index
    %swap3A_74 = arith.constant 0 : index
    %swap3A_75 = arith.constant 0 : index
    %swap3A_76 = vector.load %arg2[%swap3A_71, %swap3A_72, %swap3A_73, %swap3A_74, %swap3A_75] : memref<1x8x32x8x128xf32, #tpu.memory_space<vmem>>, vector<1x8x1x8x128xf32>
    %swap3A_77 = vector.shape_cast %swap3A_76 : vector<1x8x1x8x128xf32> to vector<8x8x128xf32>
    %swap3A_78 = vector.shape_cast %reshape3A_70 : vector<8x8x128xf32> to vector<1x8x1x8x128xf32>
    tpu.vector_store %arg2[%swap3A_71, %swap3A_72, %swap3A_73, %swap3A_74, %swap3A_75], %swap3A_78 {strides = array<i32>} : memref<1x8x32x8x128xf32, #tpu.memory_space<vmem>>, vector<1x8x1x8x128xf32>,
    %get3A_79 = arith.constant 0 : index
    %get3A_80 = arith.constant 640 : index
    %get3A_81 = arith.constant 0 : index
    %get3A_82 = vector.load %arg1[%get3A_79, %get3A_80, %get3A_81] : memref<1x4096x128xf32, #tpu.memory_space<vmem>>, vector<1x128x64xf32>
    %get3A_83 = vector.shape_cast %get3A_82 : vector<1x128x64xf32> to vector<128x64xf32>
    %dot_general3A_84 = arith.constant dense<0.000000e+00> : vector<64x128xf32>
    %dot_general3A_85 = tpu.matmul %get3A_83, %select_n3A, %dot_general3A_84 {dimension_numbers = #tpu.dot_dimension_numbers<[0], [0], [1], [1], [0, 1, 1, 1], [], []>, transpose_lhs_hint = false} : vector<128x64xf32>, vector<128x128xf32>, vector<64x128xf32> -> vector<64x128xf32>
    %reshape3A_86 = vector.shape_cast %dot_general3A_85 : vector<64x128xf32> to vector<8x8x128xf32>
    %swap3A_87 = arith.constant 0 : index
    %swap3A_88 = arith.constant 0 : index
    %swap3A_89 = arith.constant 5 : index
    %swap3A_90 = arith.constant 0 : index
    %swap3A_91 = arith.constant 0 : index
    %swap3A_92 = vector.load %arg2[%swap3A_87, %swap3A_88, %swap3A_89, %swap3A_90, %swap3A_91] : memref<1x8x32x8x128xf32, #tpu.memory_space<vmem>>, vector<1x8x1x8x128xf32>
    %swap3A_93 = vector.shape_cast %swap3A_92 : vector<1x8x1x8x128xf32> to vector<8x8x128xf32>
    %swap3A_94 = vector.shape_cast %reshape3A_86 : vector<8x8x128xf32> to vector<1x8x1x8x128xf32>
    tpu.vector_store %arg2[%swap3A_87, %swap3A_88, %swap3A_89, %swap3A_90, %swap3A_91], %swap3A_94 {strides = array<i32>} : memref<1x8x32x8x128xf32, #tpu.memory_space<vmem>>, vector<1x8x1x8x128xf32>,
    %get3A_95 = arith.constant 0 : index
    %get3A_96 = arith.constant 768 : index
    %get3A_97 = arith.constant 0 : index
    %get3A_98 = vector.load %arg1[%get3A_95, %get3A_96, %get3A_97] : memref<1x4096x128xf32, #tpu.memory_space<vmem>>, vector<1x128x64xf32>
    %get3A_99 = vector.shape_cast %get3A_98 : vector<1x128x64xf32> to vector<128x64xf32>
    %dot_general3A_100 = arith.constant dense<0.000000e+00> : vector<64x128xf32>
    %dot_general3A_101 = tpu.matmul %get3A_99, %select_n3A, %dot_general3A_100 {dimension_numbers = #tpu.dot_dimension_numbers<[0], [0], [1], [1], [0, 1, 1, 1], [], []>, transpose_lhs_hint = false} : vector<128x64xf32>, vector<128x128xf32>, vector<64x128xf32> -> vector<64x128xf32>
    %reshape3A_102 = vector.shape_cast %dot_general3A_101 : vector<64x128xf32> to vector<8x8x128xf32>
    %swap3A_103 = arith.constant 0 : index
    %swap3A_104 = arith.constant 0 : index
    %swap3A_105 = arith.constant 6 : index
    %swap3A_106 = arith.constant 0 : index
    %swap3A_107 = arith.constant 0 : index
    %swap3A_108 = vector.load %arg2[%swap3A_103, %swap3A_104, %swap3A_105, %swap3A_106, %swap3A_107] : memref<1x8x32x8x128xf32, #tpu.memory_space<vmem>>, vector<1x8x1x8x128xf32>
    %swap3A_109 = vector.shape_cast %swap3A_108 : vector<1x8x1x8x128xf32> to vector<8x8x128xf32>
    %swap3A_110 = vector.shape_cast %reshape3A_102 : vector<8x8x128xf32> to vector<1x8x1x8x128xf32>
    tpu.vector_store %arg2[%swap3A_103, %swap3A_104, %swap3A_105, %swap3A_106, %swap3A_107], %swap3A_110 {strides = array<i32>} : memref<1x8x32x8x128xf32, #tpu.memory_space<vmem>>, vector<1x8x1x8x128xf32>,
    %get3A_111 = arith.constant 0 : index
    %get3A_112 = arith.constant 896 : index
    %get3A_113 = arith.constant 0 : index
    %get3A_114 = vector.load %arg1[%get3A_111, %get3A_112, %get3A_113] : memref<1x4096x128xf32, #tpu.memory_space<vmem>>, vector<1x128x64xf32>
    %get3A_115 = vector.shape_cast %get3A_114 : vector<1x128x64xf32> to vector<128x64xf32>
    %dot_general3A_116 = arith.constant dense<0.000000e+00> : vector<64x128xf32>
    %dot_general3A_117 = tpu.matmul %get3A_115, %select_n3A, %dot_general3A_116 {dimension_numbers = #tpu.dot_dimension_numbers<[0], [0], [1], [1], [0, 1, 1, 1], [], []>, transpose_lhs_hint = false} : vector<128x64xf32>, vector<128x128xf32>, vector<64x128xf32> -> vector<64x128xf32>
    %reshape3A_118 = vector.shape_cast %dot_general3A_117 : vector<64x128xf32> to vector<8x8x128xf32>
    %swap3A_119 = arith.constant 0 : index
    %swap3A_120 = arith.constant 0 : index
    %swap3A_121 = arith.constant 7 : index
    %swap3A_122 = arith.constant 0 : index
    %swap3A_123 = arith.constant 0 : index
    %swap3A_124 = vector.load %arg2[%swap3A_119, %swap3A_120, %swap3A_121, %swap3A_122, %swap3A_123] : memref<1x8x32x8x128xf32, #tpu.memory_space<vmem>>, vector<1x8x1x8x128xf32>
    %swap3A_125 = vector.shape_cast %swap3A_124 : vector<1x8x1x8x128xf32> to vector<8x8x128xf32>
    %swap3A_126 = vector.shape_cast %reshape3A_118 : vector<8x8x128xf32> to vector<1x8x1x8x128xf32>
    tpu.vector_store %arg2[%swap3A_119, %swap3A_120, %swap3A_121, %swap3A_122, %swap3A_123], %swap3A_126 {strides = array<i32>} : memref<1x8x32x8x128xf32, #tpu.memory_space<vmem>>, vector<1x8x1x8x128xf32>,
    %get3A_127 = arith.constant 0 : index
    %get3A_128 = arith.constant 1024 : index
    %get3A_129 = arith.constant 0 : index
    %get3A_130 = vector.load %arg1[%get3A_127, %get3A_128, %get3A_129] : memref<1x4096x128xf32, #tpu.memory_space<vmem>>, vector<1x128x64xf32>
    %get3A_131 = vector.shape_cast %get3A_130 : vector<1x128x64xf32> to vector<128x64xf32>
    %dot_general3A_132 = arith.constant dense<0.000000e+00> : vector<64x128xf32>
    %dot_general3A_133 = tpu.matmul %get3A_131, %select_n3A, %dot_general3A_132 {dimension_numbers = #tpu.dot_dimension_numbers<[0], [0], [1], [1], [0, 1, 1, 1], [], []>, transpose_lhs_hint = false} : vector<128x64xf32>, vector<128x128xf32>, vector<64x128xf32> -> vector<64x128xf32>
    %reshape3A_134 = vector.shape_cast %dot_general3A_133 : vector<64x128xf32> to vector<8x8x128xf32>
    %swap3A_135 = arith.constant 0 : index
    %swap3A_136 = arith.constant 0 : index
    %swap3A_137 = arith.constant 8 : index
    %swap3A_138 = arith.constant 0 : index
    %swap3A_139 = arith.constant 0 : index
    %swap3A_140 = vector.load %arg2[%swap3A_135, %swap3A_136, %swap3A_137, %swap3A_138, %swap3A_139] : memref<1x8x32x8x128xf32, #tpu.memory_space<vmem>>, vector<1x8x1x8x128xf32>
    %swap3A_141 = vector.shape_cast %swap3A_140 : vector<1x8x1x8x128xf32> to vector<8x8x128xf32>
    %swap3A_142 = vector.shape_cast %reshape3A_134 : vector<8x8x128xf32> to vector<1x8x1x8x128xf32>
    tpu.vector_store %arg2[%swap3A_135, %swap3A_136, %swap3A_137, %swap3A_138, %swap3A_139], %swap3A_142 {strides = array<i32>} : memref<1x8x32x8x128xf32, #tpu.memory_space<vmem>>, vector<1x8x1x8x128xf32>,
    %get3A_143 = arith.constant 0 : index
    %get3A_144 = arith.constant 1152 : index
    %get3A_145 = arith.constant 0 : index
    %get3A_146 = vector.load %arg1[%get3A_143, %get3A_144, %get3A_145] : memref<1x4096x128xf32, #tpu.memory_space<vmem>>, vector<1x128x64xf32>
    %get3A_147 = vector.shape_cast %get3A_146 : vector<1x128x64xf32> to vector<128x64xf32>
    %dot_general3A_148 = arith.constant dense<0.000000e+00> : vector<64x128xf32>
    %dot_general3A_149 = tpu.matmul %get3A_147, %select_n3A, %dot_general3A_148 {dimension_numbers = #tpu.dot_dimension_numbers<[0], [0], [1], [1], [0, 1, 1, 1], [], []>, transpose_lhs_hint = false} : vector<128x64xf32>, vector<128x128xf32>, vector<64x128xf32> -> vector<64x128xf32>
    %reshape3A_150 = vector.shape_cast %dot_general3A_149 : vector<64x128xf32> to vector<8x8x128xf32>
    %swap3A_151 = arith.constant 0 : index
    %swap3A_152 = arith.constant 0 : index
    %swap3A_153 = arith.constant 9 : index
    %swap3A_154 = arith.constant 0 : index
    %swap3A_155 = arith.constant 0 : index
    %swap3A_156 = vector.load %arg2[%swap3A_151, %swap3A_152, %swap3A_153, %swap3A_154, %swap3A_155] : memref<1x8x32x8x128xf32, #tpu.memory_space<vmem>>, vector<1x8x1x8x128xf32>
    %swap3A_157 = vector.shape_cast %swap3A_156 : vector<1x8x1x8x128xf32> to vector<8x8x128xf32>
    %swap3A_158 = vector.shape_cast %reshape3A_150 : vector<8x8x128xf32> to vector<1x8x1x8x128xf32>
    tpu.vector_store %arg2[%swap3A_151, %swap3A_152, %swap3A_153, %swap3A_154, %swap3A_155], %swap3A_158 {strides = array<i32>} : memref<1x8x32x8x128xf32, #tpu.memory_space<vmem>>, vector<1x8x1x8x128xf32>,
    %get3A_159 = arith.constant 0 : index
    %get3A_160 = arith.constant 1280 : index
    %get3A_161 = arith.constant 0 : index
    %get3A_162 = vector.load %arg1[%get3A_159, %get3A_160, %get3A_161] : memref<1x4096x128xf32, #tpu.memory_space<vmem>>, vector<1x128x64xf32>
    %get3A_163 = vector.shape_cast %get3A_162 : vector<1x128x64xf32> to vector<128x64xf32>
    %dot_general3A_164 = arith.constant dense<0.000000e+00> : vector<64x128xf32>
    %dot_general3A_165 = tpu.matmul %get3A_163, %select_n3A, %dot_general3A_164 {dimension_numbers = #tpu.dot_dimension_numbers<[0], [0], [1], [1], [0, 1, 1, 1], [], []>, transpose_lhs_hint = false} : vector<128x64xf32>, vector<128x128xf32>, vector<64x128xf32> -> vector<64x128xf32>
    %reshape3A_166 = vector.shape_cast %dot_general3A_165 : vector<64x128xf32> to vector<8x8x128xf32>
    %swap3A_167 = arith.constant 0 : index
    %swap3A_168 = arith.constant 0 : index
    %swap3A_169 = arith.constant 10 : index
    %swap3A_170 = arith.constant 0 : index
    %swap3A_171 = arith.constant 0 : index
    %swap3A_172 = vector.load %arg2[%swap3A_167, %swap3A_168, %swap3A_169, %swap3A_170, %swap3A_171] : memref<1x8x32x8x128xf32, #tpu.memory_space<vmem>>, vector<1x8x1x8x128xf32>
    %swap3A_173 = vector.shape_cast %swap3A_172 : vector<1x8x1x8x128xf32> to vector<8x8x128xf32>
    %swap3A_174 = vector.shape_cast %reshape3A_166 : vector<8x8x128xf32> to vector<1x8x1x8x128xf32>
    tpu.vector_store %arg2[%swap3A_167, %swap3A_168, %swap3A_169, %swap3A_170, %swap3A_171], %swap3A_174 {strides = array<i32>} : memref<1x8x32x8x128xf32, #tpu.memory_space<vmem>>, vector<1x8x1x8x128xf32>,
    %get3A_175 = arith.constant 0 : index
    %get3A_176 = arith.constant 1408 : index
    %get3A_177 = arith.constant 0 : index
    %get3A_178 = vector.load %arg1[%get3A_175, %get3A_176, %get3A_177] : memref<1x4096x128xf32, #tpu.memory_space<vmem>>, vector<1x128x64xf32>
    %get3A_179 = vector.shape_cast %get3A_178 : vector<1x128x64xf32> to vector<128x64xf32>
    %dot_general3A_180 = arith.constant dense<0.000000e+00> : vector<64x128xf32>
    %dot_general3A_181 = tpu.matmul %get3A_179, %select_n3A, %dot_general3A_180 {dimension_numbers = #tpu.dot_dimension_numbers<[0], [0], [1], [1], [0, 1, 1, 1], [], []>, transpose_lhs_hint = false} : vector<128x64xf32>, vector<128x128xf32>, vector<64x128xf32> -> vector<64x128xf32>
    %reshape3A_182 = vector.shape_cast %dot_general3A_181 : vector<64x128xf32> to vector<8x8x128xf32>
    %swap3A_183 = arith.constant 0 : index
    %swap3A_184 = arith.constant 0 : index
    %swap3A_185 = arith.constant 11 : index
    %swap3A_186 = arith.constant 0 : index
    %swap3A_187 = arith.constant 0 : index
    %swap3A_188 = vector.load %arg2[%swap3A_183, %swap3A_184, %swap3A_185, %swap3A_186, %swap3A_187] : memref<1x8x32x8x128xf32, #tpu.memory_space<vmem>>, vector<1x8x1x8x128xf32>
    %swap3A_189 = vector.shape_cast %swap3A_188 : vector<1x8x1x8x128xf32> to vector<8x8x128xf32>
    %swap3A_190 = vector.shape_cast %reshape3A_182 : vector<8x8x128xf32> to vector<1x8x1x8x128xf32>
    tpu.vector_store %arg2[%swap3A_183, %swap3A_184, %swap3A_185, %swap3A_186, %swap3A_187], %swap3A_190 {strides = array<i32>} : memref<1x8x32x8x128xf32, #tpu.memory_space<vmem>>, vector<1x8x1x8x128xf32>,
    %get3A_191 = arith.constant 0 : index
    %get3A_192 = arith.constant 1536 : index
    %get3A_193 = arith.constant 0 : index
    %get3A_194 = vector.load %arg1[%get3A_191, %get3A_192, %get3A_193] : memref<1x4096x128xf32, #tpu.memory_space<vmem>>, vector<1x128x64xf32>
    %get3A_195 = vector.shape_cast %get3A_194 : vector<1x128x64xf32> to vector<128x64xf32>
    %dot_general3A_196 = arith.constant dense<0.000000e+00> : vector<64x128xf32>
    %dot_general3A_197 = tpu.matmul %get3A_195, %select_n3A, %dot_general3A_196 {dimension_numbers = #tpu.dot_dimension_numbers<[0], [0], [1], [1], [0, 1, 1, 1], [], []>, transpose_lhs_hint = false} : vector<128x64xf32>, vector<128x128xf32>, vector<64x128xf32> -> vector<64x128xf32>
    %reshape3A_198 = vector.shape_cast %dot_general3A_197 : vector<64x128xf32> to vector<8x8x128xf32>
    %swap3A_199 = arith.constant 0 : index
    %swap3A_200 = arith.constant 0 : index
    %swap3A_201 = arith.constant 12 : index
    %swap3A_202 = arith.constant 0 : index
    %swap3A_203 = arith.constant 0 : index
    %swap3A_204 = vector.load %arg2[%swap3A_199, %swap3A_200, %swap3A_201, %swap3A_202, %swap3A_203] : memref<1x8x32x8x128xf32, #tpu.memory_space<vmem>>, vector<1x8x1x8x128xf32>
    %swap3A_205 = vector.shape_cast %swap3A_204 : vector<1x8x1x8x128xf32> to vector<8x8x128xf32>
    %swap3A_206 = vector.shape_cast %reshape3A_198 : vector<8x8x128xf32> to vector<1x8x1x8x128xf32>
    tpu.vector_store %arg2[%swap3A_199, %swap3A_200, %swap3A_201, %swap3A_202, %swap3A_203], %swap3A_206 {strides = array<i32>} : memref<1x8x32x8x128xf32, #tpu.memory_space<vmem>>, vector<1x8x1x8x128xf32>,
    %get3A_207 = arith.constant 0 : index
    %get3A_208 = arith.constant 1664 : index
    %get3A_209 = arith.constant 0 : index
    %get3A_210 = vector.load %arg1[%get3A_207, %get3A_208, %get3A_209] : memref<1x4096x128xf32, #tpu.memory_space<vmem>>, vector<1x128x64xf32>
    %get3A_211 = vector.shape_cast %get3A_210 : vector<1x128x64xf32> to vector<128x64xf32>
    %dot_general3A_212 = arith.constant dense<0.000000e+00> : vector<64x128xf32>
    %dot_general3A_213 = tpu.matmul %get3A_211, %select_n3A, %dot_general3A_212 {dimension_numbers = #tpu.dot_dimension_numbers<[0], [0], [1], [1], [0, 1, 1, 1], [], []>, transpose_lhs_hint = false} : vector<128x64xf32>, vector<128x128xf32>, vector<64x128xf32> -> vector<64x128xf32>
    %reshape3A_214 = vector.shape_cast %dot_general3A_213 : vector<64x128xf32> to vector<8x8x128xf32>
    %swap3A_215 = arith.constant 0 : index
    %swap3A_216 = arith.constant 0 : index
    %swap3A_217 = arith.constant 13 : index
    %swap3A_218 = arith.constant 0 : index
    %swap3A_219 = arith.constant 0 : index
    %swap3A_220 = vector.load %arg2[%swap3A_215, %swap3A_216, %swap3A_217, %swap3A_218, %swap3A_219] : memref<1x8x32x8x128xf32, #tpu.memory_space<vmem>>, vector<1x8x1x8x128xf32>
    %swap3A_221 = vector.shape_cast %swap3A_220 : vector<1x8x1x8x128xf32> to vector<8x8x128xf32>
    %swap3A_222 = vector.shape_cast %reshape3A_214 : vector<8x8x128xf32> to vector<1x8x1x8x128xf32>
    tpu.vector_store %arg2[%swap3A_215, %swap3A_216, %swap3A_217, %swap3A_218, %swap3A_219], %swap3A_222 {strides = array<i32>} : memref<1x8x32x8x128xf32, #tpu.memory_space<vmem>>, vector<1x8x1x8x128xf32>,
    %get3A_223 = arith.constant 0 : index
    %get3A_224 = arith.constant 1792 : index
    %get3A_225 = arith.constant 0 : index
    %get3A_226 = vector.load %arg1[%get3A_223, %get3A_224, %get3A_225] : memref<1x4096x128xf32, #tpu.memory_space<vmem>>, vector<1x128x64xf32>
    %get3A_227 = vector.shape_cast %get3A_226 : vector<1x128x64xf32> to vector<128x64xf32>
    %dot_general3A_228 = arith.constant dense<0.000000e+00> : vector<64x128xf32>
    %dot_general3A_229 = tpu.matmul %get3A_227, %select_n3A, %dot_general3A_228 {dimension_numbers = #tpu.dot_dimension_numbers<[0], [0], [1], [1], [0, 1, 1, 1], [], []>, transpose_lhs_hint = false} : vector<128x64xf32>, vector<128x128xf32>, vector<64x128xf32> -> vector<64x128xf32>
    %reshape3A_230 = vector.shape_cast %dot_general3A_229 : vector<64x128xf32> to vector<8x8x128xf32>
    %swap3A_231 = arith.constant 0 : index
    %swap3A_232 = arith.constant 0 : index
    %swap3A_233 = arith.constant 14 : index
    %swap3A_234 = arith.constant 0 : index
    %swap3A_235 = arith.constant 0 : index
    %swap3A_236 = vector.load %arg2[%swap3A_231, %swap3A_232, %swap3A_233, %swap3A_234, %swap3A_235] : memref<1x8x32x8x128xf32, #tpu.memory_space<vmem>>, vector<1x8x1x8x128xf32>
    %swap3A_237 = vector.shape_cast %swap3A_236 : vector<1x8x1x8x128xf32> to vector<8x8x128xf32>
    %swap3A_238 = vector.shape_cast %reshape3A_230 : vector<8x8x128xf32> to vector<1x8x1x8x128xf32>
    tpu.vector_store %arg2[%swap3A_231, %swap3A_232, %swap3A_233, %swap3A_234, %swap3A_235], %swap3A_238 {strides = array<i32>} : memref<1x8x32x8x128xf32, #tpu.memory_space<vmem>>, vector<1x8x1x8x128xf32>,
    %get3A_239 = arith.constant 0 : index
    %get3A_240 = arith.constant 1920 : index
    %get3A_241 = arith.constant 0 : index
    %get3A_242 = vector.load %arg1[%get3A_239, %get3A_240, %get3A_241] : memref<1x4096x128xf32, #tpu.memory_space<vmem>>, vector<1x128x64xf32>
    %get3A_243 = vector.shape_cast %get3A_242 : vector<1x128x64xf32> to vector<128x64xf32>
    %dot_general3A_244 = arith.constant dense<0.000000e+00> : vector<64x128xf32>
    %dot_general3A_245 = tpu.matmul %get3A_243, %select_n3A, %dot_general3A_244 {dimension_numbers = #tpu.dot_dimension_numbers<[0], [0], [1], [1], [0, 1, 1, 1], [], []>, transpose_lhs_hint = false} : vector<128x64xf32>, vector<128x128xf32>, vector<64x128xf32> -> vector<64x128xf32>
    %reshape3A_246 = vector.shape_cast %dot_general3A_245 : vector<64x128xf32> to vector<8x8x128xf32>
    %swap3A_247 = arith.constant 0 : index
    %swap3A_248 = arith.constant 0 : index
    %swap3A_249 = arith.constant 15 : index
    %swap3A_250 = arith.constant 0 : index
    %swap3A_251 = arith.constant 0 : index
    %swap3A_252 = vector.load %arg2[%swap3A_247, %swap3A_248, %swap3A_249, %swap3A_250, %swap3A_251] : memref<1x8x32x8x128xf32, #tpu.memory_space<vmem>>, vector<1x8x1x8x128xf32>
    %swap3A_253 = vector.shape_cast %swap3A_252 : vector<1x8x1x8x128xf32> to vector<8x8x128xf32>
    %swap3A_254 = vector.shape_cast %reshape3A_246 : vector<8x8x128xf32> to vector<1x8x1x8x128xf32>
    tpu.vector_store %arg2[%swap3A_247, %swap3A_248, %swap3A_249, %swap3A_250, %swap3A_251], %swap3A_254 {strides = array<i32>} : memref<1x8x32x8x128xf32, #tpu.memory_space<vmem>>, vector<1x8x1x8x128xf32>,
    %get3A_255 = arith.constant 0 : index
    %get3A_256 = arith.constant 2048 : index
    %get3A_257 = arith.constant 0 : index
    %get3A_258 = vector.load %arg1[%get3A_255, %get3A_256, %get3A_257] : memref<1x4096x128xf32, #tpu.memory_space<vmem>>, vector<1x128x64xf32>
    %get3A_259 = vector.shape_cast %get3A_258 : vector<1x128x64xf32> to vector<128x64xf32>
    %dot_general3A_260 = arith.constant dense<0.000000e+00> : vector<64x128xf32>
    %dot_general3A_261 = tpu.matmul %get3A_259, %select_n3A, %dot_general3A_260 {dimension_numbers = #tpu.dot_dimension_numbers<[0], [0], [1], [1], [0, 1, 1, 1], [], []>, transpose_lhs_hint = false} : vector<128x64xf32>, vector<128x128xf32>, vector<64x128xf32> -> vector<64x128xf32>
    %reshape3A_262 = vector.shape_cast %dot_general3A_261 : vector<64x128xf32> to vector<8x8x128xf32>
    %swap3A_263 = arith.constant 0 : index
    %swap3A_264 = arith.constant 0 : index
    %swap3A_265 = arith.constant 16 : index
    %swap3A_266 = arith.constant 0 : index
    %swap3A_267 = arith.constant 0 : index
    %swap3A_268 = vector.load %arg2[%swap3A_263, %swap3A_264, %swap3A_265, %swap3A_266, %swap3A_267] : memref<1x8x32x8x128xf32, #tpu.memory_space<vmem>>, vector<1x8x1x8x128xf32>
    %swap3A_269 = vector.shape_cast %swap3A_268 : vector<1x8x1x8x128xf32> to vector<8x8x128xf32>
    %swap3A_270 = vector.shape_cast %reshape3A_262 : vector<8x8x128xf32> to vector<1x8x1x8x128xf32>
    tpu.vector_store %arg2[%swap3A_263, %swap3A_264, %swap3A_265, %swap3A_266, %swap3A_267], %swap3A_270 {strides = array<i32>} : memref<1x8x32x8x128xf32, #tpu.memory_space<vmem>>, vector<1x8x1x8x128xf32>,
    %get3A_271 = arith.constant 0 : index
    %get3A_272 = arith.constant 2176 : index
    %get3A_273 = arith.constant 0 : index
    %get3A_274 = vector.load %arg1[%get3A_271, %get3A_272, %get3A_273] : memref<1x4096x128xf32, #tpu.memory_space<vmem>>, vector<1x128x64xf32>
    %get3A_275 = vector.shape_cast %get3A_274 : vector<1x128x64xf32> to vector<128x64xf32>
    %dot_general3A_276 = arith.constant dense<0.000000e+00> : vector<64x128xf32>
    %dot_general3A_277 = tpu.matmul %get3A_275, %select_n3A, %dot_general3A_276 {dimension_numbers = #tpu.dot_dimension_numbers<[0], [0], [1], [1], [0, 1, 1, 1], [], []>, transpose_lhs_hint = false} : vector<128x64xf32>, vector<128x128xf32>, vector<64x128xf32> -> vector<64x128xf32>
    %reshape3A_278 = vector.shape_cast %dot_general3A_277 : vector<64x128xf32> to vector<8x8x128xf32>
    %swap3A_279 = arith.constant 0 : index
    %swap3A_280 = arith.constant 0 : index
    %swap3A_281 = arith.constant 17 : index
    %swap3A_282 = arith.constant 0 : index
    %swap3A_283 = arith.constant 0 : index
    %swap3A_284 = vector.load %arg2[%swap3A_279, %swap3A_280, %swap3A_281, %swap3A_282, %swap3A_283] : memref<1x8x32x8x128xf32, #tpu.memory_space<vmem>>, vector<1x8x1x8x128xf32>
    %swap3A_285 = vector.shape_cast %swap3A_284 : vector<1x8x1x8x128xf32> to vector<8x8x128xf32>
    %swap3A_286 = vector.shape_cast %reshape3A_278 : vector<8x8x128xf32> to vector<1x8x1x8x128xf32>
    tpu.vector_store %arg2[%swap3A_279, %swap3A_280, %swap3A_281, %swap3A_282, %swap3A_283], %swap3A_286 {strides = array<i32>} : memref<1x8x32x8x128xf32, #tpu.memory_space<vmem>>, vector<1x8x1x8x128xf32>,
    %get3A_287 = arith.constant 0 : index
    %get3A_288 = arith.constant 2304 : index
    %get3A_289 = arith.constant 0 : index
    %get3A_290 = vector.load %arg1[%get3A_287, %get3A_288, %get3A_289] : memref<1x4096x128xf32, #tpu.memory_space<vmem>>, vector<1x128x64xf32>
    %get3A_291 = vector.shape_cast %get3A_290 : vector<1x128x64xf32> to vector<128x64xf32>
    %dot_general3A_292 = arith.constant dense<0.000000e+00> : vector<64x128xf32>
    %dot_general3A_293 = tpu.matmul %get3A_291, %select_n3A, %dot_general3A_292 {dimension_numbers = #tpu.dot_dimension_numbers<[0], [0], [1], [1], [0, 1, 1, 1], [], []>, transpose_lhs_hint = false} : vector<128x64xf32>, vector<128x128xf32>, vector<64x128xf32> -> vector<64x128xf32>
    %reshape3A_294 = vector.shape_cast %dot_general3A_293 : vector<64x128xf32> to vector<8x8x128xf32>
    %swap3A_295 = arith.constant 0 : index
    %swap3A_296 = arith.constant 0 : index
    %swap3A_297 = arith.constant 18 : index
    %swap3A_298 = arith.constant 0 : index
    %swap3A_299 = arith.constant 0 : index
    %swap3A_300 = vector.load %arg2[%swap3A_295, %swap3A_296, %swap3A_297, %swap3A_298, %swap3A_299] : memref<1x8x32x8x128xf32, #tpu.memory_space<vmem>>, vector<1x8x1x8x128xf32>
    %swap3A_301 = vector.shape_cast %swap3A_300 : vector<1x8x1x8x128xf32> to vector<8x8x128xf32>
    %swap3A_302 = vector.shape_cast %reshape3A_294 : vector<8x8x128xf32> to vector<1x8x1x8x128xf32>
    tpu.vector_store %arg2[%swap3A_295, %swap3A_296, %swap3A_297, %swap3A_298, %swap3A_299], %swap3A_302 {strides = array<i32>} : memref<1x8x32x8x128xf32, #tpu.memory_space<vmem>>, vector<1x8x1x8x128xf32>,
    %get3A_303 = arith.constant 0 : index
    %get3A_304 = arith.constant 2432 : index
    %get3A_305 = arith.constant 0 : index
    %get3A_306 = vector.load %arg1[%get3A_303, %get3A_304, %get3A_305] : memref<1x4096x128xf32, #tpu.memory_space<vmem>>, vector<1x128x64xf32>
    %get3A_307 = vector.shape_cast %get3A_306 : vector<1x128x64xf32> to vector<128x64xf32>
    %dot_general3A_308 = arith.constant dense<0.000000e+00> : vector<64x128xf32>
    %dot_general3A_309 = tpu.matmul %get3A_307, %select_n3A, %dot_general3A_308 {dimension_numbers = #tpu.dot_dimension_numbers<[0], [0], [1], [1], [0, 1, 1, 1], [], []>, transpose_lhs_hint = false} : vector<128x64xf32>, vector<128x128xf32>, vector<64x128xf32> -> vector<64x128xf32>
    %reshape3A_310 = vector.shape_cast %dot_general3A_309 : vector<64x128xf32> to vector<8x8x128xf32>
    %swap3A_311 = arith.constant 0 : index
    %swap3A_312 = arith.constant 0 : index
    %swap3A_313 = arith.constant 19 : index
    %swap3A_314 = arith.constant 0 : index
    %swap3A_315 = arith.constant 0 : index
    %swap3A_316 = vector.load %arg2[%swap3A_311, %swap3A_312, %swap3A_313, %swap3A_314, %swap3A_315] : memref<1x8x32x8x128xf32, #tpu.memory_space<vmem>>, vector<1x8x1x8x128xf32>
    %swap3A_317 = vector.shape_cast %swap3A_316 : vector<1x8x1x8x128xf32> to vector<8x8x128xf32>
    %swap3A_318 = vector.shape_cast %reshape3A_310 : vector<8x8x128xf32> to vector<1x8x1x8x128xf32>
    tpu.vector_store %arg2[%swap3A_311, %swap3A_312, %swap3A_313, %swap3A_314, %swap3A_315], %swap3A_318 {strides = array<i32>} : memref<1x8x32x8x128xf32, #tpu.memory_space<vmem>>, vector<1x8x1x8x128xf32>,
    %get3A_319 = arith.constant 0 : index
    %get3A_320 = arith.constant 2560 : index
    %get3A_321 = arith.constant 0 : index
    %get3A_322 = vector.load %arg1[%get3A_319, %get3A_320, %get3A_321] : memref<1x4096x128xf32, #tpu.memory_space<vmem>>, vector<1x128x64xf32>
    %get3A_323 = vector.shape_cast %get3A_322 : vector<1x128x64xf32> to vector<128x64xf32>
    %dot_general3A_324 = arith.constant dense<0.000000e+00> : vector<64x128xf32>
    %dot_general3A_325 = tpu.matmul %get3A_323, %select_n3A, %dot_general3A_324 {dimension_numbers = #tpu.dot_dimension_numbers<[0], [0], [1], [1], [0, 1, 1, 1], [], []>, transpose_lhs_hint = false} : vector<128x64xf32>, vector<128x128xf32>, vector<64x128xf32> -> vector<64x128xf32>
    %reshape3A_326 = vector.shape_cast %dot_general3A_325 : vector<64x128xf32> to vector<8x8x128xf32>
    %swap3A_327 = arith.constant 0 : index
    %swap3A_328 = arith.constant 0 : index
    %swap3A_329 = arith.constant 20 : index
    %swap3A_330 = arith.constant 0 : index
    %swap3A_331 = arith.constant 0 : index
    %swap3A_332 = vector.load %arg2[%swap3A_327, %swap3A_328, %swap3A_329, %swap3A_330, %swap3A_331] : memref<1x8x32x8x128xf32, #tpu.memory_space<vmem>>, vector<1x8x1x8x128xf32>
    %swap3A_333 = vector.shape_cast %swap3A_332 : vector<1x8x1x8x128xf32> to vector<8x8x128xf32>
    %swap3A_334 = vector.shape_cast %reshape3A_326 : vector<8x8x128xf32> to vector<1x8x1x8x128xf32>
    tpu.vector_store %arg2[%swap3A_327, %swap3A_328, %swap3A_329, %swap3A_330, %swap3A_331], %swap3A_334 {strides = array<i32>} : memref<1x8x32x8x128xf32, #tpu.memory_space<vmem>>, vector<1x8x1x8x128xf32>,
    %get3A_335 = arith.constant 0 : index
    %get3A_336 = arith.constant 2688 : index
    %get3A_337 = arith.constant 0 : index
    %get3A_338 = vector.load %arg1[%get3A_335, %get3A_336, %get3A_337] : memref<1x4096x128xf32, #tpu.memory_space<vmem>>, vector<1x128x64xf32>
    %get3A_339 = vector.shape_cast %get3A_338 : vector<1x128x64xf32> to vector<128x64xf32>
    %dot_general3A_340 = arith.constant dense<0.000000e+00> : vector<64x128xf32>
    %dot_general3A_341 = tpu.matmul %get3A_339, %select_n3A, %dot_general3A_340 {dimension_numbers = #tpu.dot_dimension_numbers<[0], [0], [1], [1], [0, 1, 1, 1], [], []>, transpose_lhs_hint = false} : vector<128x64xf32>, vector<128x128xf32>, vector<64x128xf32> -> vector<64x128xf32>
    %reshape3A_342 = vector.shape_cast %dot_general3A_341 : vector<64x128xf32> to vector<8x8x128xf32>
    %swap3A_343 = arith.constant 0 : index
    %swap3A_344 = arith.constant 0 : index
    %swap3A_345 = arith.constant 21 : index
    %swap3A_346 = arith.constant 0 : index
    %swap3A_347 = arith.constant 0 : index
    %swap3A_348 = vector.load %arg2[%swap3A_343, %swap3A_344, %swap3A_345, %swap3A_346, %swap3A_347] : memref<1x8x32x8x128xf32, #tpu.memory_space<vmem>>, vector<1x8x1x8x128xf32>
    %swap3A_349 = vector.shape_cast %swap3A_348 : vector<1x8x1x8x128xf32> to vector<8x8x128xf32>
    %swap3A_350 = vector.shape_cast %reshape3A_342 : vector<8x8x128xf32> to vector<1x8x1x8x128xf32>
    tpu.vector_store %arg2[%swap3A_343, %swap3A_344, %swap3A_345, %swap3A_346, %swap3A_347], %swap3A_350 {strides = array<i32>} : memref<1x8x32x8x128xf32, #tpu.memory_space<vmem>>, vector<1x8x1x8x128xf32>,
    %get3A_351 = arith.constant 0 : index
    %get3A_352 = arith.constant 2816 : index
    %get3A_353 = arith.constant 0 : index
    %get3A_354 = vector.load %arg1[%get3A_351, %get3A_352, %get3A_353] : memref<1x4096x128xf32, #tpu.memory_space<vmem>>, vector<1x128x64xf32>
    %get3A_355 = vector.shape_cast %get3A_354 : vector<1x128x64xf32> to vector<128x64xf32>
    %dot_general3A_356 = arith.constant dense<0.000000e+00> : vector<64x128xf32>
    %dot_general3A_357 = tpu.matmul %get3A_355, %select_n3A, %dot_general3A_356 {dimension_numbers = #tpu.dot_dimension_numbers<[0], [0], [1], [1], [0, 1, 1, 1], [], []>, transpose_lhs_hint = false} : vector<128x64xf32>, vector<128x128xf32>, vector<64x128xf32> -> vector<64x128xf32>
    %reshape3A_358 = vector.shape_cast %dot_general3A_357 : vector<64x128xf32> to vector<8x8x128xf32>
    %swap3A_359 = arith.constant 0 : index
    %swap3A_360 = arith.constant 0 : index
    %swap3A_361 = arith.constant 22 : index
    %swap3A_362 = arith.constant 0 : index
    %swap3A_363 = arith.constant 0 : index
    %swap3A_364 = vector.load %arg2[%swap3A_359, %swap3A_360, %swap3A_361, %swap3A_362, %swap3A_363] : memref<1x8x32x8x128xf32, #tpu.memory_space<vmem>>, vector<1x8x1x8x128xf32>
    %swap3A_365 = vector.shape_cast %swap3A_364 : vector<1x8x1x8x128xf32> to vector<8x8x128xf32>
    %swap3A_366 = vector.shape_cast %reshape3A_358 : vector<8x8x128xf32> to vector<1x8x1x8x128xf32>
    tpu.vector_store %arg2[%swap3A_359, %swap3A_360, %swap3A_361, %swap3A_362, %swap3A_363], %swap3A_366 {strides = array<i32>} : memref<1x8x32x8x128xf32, #tpu.memory_space<vmem>>, vector<1x8x1x8x128xf32>,
    %get3A_367 = arith.constant 0 : index
    %get3A_368 = arith.constant 2944 : index
    %get3A_369 = arith.constant 0 : index
    %get3A_370 = vector.load %arg1[%get3A_367, %get3A_368, %get3A_369] : memref<1x4096x128xf32, #tpu.memory_space<vmem>>, vector<1x128x64xf32>
    %get3A_371 = vector.shape_cast %get3A_370 : vector<1x128x64xf32> to vector<128x64xf32>
    %dot_general3A_372 = arith.constant dense<0.000000e+00> : vector<64x128xf32>
    %dot_general3A_373 = tpu.matmul %get3A_371, %select_n3A, %dot_general3A_372 {dimension_numbers = #tpu.dot_dimension_numbers<[0], [0], [1], [1], [0, 1, 1, 1], [], []>, transpose_lhs_hint = false} : vector<128x64xf32>, vector<128x128xf32>, vector<64x128xf32> -> vector<64x128xf32>
    %reshape3A_374 = vector.shape_cast %dot_general3A_373 : vector<64x128xf32> to vector<8x8x128xf32>
    %swap3A_375 = arith.constant 0 : index
    %swap3A_376 = arith.constant 0 : index
    %swap3A_377 = arith.constant 23 : index
    %swap3A_378 = arith.constant 0 : index
    %swap3A_379 = arith.constant 0 : index
    %swap3A_380 = vector.load %arg2[%swap3A_375, %swap3A_376, %swap3A_377, %swap3A_378, %swap3A_379] : memref<1x8x32x8x128xf32, #tpu.memory_space<vmem>>, vector<1x8x1x8x128xf32>
    %swap3A_381 = vector.shape_cast %swap3A_380 : vector<1x8x1x8x128xf32> to vector<8x8x128xf32>
    %swap3A_382 = vector.shape_cast %reshape3A_374 : vector<8x8x128xf32> to vector<1x8x1x8x128xf32>
    tpu.vector_store %arg2[%swap3A_375, %swap3A_376, %swap3A_377, %swap3A_378, %swap3A_379], %swap3A_382 {strides = array<i32>} : memref<1x8x32x8x128xf32, #tpu.memory_space<vmem>>, vector<1x8x1x8x128xf32>,
    %get3A_383 = arith.constant 0 : index
    %get3A_384 = arith.constant 3072 : index
    %get3A_385 = arith.constant 0 : index
    %get3A_386 = vector.load %arg1[%get3A_383, %get3A_384, %get3A_385] : memref<1x4096x128xf32, #tpu.memory_space<vmem>>, vector<1x128x64xf32>
    %get3A_387 = vector.shape_cast %get3A_386 : vector<1x128x64xf32> to vector<128x64xf32>
    %dot_general3A_388 = arith.constant dense<0.000000e+00> : vector<64x128xf32>
    %dot_general3A_389 = tpu.matmul %get3A_387, %select_n3A, %dot_general3A_388 {dimension_numbers = #tpu.dot_dimension_numbers<[0], [0], [1], [1], [0, 1, 1, 1], [], []>, transpose_lhs_hint = false} : vector<128x64xf32>, vector<128x128xf32>, vector<64x128xf32> -> vector<64x128xf32>
    %reshape3A_390 = vector.shape_cast %dot_general3A_389 : vector<64x128xf32> to vector<8x8x128xf32>
    %swap3A_391 = arith.constant 0 : index
    %swap3A_392 = arith.constant 0 : index
    %swap3A_393 = arith.constant 24 : index
    %swap3A_394 = arith.constant 0 : index
    %swap3A_395 = arith.constant 0 : index
    %swap3A_396 = vector.load %arg2[%swap3A_391, %swap3A_392, %swap3A_393, %swap3A_394, %swap3A_395] : memref<1x8x32x8x128xf32, #tpu.memory_space<vmem>>, vector<1x8x1x8x128xf32>
    %swap3A_397 = vector.shape_cast %swap3A_396 : vector<1x8x1x8x128xf32> to vector<8x8x128xf32>
    %swap3A_398 = vector.shape_cast %reshape3A_390 : vector<8x8x128xf32> to vector<1x8x1x8x128xf32>
    tpu.vector_store %arg2[%swap3A_391, %swap3A_392, %swap3A_393, %swap3A_394, %swap3A_395], %swap3A_398 {strides = array<i32>} : memref<1x8x32x8x128xf32, #tpu.memory_space<vmem>>, vector<1x8x1x8x128xf32>,
    %get3A_399 = arith.constant 0 : index
    %get3A_400 = arith.constant 3200 : index
    %get3A_401 = arith.constant 0 : index
    %get3A_402 = vector.load %arg1[%get3A_399, %get3A_400, %get3A_401] : memref<1x4096x128xf32, #tpu.memory_space<vmem>>, vector<1x128x64xf32>
    %get3A_403 = vector.shape_cast %get3A_402 : vector<1x128x64xf32> to vector<128x64xf32>
    %dot_general3A_404 = arith.constant dense<0.000000e+00> : vector<64x128xf32>
    %dot_general3A_405 = tpu.matmul %get3A_403, %select_n3A, %dot_general3A_404 {dimension_numbers = #tpu.dot_dimension_numbers<[0], [0], [1], [1], [0, 1, 1, 1], [], []>, transpose_lhs_hint = false} : vector<128x64xf32>, vector<128x128xf32>, vector<64x128xf32> -> vector<64x128xf32>
    %reshape3A_406 = vector.shape_cast %dot_general3A_405 : vector<64x128xf32> to vector<8x8x128xf32>
    %swap3A_407 = arith.constant 0 : index
    %swap3A_408 = arith.constant 0 : index
    %swap3A_409 = arith.constant 25 : index
    %swap3A_410 = arith.constant 0 : index
    %swap3A_411 = arith.constant 0 : index
    %swap3A_412 = vector.load %arg2[%swap3A_407, %swap3A_408, %swap3A_409, %swap3A_410, %swap3A_411] : memref<1x8x32x8x128xf32, #tpu.memory_space<vmem>>, vector<1x8x1x8x128xf32>
    %swap3A_413 = vector.shape_cast %swap3A_412 : vector<1x8x1x8x128xf32> to vector<8x8x128xf32>
    %swap3A_414 = vector.shape_cast %reshape3A_406 : vector<8x8x128xf32> to vector<1x8x1x8x128xf32>
    tpu.vector_store %arg2[%swap3A_407, %swap3A_408, %swap3A_409, %swap3A_410, %swap3A_411], %swap3A_414 {strides = array<i32>} : memref<1x8x32x8x128xf32, #tpu.memory_space<vmem>>, vector<1x8x1x8x128xf32>,
    %get3A_415 = arith.constant 0 : index
    %get3A_416 = arith.constant 3328 : index
    %get3A_417 = arith.constant 0 : index
    %get3A_418 = vector.load %arg1[%get3A_415, %get3A_416, %get3A_417] : memref<1x4096x128xf32, #tpu.memory_space<vmem>>, vector<1x128x64xf32>
    %get3A_419 = vector.shape_cast %get3A_418 : vector<1x128x64xf32> to vector<128x64xf32>
    %dot_general3A_420 = arith.constant dense<0.000000e+00> : vector<64x128xf32>
    %dot_general3A_421 = tpu.matmul %get3A_419, %select_n3A, %dot_general3A_420 {dimension_numbers = #tpu.dot_dimension_numbers<[0], [0], [1], [1], [0, 1, 1, 1], [], []>, transpose_lhs_hint = false} : vector<128x64xf32>, vector<128x128xf32>, vector<64x128xf32> -> vector<64x128xf32>
    %reshape3A_422 = vector.shape_cast %dot_general3A_421 : vector<64x128xf32> to vector<8x8x128xf32>
    %swap3A_423 = arith.constant 0 : index
    %swap3A_424 = arith.constant 0 : index
    %swap3A_425 = arith.constant 26 : index
    %swap3A_426 = arith.constant 0 : index
    %swap3A_427 = arith.constant 0 : index
    %swap3A_428 = vector.load %arg2[%swap3A_423, %swap3A_424, %swap3A_425, %swap3A_426, %swap3A_427] : memref<1x8x32x8x128xf32, #tpu.memory_space<vmem>>, vector<1x8x1x8x128xf32>
    %swap3A_429 = vector.shape_cast %swap3A_428 : vector<1x8x1x8x128xf32> to vector<8x8x128xf32>
    %swap3A_430 = vector.shape_cast %reshape3A_422 : vector<8x8x128xf32> to vector<1x8x1x8x128xf32>
    tpu.vector_store %arg2[%swap3A_423, %swap3A_424, %swap3A_425, %swap3A_426, %swap3A_427], %swap3A_430 {strides = array<i32>} : memref<1x8x32x8x128xf32, #tpu.memory_space<vmem>>, vector<1x8x1x8x128xf32>,
    %get3A_431 = arith.constant 0 : index
    %get3A_432 = arith.constant 3456 : index
    %get3A_433 = arith.constant 0 : index
    %get3A_434 = vector.load %arg1[%get3A_431, %get3A_432, %get3A_433] : memref<1x4096x128xf32, #tpu.memory_space<vmem>>, vector<1x128x64xf32>
    %get3A_435 = vector.shape_cast %get3A_434 : vector<1x128x64xf32> to vector<128x64xf32>
    %dot_general3A_436 = arith.constant dense<0.000000e+00> : vector<64x128xf32>
    %dot_general3A_437 = tpu.matmul %get3A_435, %select_n3A, %dot_general3A_436 {dimension_numbers = #tpu.dot_dimension_numbers<[0], [0], [1], [1], [0, 1, 1, 1], [], []>, transpose_lhs_hint = false} : vector<128x64xf32>, vector<128x128xf32>, vector<64x128xf32> -> vector<64x128xf32>
    %reshape3A_438 = vector.shape_cast %dot_general3A_437 : vector<64x128xf32> to vector<8x8x128xf32>
    %swap3A_439 = arith.constant 0 : index
    %swap3A_440 = arith.constant 0 : index
    %swap3A_441 = arith.constant 27 : index
    %swap3A_442 = arith.constant 0 : index
    %swap3A_443 = arith.constant 0 : index
    %swap3A_444 = vector.load %arg2[%swap3A_439, %swap3A_440, %swap3A_441, %swap3A_442, %swap3A_443] : memref<1x8x32x8x128xf32, #tpu.memory_space<vmem>>, vector<1x8x1x8x128xf32>
    %swap3A_445 = vector.shape_cast %swap3A_444 : vector<1x8x1x8x128xf32> to vector<8x8x128xf32>
    %swap3A_446 = vector.shape_cast %reshape3A_438 : vector<8x8x128xf32> to vector<1x8x1x8x128xf32>
    tpu.vector_store %arg2[%swap3A_439, %swap3A_440, %swap3A_441, %swap3A_442, %swap3A_443], %swap3A_446 {strides = array<i32>} : memref<1x8x32x8x128xf32, #tpu.memory_space<vmem>>, vector<1x8x1x8x128xf32>,
    %get3A_447 = arith.constant 0 : index
    %get3A_448 = arith.constant 3584 : index
    %get3A_449 = arith.constant 0 : index
    %get3A_450 = vector.load %arg1[%get3A_447, %get3A_448, %get3A_449] : memref<1x4096x128xf32, #tpu.memory_space<vmem>>, vector<1x128x64xf32>
    %get3A_451 = vector.shape_cast %get3A_450 : vector<1x128x64xf32> to vector<128x64xf32>
    %dot_general3A_452 = arith.constant dense<0.000000e+00> : vector<64x128xf32>
    %dot_general3A_453 = tpu.matmul %get3A_451, %select_n3A, %dot_general3A_452 {dimension_numbers = #tpu.dot_dimension_numbers<[0], [0], [1], [1], [0, 1, 1, 1], [], []>, transpose_lhs_hint = false} : vector<128x64xf32>, vector<128x128xf32>, vector<64x128xf32> -> vector<64x128xf32>
    %reshape3A_454 = vector.shape_cast %dot_general3A_453 : vector<64x128xf32> to vector<8x8x128xf32>
    %swap3A_455 = arith.constant 0 : index
    %swap3A_456 = arith.constant 0 : index
    %swap3A_457 = arith.constant 28 : index
    %swap3A_458 = arith.constant 0 : index
    %swap3A_459 = arith.constant 0 : index
    %swap3A_460 = vector.load %arg2[%swap3A_455, %swap3A_456, %swap3A_457, %swap3A_458, %swap3A_459] : memref<1x8x32x8x128xf32, #tpu.memory_space<vmem>>, vector<1x8x1x8x128xf32>
    %swap3A_461 = vector.shape_cast %swap3A_460 : vector<1x8x1x8x128xf32> to vector<8x8x128xf32>
    %swap3A_462 = vector.shape_cast %reshape3A_454 : vector<8x8x128xf32> to vector<1x8x1x8x128xf32>
    tpu.vector_store %arg2[%swap3A_455, %swap3A_456, %swap3A_457, %swap3A_458, %swap3A_459], %swap3A_462 {strides = array<i32>} : memref<1x8x32x8x128xf32, #tpu.memory_space<vmem>>, vector<1x8x1x8x128xf32>,
    %get3A_463 = arith.constant 0 : index
    %get3A_464 = arith.constant 3712 : index
    %get3A_465 = arith.constant 0 : index
    %get3A_466 = vector.load %arg1[%get3A_463, %get3A_464, %get3A_465] : memref<1x4096x128xf32, #tpu.memory_space<vmem>>, vector<1x128x64xf32>
    %get3A_467 = vector.shape_cast %get3A_466 : vector<1x128x64xf32> to vector<128x64xf32>
    %dot_general3A_468 = arith.constant dense<0.000000e+00> : vector<64x128xf32>
    %dot_general3A_469 = tpu.matmul %get3A_467, %select_n3A, %dot_general3A_468 {dimension_numbers = #tpu.dot_dimension_numbers<[0], [0], [1], [1], [0, 1, 1, 1], [], []>, transpose_lhs_hint = false} : vector<128x64xf32>, vector<128x128xf32>, vector<64x128xf32> -> vector<64x128xf32>
    %reshape3A_470 = vector.shape_cast %dot_general3A_469 : vector<64x128xf32> to vector<8x8x128xf32>
    %swap3A_471 = arith.constant 0 : index
    %swap3A_472 = arith.constant 0 : index
    %swap3A_473 = arith.constant 29 : index
    %swap3A_474 = arith.constant 0 : index
    %swap3A_475 = arith.constant 0 : index
    %swap3A_476 = vector.load %arg2[%swap3A_471, %swap3A_472, %swap3A_473, %swap3A_474, %swap3A_475] : memref<1x8x32x8x128xf32, #tpu.memory_space<vmem>>, vector<1x8x1x8x128xf32>
    %swap3A_477 = vector.shape_cast %swap3A_476 : vector<1x8x1x8x128xf32> to vector<8x8x128xf32>
    %swap3A_478 = vector.shape_cast %reshape3A_470 : vector<8x8x128xf32> to vector<1x8x1x8x128xf32>
    tpu.vector_store %arg2[%swap3A_471, %swap3A_472, %swap3A_473, %swap3A_474, %swap3A_475], %swap3A_478 {strides = array<i32>} : memref<1x8x32x8x128xf32, #tpu.memory_space<vmem>>, vector<1x8x1x8x128xf32>,
    %get3A_479 = arith.constant 0 : index
    %get3A_480 = arith.constant 3840 : index
    %get3A_481 = arith.constant 0 : index
    %get3A_482 = vector.load %arg1[%get3A_479, %get3A_480, %get3A_481] : memref<1x4096x128xf32, #tpu.memory_space<vmem>>, vector<1x128x64xf32>
    %get3A_483 = vector.shape_cast %get3A_482 : vector<1x128x64xf32> to vector<128x64xf32>
    %dot_general3A_484 = arith.constant dense<0.000000e+00> : vector<64x128xf32>
    %dot_general3A_485 = tpu.matmul %get3A_483, %select_n3A, %dot_general3A_484 {dimension_numbers = #tpu.dot_dimension_numbers<[0], [0], [1], [1], [0, 1, 1, 1], [], []>, transpose_lhs_hint = false} : vector<128x64xf32>, vector<128x128xf32>, vector<64x128xf32> -> vector<64x128xf32>
    %reshape3A_486 = vector.shape_cast %dot_general3A_485 : vector<64x128xf32> to vector<8x8x128xf32>
    %swap3A_487 = arith.constant 0 : index
    %swap3A_488 = arith.constant 0 : index
    %swap3A_489 = arith.constant 30 : index
    %swap3A_490 = arith.constant 0 : index
    %swap3A_491 = arith.constant 0 : index
    %swap3A_492 = vector.load %arg2[%swap3A_487, %swap3A_488, %swap3A_489, %swap3A_490, %swap3A_491] : memref<1x8x32x8x128xf32, #tpu.memory_space<vmem>>, vector<1x8x1x8x128xf32>
    %swap3A_493 = vector.shape_cast %swap3A_492 : vector<1x8x1x8x128xf32> to vector<8x8x128xf32>
    %swap3A_494 = vector.shape_cast %reshape3A_486 : vector<8x8x128xf32> to vector<1x8x1x8x128xf32>
    tpu.vector_store %arg2[%swap3A_487, %swap3A_488, %swap3A_489, %swap3A_490, %swap3A_491], %swap3A_494 {strides = array<i32>} : memref<1x8x32x8x128xf32, #tpu.memory_space<vmem>>, vector<1x8x1x8x128xf32>,
    %get3A_495 = arith.constant 0 : index
    %get3A_496 = arith.constant 3968 : index
    %get3A_497 = arith.constant 0 : index
    %get3A_498 = vector.load %arg1[%get3A_495, %get3A_496, %get3A_497] : memref<1x4096x128xf32, #tpu.memory_space<vmem>>, vector<1x128x64xf32>
    %get3A_499 = vector.shape_cast %get3A_498 : vector<1x128x64xf32> to vector<128x64xf32>
    %dot_general3A_500 = arith.constant dense<0.000000e+00> : vector<64x128xf32>
    %dot_general3A_501 = tpu.matmul %get3A_499, %select_n3A, %dot_general3A_500 {dimension_numbers = #tpu.dot_dimension_numbers<[0], [0], [1], [1], [0, 1, 1, 1], [], []>, transpose_lhs_hint = false} : vector<128x64xf32>, vector<128x128xf32>, vector<64x128xf32> -> vector<64x128xf32>
    %reshape3A_502 = vector.shape_cast %dot_general3A_501 : vector<64x128xf32> to vector<8x8x128xf32>
    %swap3A_503 = arith.constant 0 : index
    %swap3A_504 = arith.constant 0 : index
    %swap3A_505 = arith.constant 31 : index
    %swap3A_506 = arith.constant 0 : index
    %swap3A_507 = arith.constant 0 : index
    %swap3A_508 = vector.load %arg2[%swap3A_503, %swap3A_504, %swap3A_505, %swap3A_506, %swap3A_507] : memref<1x8x32x8x128xf32, #tpu.memory_space<vmem>>, vector<1x8x1x8x128xf32>
    %swap3A_509 = vector.shape_cast %swap3A_508 : vector<1x8x1x8x128xf32> to vector<8x8x128xf32>
    %swap3A_510 = vector.shape_cast %reshape3A_502 : vector<8x8x128xf32> to vector<1x8x1x8x128xf32>
    tpu.vector_store %arg2[%swap3A_503, %swap3A_504, %swap3A_505, %swap3A_506, %swap3A_507], %swap3A_510 {strides = array<i32>} : memref<1x8x32x8x128xf32, #tpu.memory_space<vmem>>, vector<1x8x1x8x128xf32>,
    return
  }
  func.func @transform_0(%arg0: i32) -> (i32, i32, i32) {
    %c0_i32 = arith.constant 0 : i32
    %c0_i32_0 = arith.constant 0 : i32
    %c0_i32_1 = arith.constant 0 : i32
    return %arg0, %c0_i32, %c0_i32_0 : i32, i32, i32
  }
  func.func @transform_1(%arg0: i32) -> (i32, i32, i32, i32, i32) {
    %c0_i32 = arith.constant 0 : i32
    %c0_i32_0 = arith.constant 0 : i32
    %c0_i32_1 = arith.constant 0 : i32
    %c0_i32_2 = arith.constant 0 : i32
    %c0_i32_3 = arith.constant 0 : i32
    return %arg0, %c0_i32, %c0_i32_0, %c0_i32_1, %c0_i32_2 : i32, i32, i32, i32, i32
  }
}

</mosaic_0001>

<sc_bundles>
// kernel: kernel.4.cloned.1.call-start
scs
__scs_entry_jumppad:
0x0: {  	(pc) =	sbr.rel $0x88, $3  }
0x1: {  	(tag) =	ssettag $0x0;
	lr =	simm.s32 $0x1  }
0x2: {  	[smem:$0x3F9F] =	sst lr;
	_ =	strace $0xD0000000  }
0x3: {  	_ = 	snop  }
0x4: {  	_ = 	snop  }
0x5: {  	_ = 	snop  }
0x6: {  	_ = 	snop  }
0x7: {  	_ = 	snop  }
__scs_overlays_trampoline_lowered:
0x8: {  	[smem:$0x3FAE] =	sst s0  }
0x9: {  	[smem:$0x3FAF] =	sst s1  }
0xa: {  	[smem:$0x3FB0] =	sst s2  }
0xb: {  	[smem:$0x3FB1] =	sst s3  }
0xc: {  	[smem:$0x3FB2] =	sst s4  }
0xd: {  	[smem:$0x3FB3] =	sst s5  }
0xe: {  	[smem:$0x3FB4] =	sst s6  }
0xf: {  	[smem:$0x3FB5] =	sst s7  }
0x10: {  	[smem:$0x3FB6] =	sst s8  }
0x11: {  	[smem:$0x3FB7] =	sst s9;
	s0 =	simm.s32 @!p0 $0x0  }
0x12: {  	s1 =	sld [smem:$0x3F9D];
	s0 =	simm.s32 @p0 $0x1  }
0x13: {  	[smem:$0x3FB8] =	sst s0;
	s0 =	simm.s32 @!p1 $0x0  }
0x14: {  	s2 =	sld [smem:$0x3F9C];
	s0 =	simm.s32 @p1 $0x1  }
0x15: {  	[smem:$0x3FB9] =	sst s0;
	s0 =	simm.s32 @!p2 $0x0  }
0x16: {  	s3 =	sld [smem:$0x3FDB];
	s0 =	simm.s32 @p2 $0x1  }
0x17: {  	s4 =	simm.s32 $0x1BF5;
	[smem:$0x3FBB] =	sst s0  }
0x18: {  	s0 =	sld [smem:$0x3F9E];
	_ =	swait.ge [sflag:s4], $0x0  }
0x19: {  	s7 =	sld [smem:$0x3F9F]  }
0x1a: {  	s8 =	sadd.s32 $0xFFFFE003, lr  }
0x1b: {  	s9 =	sadd.s32 $0xFFFFFEF7, lr;
	s5 =	simm.s32 $0xFFFFFFFF;
	p2 =	slt.u32 s8, $0xFFFFF086  }
0x1c: {  	p1 =	slt.u32 s9, $0xF7A;
	s5 =	simm.s32 @!p2 $0x0  }
0x1d: {  	s5 =	simm.s32 @p1 $0x1;
	p0 =	seq.s32 s7, s2  }
0x1e: {  	s7 =	smul.u32 @!p0 $0xF7A, s2;
	p2 =	seq.s32 @!p0 s5, $0x0  }
0x1f: {  	s9 =	smul.u32 $0xF7A, s1;
	s8 =	simm.s32 @!p0 $0x1BF5;
	p2 =	por !p2, p0  }
0x20: {  	[sflag:s8] =	ssyncset.s32 @!p0 $0xFFFFF086;
	s6 =	sadd.s32 @!p0 s3, s7;
	s7 =	simm.s32 @!p0 $0x108  }
0x21: {  	s3 =	sadd.s32 s3, s9;
	s6 =	sadd.s32 @!p0 $0x88, s6;
	s7 =	simm.s32 @p2 $0x1082  }
0x22: {  	[simem:s7], [sflag:s8] =	dma.local @!p0 [hbm:s6], $0xF7A  }
0x23: {  	s9 =	sor.u32 $0xD0000000, s2;
	s6 =	simm.s32 $0x108;
	_ =	swait.ge @!p0 [sflag:s8], $0x0  }
0x24: {  	s3 =	sadd.s32 $0x88, s3;
	s6 =	simm.s32 @!p1 $0x1082;
	[sflag:s4] =	ssyncset.s32 $0xFFFFF086  }
0x25: {  	[simem:s6], [sflag:s4] =	dma.local [hbm:s3], $0xF7A  }
0x26: {  	[smem:$0x3F9F] =	sst s1;
	(tag) =	ssettag s2;
	_ =	strace s9  }
0x27: {  	s1 =	sld [smem:$0x3FAF]  }
0x28: {  	s2 =	sld [smem:$0x3FB0]  }
0x29: {  	s4 =	sld [smem:$0x3FB2]  }
0x2a: {  	p0 =	seq.s32 s5, $0x0;
	s5 =	sld [smem:$0x3FB3]  }
0x2b: {  	s6 =	sld [smem:$0x3FB4]  }
0x2c: {  	s7 =	sld [smem:$0x3FB5]  }
0x2d: {  	s3 =	simm.s32 $0x108;
	s8 =	sld [smem:$0x3FB6]  }
0x2e: {  	s3 =	simm.s32 @!p0 $0x1082;
	s9 =	sld [smem:$0x3FB7]  }
0x2f: {  	lr =	sadd.s32 s0, s3;
	s0 =	sld [smem:$0x3FAE]  }
0x30: {  	s3 =	sld [smem:$0x3FB1]  }
0x31: {  	[smem:$0x3FBA] =	sst s10  }
0x32: {  	s10 =	sld [smem:$0x3FB8];
	_ =	sdelay $0x3  }
0x33: {  	p0 =	seq.s32 s10, $0x1;
	s10 =	sld [smem:$0x3FBA];
	_ =	sdelay $0x3  }
0x34: {  	[smem:$0x3FBA] =	sst s10  }
0x35: {  	s10 =	sld [smem:$0x3FB9];
	_ =	sdelay $0x3  }
0x36: {  	p1 =	seq.s32 s10, $0x1;
	s10 =	sld [smem:$0x3FBA];
	_ =	sdelay $0x3  }
0x37: {  	[smem:$0x3FBA] =	sst s10  }
0x38: {  	s10 =	sld [smem:$0x3FBB]  }
0x39: {  	_ = 	snop;
	(pc) =	sbr.ind lr, $3  }
0x3a: {  	_ = 	snop  }
0x3b: {  	_ = 	snop  }
0x3c: {  	p2 =	seq.s32 s10, $0x1;
	s10 =	sld [smem:$0x3FBA]  }
0x3d: {  	_ =	shalt  }
0x3e: {  	_ =	shalt  }
0x3f: {  	_ =	shalt  }
0x40: {  	_ =	shalt  }
0x41: {  	_ =	shalt  }
0x42: {  	_ =	shalt  }
0x43: {  	_ =	shalt  }
0x44: {  	_ =	shalt  }
0x45: {  	_ =	shalt  }
0x46: {  	_ =	shalt  }
0x47: {  	_ =	shalt  }
0x48: {  	_ =	shalt  }
0x49: {  	_ =	shalt  }
0x4a: {  	_ =	shalt  }
0x4b: {  	_ =	shalt  }
0x4c: {  	_ =	shalt  }
0x4d: {  	_ =	shalt  }
0x4e: {  	_ =	shalt  }
0x4f: {  	_ =	shalt  }
0x50: {  	_ =	shalt  }
0x51: {  	_ =	shalt  }
0x52: {  	_ =	shalt  }
0x53: {  	_ =	shalt  }
0x54: {  	_ =	shalt  }
0x55: {  	_ =	shalt  }
0x56: {  	_ =	shalt  }
0x57: {  	_ =	shalt  }
0x58: {  	_ =	shalt  }
0x59: {  	_ =	shalt  }
0x5a: {  	_ =	shalt  }
0x5b: {  	_ =	shalt  }
0x5c: {  	_ =	shalt  }
0x5d: {  	_ =	shalt  }
0x5e: {  	_ =	shalt  }
0x5f: {  	_ =	shalt  }
0x60: {  	_ =	shalt  }
0x61: {  	_ =	shalt  }
0x62: {  	_ =	shalt  }
0x63: {  	_ =	shalt  }
0x64: {  	_ =	shalt  }
0x65: {  	_ =	shalt  }
0x66: {  	_ =	shalt  }
0x67: {  	_ =	shalt  }
0x68: {  	_ =	shalt  }
0x69: {  	_ =	shalt  }
0x6a: {  	_ =	shalt  }
0x6b: {  	_ =	shalt  }
0x6c: {  	_ =	shalt  }
0x6d: {  	_ =	shalt  }
0x6e: {  	_ =	shalt  }
0x6f: {  	_ =	shalt  }
0x70: {  	_ =	shalt  }
0x71: {  	_ =	shalt  }
0x72: {  	_ =	shalt  }
0x73: {  	_ =	shalt  }
0x74: {  	_ =	shalt  }
0x75: {  	_ =	shalt  }
0x76: {  	_ =	shalt  }
0x77: {  	_ =	shalt  }
0x78: {  	_ =	shalt  }
0x79: {  	_ =	shalt  }
0x7a: {  	_ =	shalt  }
0x7b: {  	_ =	shalt  }
0x7c: {  	_ =	shalt  }
0x7d: {  	_ =	shalt  }
0x7e: {  	_ =	shalt  }
0x7f: {  	_ =	shalt  }
0x80: {  	_ =	shalt  }
0x81: {  	_ =	shalt  }
0x82: {  	_ =	shalt  }
0x83: {  	_ =	shalt  }
0x84: {  	_ =	shalt  }
0x85: {  	_ =	shalt  }
0x86: {  	_ =	shalt  }
0x87: {  	_ =	shalt  }
.Lfunc_end0:
.L_simem_size_0:
called_computation_lowered:
.L_overlay_start_0:
0x88: {  	s2 =	sld [smem:$0x3FD9]  }
0x89: {  	s3 =	sld [smem:$0x3FFE];
	_ =	sdelay $0x1  }
0x8a: {  	s1 =	srdreg.scid  }
0x8b: {  	s0 =	sand.u32 $0x1, s1  }
0x8c: {  	s16 =	sshll.u32 s0, $0xA;
	s2 =	sadd.s32 s3, s2  }
0x8d: {  	s2 =	sadd.s32 s2, s16  }
0x8e: {  	[smem:$0x3FC6] =	sst s2  }
0x8f: {  	_ = 	snop  }
0x90: {  	(tm) =	ssettm $0x1  }
0x91: {  	s17 =	sld [smem:$0x3FFB];
	_ =	sdelay $0x3  }
0x92: {  	_ =	strace s17  }
0x93: {  	s2 =	sld [smem:$0x3FFC];
	_ =	sdelay $0x3  }
0x94: {  	_ =	strace s2  }
0x95: {  	s2 =	sld [smem:$0x3FFD];
	_ =	sdelay $0x3  }
0x96: {  	_ =	strace s2  }
0x97: {  	_ =	strace $0x8FFFFFFF  }
0x98: {  	s18 =	sld [smem:$0x3FDB];
	_ =	sdelay $0x1  }
0x99: {  	s19 =	simm.s32 $_scs_section_size  }
0x9a: {  	s4 =	simm.s32 $_size__tile_overlayer_lowered;
	s5 =	simm.s32 $_tile_overlayer_lowered  }
0x9b: {  	s22 =	simm.s32 $0x1BFF;
	s21 =	sshll.u32 s5, $0x1;
	s2 =	sadd.s32 s19, s18  }
0x9c: {  	s6 =	simm.s32 $0x0;
	s20 =	sshll.u32 s4, $0x1;
	s4 =	sadd.s32 s21, s2  }
0x9d: {  	[timem:s6], [sflag:s22] =	dma.local [hbm:s4], s20  }
0x9e: {  	_ =	swait.ge [sflag:s22], s20  }
0x9f: {  	s3 =	ssub.s32 $0x0, s20;
	[sflag:s22] =	ssyncset.done $0x0  }
0xa0: {  	[sflag:s22] =	ssyncadd.s32 s3;
	_ =	sdelay $0x1  }
0xa1: {  	s23 =	simm.s32 $0x1B8B  }
0xa2: {  	_ =	swait.ge [sflag:s23], $0x1  }
0xa3: {  	[sflag:s23] =	ssyncset.done $0x0  }
0xa4: {  	s25 =	simm.s32 $0x1B8E;
	s24 =	sld [smem:$0x3FFE];
	[sflag:s23] =	ssyncadd.s32 $0xFFFFFFFF  }
0xa5: {  	s26 =	simm.s32 $execute0_lowered;
	[smem:$0x3FD2] =	sst s25  }
0xa6: {  	s4 =	sshll.u32 s26, $0x1;
	_ =	strace $0x80000046;
	[dreg:$0x1] =	wrdreg $0xFFFFFFFF  }
0xa7: {  	s28 =	simm.s32 $_size_execute0_lowered;
	s2 =	sadd.s32 s2, s4;
	[dreg:$0x0] =	wrdreg $0x0  }
0xa8: {  	s4 =	sshll.u32 s28, $0x1;
	[dreg:$0x2] =	wrdreg s2  }
0xa9: {  	[dreg:$0x3] =	wrdreg s4  }
0xaa: {  	[dreg:$0x4] =	wrdreg $0xC0  }
0xab: {  	_ =	task [dreg:s6], $0x5FFFF  }
0xac: {  	[dreg:$0x1] =	wrdreg $0xFFFFFFFF  }
0xad: {  	[dreg:$0x0] =	wrdreg $0x60  }
0xae: {  	[dreg:$0x2] =	wrdreg s24  }
0xaf: {  	[dreg:$0x3] =	wrdreg $0x9  }
0xb0: {  	_ =	task.clear_ibuf [dreg:s6], $0x4FFFF;
	_ =	strace $0x90000046  }
0xb1: {  	s29 =	simm.s32 $0x9;
	_ =	strace $0x80000048  }
0xb2: {  	_ =	swait.ge [sflag:s29], $0x1  }
0xb3: {  	[sflag:s29] =	ssyncadd.s32 $0xFFFFFFFF  }
0xb4: {  	_ =	strace $0x90000048  }
0xb5: {  	_ =	sfence  }
0xb6: {  	s30 =	sld [smem:$0x0];
	_ =	sdelay $0x2  }
0xb7: {  	s31 =	sshll.u32 s1, $0xD;
	s1 =	sshrl.u32 s1, $0x2  }
0xb8: {  	s3 =	sand.u32 $0x4000, s31;
	s1 =	sadd.s32 s1, s30  }
0xb9: {  	s0 =	sor.u32 s3, s0;
	s1 =	sshll.u32 s1, $0x11  }
0xba: {  	s0 =	sor.u32 s1, s0  }
0xbb: {  	s0 =	sadd.s32 $0x8F2B, s0  }
0xbc: {  	[sflag:s0] =	ssyncadd.remote.s32 $0x1  }
0xbd: {  	_ =	sfence.sel $0xFFFF  }
0xbe: {  	[dreg:$0x0] =	wrdreg $0xFFFFFFFF;
	(pc) =	sbr.abs _section_cstart, $3  }
0xbf: {  	[dreg:$0x1] =	wrdreg $0xFFFFFFFF  }
0xc0: {  	_ =	task.clear_ibuf [dreg:s6], $0x2FFFF;
	_ =	strace $0x9FFFFFFF  }
0xc1: {  	(tm) =	ssettm $0x7FFFFFFF  }
tec
execute0_lowered:
.L_overlay_start_1:
0x0: {  	(tag) =	ssettag $0x1  }
0x1: {  	s0 =	srdreg.scid;
	s21 =	stileid.u32  }
0x2: {  	s1 =	sand.u32 $0x1, s0;
	s20 =	sshll.u32 s21, $0x1  }
0x3: {  	s0 =	sor.u32 s1, s20  }
0x4: {  	s3 =	smul.u32 $0x320, s0  }
0x5: {  	s4 =	smul.u32 $0xC8000, s0  }
0x6: {  	s2 =	rddreg [dreg:$0x0];
	s30 =	simm.s32 $0x0;
	s0 =	smul.u32 $0x19000, s0  }
0x7: {  	[smem:$0x7FF] =	sst s30;
	s5 =	sadd.s32 $0xC9E00, s2  }
0x8: {  	_ =	strace $0x80000047;
	s3 =	sadd.s32 s3, s2;
	s0 =	sadd.s32 s5, s0  }
0x9: {  	s4 =	sshrl.u32 s4, $0x3;
	s3 =	sadd.s32 $0x400, s3;
	[dreg:$0x3] =	wrdreg s0  }
0xa: {  	[dreg:$0x2] =	wrdreg s3;
	s3 =	sadd.s32 s5, s4  }
0xb: {  	s22 =	sadd.s32 $0x1000, s3;
	s0 =	rddreg [dreg:$0x2]  }
0xc: {  	s23 =	sadd.s32 $0x2000, s3;
	[dreg:$0x4] =	wrdreg s22  }
0xd: {  	s24 =	sadd.s32 $0x3000, s3;
	[dreg:$0x5] =	wrdreg s23  }
0xe: {  	s25 =	sadd.s32 $0x4000, s3;
	[dreg:$0x6] =	wrdreg s24  }
0xf: {  	s26 =	sadd.s32 $0x5000, s3;
	[dreg:$0x7] =	wrdreg s25  }
0x10: {  	s4 =	sadd.s32 $0x6000, s3;
	[dreg:$0x8] =	wrdreg s26  }
0x11: {  	s5 =	sadd.s32 $0x7000, s3;
	[dreg:$0x9] =	wrdreg s4  }
0x12: {  	s6 =	sadd.s32 $0x8000, s3;
	[dreg:$0xa] =	wrdreg s5  }
0x13: {  	s7 =	sadd.s32 $0x9000, s3;
	[dreg:$0xb] =	wrdreg s6  }
0x14: {  	s8 =	sadd.s32 $0xA000, s3;
	[dreg:$0xc] =	wrdreg s7  }
0x15: {  	s9 =	sadd.s32 $0xB000, s3;
	[dreg:$0xd] =	wrdreg s8  }
0x16: {  	s10 =	sadd.s32 $0xC000, s3;
	[dreg:$0xe] =	wrdreg s9  }
0x17: {  	s11 =	sadd.s32 $0xD000, s3;
	[dreg:$0xf] =	wrdreg s10  }
0x18: {  	s12 =	sadd.s32 $0xE000, s3;
	[dreg:$0x10] =	wrdreg s11  }
0x19: {  	s13 =	sadd.s32 $0xF000, s3;
	[dreg:$0x11] =	wrdreg s12  }
0x1a: {  	s14 =	sadd.s32 $0x10000, s3;
	[dreg:$0x12] =	wrdreg s13  }
0x1b: {  	s15 =	sadd.s32 $0x11000, s3;
	[dreg:$0x13] =	wrdreg s14  }
0x1c: {  	s16 =	sadd.s32 $0x12000, s3;
	[dreg:$0x14] =	wrdreg s15  }
0x1d: {  	s17 =	sadd.s32 $0x13000, s3;
	[dreg:$0x15] =	wrdreg s16  }
0x1e: {  	s18 =	sadd.s32 $0x14000, s3;
	[dreg:$0x16] =	wrdreg s17  }
0x1f: {  	s19 =	sadd.s32 $0x15000, s3;
	[dreg:$0x17] =	wrdreg s18  }
0x20: {  	s20 =	sadd.s32 $0x16000, s3;
	[dreg:$0x18] =	wrdreg s19  }
0x21: {  	[dreg:$0x19] =	wrdreg s20;
	s22 =	sadd.s32 $0x17000, s3  }
0x22: {  	s23 =	sadd.s32 $0x18000, s3;
	[dreg:$0x1a] =	wrdreg s22  }
0x23: {  	s24 =	simm.s32 $0x100;
	[dreg:$0x1b] =	wrdreg s23  }
0x24: {  	s25 =	simm.s32 $0x180;
	[dreg:$0x1c] =	wrdreg s24  }
0x25: {  	s26 =	simm.s32 $0x200;
	[dreg:$0x1d] =	wrdreg s25  }
0x26: {  	s3 =	simm.s32 $0x280;
	[dreg:$0x1e] =	wrdreg s26  }
0x27: {  	s4 =	simm.s32 $0x300;
	[dreg:$0x1f] =	wrdreg s3  }
0x28: {  	s5 =	simm.s32 $0x380;
	[smem:$0x7DA] =	sst s4  }
0x29: {  	s6 =	simm.s32 $0x400;
	[smem:$0x7DB] =	sst s5  }
0x2a: {  	s7 =	simm.s32 $0x480;
	[smem:$0x7DC] =	sst s6  }
0x2b: {  	s8 =	simm.s32 $0x500;
	[smem:$0x7DD] =	sst s7  }
0x2c: {  	s9 =	simm.s32 $0x580;
	[smem:$0x7DE] =	sst s8  }
0x2d: {  	s10 =	simm.s32 $0x600;
	[smem:$0x7DF] =	sst s9  }
0x2e: {  	s11 =	simm.s32 $0x680;
	[smem:$0x7E0] =	sst s10  }
0x2f: {  	s12 =	simm.s32 $0x700;
	[smem:$0x7E1] =	sst s11  }
0x30: {  	s13 =	simm.s32 $0x780;
	[smem:$0x7E2] =	sst s12  }
0x31: {  	s14 =	simm.s32 $0x800;
	[smem:$0x7E3] =	sst s13  }
0x32: {  	s15 =	simm.s32 $0x880;
	[smem:$0x7E4] =	sst s14  }
0x33: {  	s31 =	simm.s32 $0x9;
	s16 =	simm.s32 $0x900;
	[smem:$0x7E5] =	sst s15  }
0x34: {  	s29 =	simm.s32 $0x1580;
	s17 =	simm.s32 $0x980;
	[smem:$0x7E6] =	sst s16  }
0x35: {  	p0 =	por $0x0, $0x0;
	s18 =	simm.s32 $0xA00;
	[smem:$0x7E7] =	sst s17  }
0x36: {  	s28 =	simm.s32 $0x1680;
	s19 =	simm.s32 $0xA80;
	[smem:$0x7E8] =	sst s18  }
0x37: {  	s1 =	ssub.s32 $0x2, s1;
	[smem:$0x7E9] =	sst s19;
	s22 =	simm.s32 $0xB00  }
0x38: {  	s20 =	sshrl.u32 s1, $0x1;
	s23 =	simm.s32 $0xB80;
	[smem:$0x7EA] =	sst s22  }
0x39: {  	s4 =	sadd.s32 $0x6800, s2;
	s24 =	simm.s32 $0xC00;
	[smem:$0x7EB] =	sst s23  }
0x3a: {  	s1 =	ssub.s32 s1, s20;
	s25 =	simm.s32 $0xC80;
	[smem:$0x7EC] =	sst s24  }
0x3b: {  	s2 =	simm.s32 $0x80;
	s26 =	simm.s32 $0xD00;
	[smem:$0x7ED] =	sst s25  }
0x3c: {  	s3 =	simm.s32 $0x1900;
	s5 =	simm.s32 $0xD80;
	[smem:$0x7EE] =	sst s26  }
0x3d: {  	s7 =	simm.s32 $0x3900;
	s6 =	simm.s32 $0xE00;
	[smem:$0x7EF] =	sst s5  }
0x3e: {  	s13 =	simm.s32 $0x5900;
	s8 =	simm.s32 $0xE80;
	[smem:$0x7F0] =	sst s6  }
0x3f: {  	s20 =	simm.s32 $0x7900;
	s9 =	simm.s32 $0xF00;
	[smem:$0x7F1] =	sst s8  }
0x40: {  	s10 =	simm.s32 $0xF80;
	s19 =	simm.s32 $0xB900;
	[smem:$0x7F2] =	sst s9  }
0x41: {  	s11 =	simm.s32 $0x1000;
	s12 =	simm.s32 $0x1080;
	[smem:$0x7F3] =	sst s10  }
0x42: {  	s14 =	simm.s32 $0x1100;
	s15 =	simm.s32 $0x1180;
	[smem:$0x7F4] =	sst s11  }
0x43: {  	s18 =	simm.s32 $0xF900;
	s16 =	simm.s32 $0x1200;
	[smem:$0x7F5] =	sst s12  }
0x44: {  	s17 =	simm.s32 $0x2;
	s1 =	smax.u32 s1, $0x1;
	[smem:$0x7F6] =	sst s14  }
0x45: {  	s8 =	simm.s32 $0x9900;
	s5 =	simm.s32 $0x1;
	[smem:$0x7F7] =	sst s15  }
0x46: {  	s6 =	simm.s32 $0x40;
	s10 =	simm.s32 $0xD900;
	[smem:$0x7F8] =	sst s16  }
0x47: {  	s22 =	simm.s32 $0x1280;
	s9 =	simm.s32 $0x5;
	s23 =	simm.s32 $0x1300  }
0x48: {  	s16 =	simm.s32 $0x3;
	s24 =	simm.s32 $0x1380;
	[smem:$0x7F9] =	sst s22  }
0x49: {  	s11 =	simm.s32 $0x6;
	[smem:$0x7FA] =	sst s23;
	p1 =	sne.s32 s1, $0x1  }
.Ltmp0:
0x4a: {  	s25 =	simm.s32 $0x1400;
	[smem:$0x7FB] =	sst s24;
	(pc) =	sbr.rel @!p1 .LBB2_1-.Ltmp0, $4  }
0x4b: {  	s15 =	simm.s32 $0x4;
	s26 =	simm.s32 $0x1480;
	[smem:$0x7FC] =	sst s25  }
0x4c: {  	s14 =	simm.s32 $0x7;
	s12 =	simm.s32 $0x8;
	[smem:$0x7FD] =	sst s26  }
0x4d: {  	s1 =	sadd.s32 $0xFFFFFFFF, s1;
	s26 =	simm.s32 $0x1600;
	s24 =	simm.s32 $0x1700  }
0x4e: {  	s25 =	simm.s32 $0x1780;
	s22 =	simm.s32 $0x1800;
	s23 =	simm.s32 $0x1880  }
0x4f: {  	[tilespmem:s30], [sflag:$0x9] =	stream.linear.gather [hbm4b:s0+s30], $0x1900, $0x38;
	[tilespmem:$0x11900] =	vst v63  }
0x50: {  	_ =	swait.ge [sflag:s31], $0x1900  }
0x51: {  	[sflag:s31] =	ssyncset.done $0x0  }
0x52: {  	[sflag:s31] =	ssyncadd.s32 $0xFFFFE700  }
0x53: {  	[tilespmem:s3], [sflag:$0x1] =	stream.indirect.gather [hbm4b:s4+s2], $0x40, s30, s2, $0xb8;
	[tilespmem:$0x11900] =	vst v63  }
0x54: {  	_ = 	snop  }
0x55: {  	[tilespmem:s7], [sflag:$0x1] =	stream.indirect.gather [hbm4b:s4+s2], $0x40, s2, s2, $0xb8;
	[tilespmem:$0x11900] =	vst v63  }
0x56: {  	s0 =	rddreg [dreg:$0x1c]  }
0x57: {  	[tilespmem:s13], [sflag:$0x2] =	stream.indirect.gather [hbm4b:s4+s2], $0x40, s0, s2, $0xb8;
	[tilespmem:$0x11900] =	vst v63  }
0x58: {  	s21 =	smov.u32 s1;
	s1 =	rddreg [dreg:$0x1d]  }
0x59: {  	[tilespmem:s20], [sflag:$0x2] =	stream.indirect.gather [hbm4b:s4+s2], $0x40, s1, s2, $0xb8;
	[tilespmem:$0x11900] =	vst v63  }
0x5a: {  	s0 =	rddreg [dreg:$0x1e]  }
0x5b: {  	[tilespmem:s8], [sflag:$0x3] =	stream.indirect.gather [hbm4b:s4+s2], $0x40, s0, s2, $0xb8;
	[tilespmem:$0x11900] =	vst v63  }
0x5c: {  	s1 =	rddreg [dreg:$0x1f]  }
0x5d: {  	[tilespmem:s19], [sflag:$0x3] =	stream.indirect.gather [hbm4b:s4+s2], $0x40, s1, s2, $0xb8;
	[tilespmem:$0x11900] =	vst v63  }
0x5e: {  	_ =	swait.ge [sflag:s5], $0x2000  }
0x5f: {  	[sflag:s5] =	ssyncset.done $0x0  }
0x60: {  	[sflag:s5] =	ssyncadd.s32 $0xFFFFE000  }
0x61: {  	_ =	swait.ge [sflag:s5], $0x2000  }
0x62: {  	s0 =	rddreg [dreg:$0x3];
	[sflag:s5] =	ssyncset.done $0x0  }
0x63: {  	s1 =	sld [smem:$0x7DA];
	[sflag:s5] =	ssyncadd.s32 $0xFFFFE000  }
0x64: {  	[hbm4b:s0+s6] =	stream.strided.scatter [tilespmem:s3], [sflag:$0x5], $0x4000, s2, s6, $0x38;
	[tilespmem:$0x11900] =	vst v63  }
0x65: {  	s0 =	sld [smem:$0x7DB]  }
0x66: {  	[tilespmem:s10], [sflag:$0x4] =	stream.indirect.gather [hbm4b:s4+s2], $0x40, s1, s2, $0xb8;
	[tilespmem:$0x11900] =	vst v63  }
0x67: {  	_ = 	snop  }
0x68: {  	[tilespmem:s18], [sflag:$0x4] =	stream.indirect.gather [hbm4b:s4+s2], $0x40, s0, s2, $0xb8;
	[tilespmem:$0x11900] =	vst v63  }
0x69: {  	_ =	swait.ge [sflag:s17], $0x2000  }
0x6a: {  	[sflag:s17] =	ssyncset.done $0x0  }
0x6b: {  	[sflag:s17] =	ssyncadd.s32 $0xFFFFE000  }
0x6c: {  	_ =	swait.ge [sflag:s17], $0x2000  }
0x6d: {  	[sflag:s17] =	ssyncset.done $0x0  }
0x6e: {  	s1 =	rddreg [dreg:$0x4];
	[sflag:s17] =	ssyncadd.s32 $0xFFFFE000  }
0x6f: {  	[hbm4b:s1+s6] =	stream.strided.scatter [tilespmem:s13], [sflag:$0x6], $0x4000, s2, s6, $0x38;
	[tilespmem:$0x11900] =	vst v63  }
0x70: {  	_ =	swait.ge [sflag:s9], $0x4000  }
0x71: {  	s0 =	sld [smem:$0x7DC]  }
0x72: {  	[sflag:s9] =	ssyncset.done $0x0  }
0x73: {  	s1 =	sld [smem:$0x7DD];
	[sflag:s9] =	ssyncadd.s32 $0xFFFFC000  }
0x74: {  	[tilespmem:s3], [sflag:$0x1] =	stream.indirect.gather [hbm4b:s4+s2], $0x40, s0, s2, $0xb8;
	[tilespmem:$0x11900] =	vst v63  }
0x75: {  	_ = 	snop  }
0x76: {  	[tilespmem:s7], [sflag:$0x1] =	stream.indirect.gather [hbm4b:s4+s2], $0x40, s1, s2, $0xb8;
	[tilespmem:$0x11900] =	vst v63  }
0x77: {  	_ =	swait.ge [sflag:s16], $0x2000  }
0x78: {  	[sflag:s16] =	ssyncset.done $0x0  }
0x79: {  	[sflag:s16] =	ssyncadd.s32 $0xFFFFE000  }
0x7a: {  	_ =	swait.ge [sflag:s16], $0x2000  }
0x7b: {  	[sflag:s16] =	ssyncset.done $0x0  }
0x7c: {  	s1 =	rddreg [dreg:$0x5];
	[sflag:s16] =	ssyncadd.s32 $0xFFFFE000  }
0x7d: {  	[hbm4b:s1+s6] =	stream.strided.scatter [tilespmem:s8], [sflag:$0x7], $0x4000, s2, s6, $0x38;
	[tilespmem:$0x11900] =	vst v63  }
0x7e: {  	_ =	swait.ge [sflag:s11], $0x4000  }
0x7f: {  	s0 =	sld [smem:$0x7DE]  }
0x80: {  	[sflag:s11] =	ssyncset.done $0x0  }
0x81: {  	s1 =	sld [smem:$0x7DF];
	[sflag:s11] =	ssyncadd.s32 $0xFFFFC000  }
0x82: {  	[tilespmem:s13], [sflag:$0x2] =	stream.indirect.gather [hbm4b:s4+s2], $0x40, s0, s2, $0xb8;
	[tilespmem:$0x11900] =	vst v63  }
0x83: {  	_ = 	snop  }
0x84: {  	[tilespmem:s20], [sflag:$0x2] =	stream.indirect.gather [hbm4b:s4+s2], $0x40, s1, s2, $0xb8;
	[tilespmem:$0x11900] =	vst v63  }
0x85: {  	_ =	swait.ge [sflag:s15], $0x2000  }
0x86: {  	[sflag:s15] =	ssyncset.done $0x0  }
0x87: {  	[sflag:s15] =	ssyncadd.s32 $0xFFFFE000  }
0x88: {  	_ =	swait.ge [sflag:s15], $0x2000  }
0x89: {  	[sflag:s15] =	ssyncset.done $0x0  }
0x8a: {  	s1 =	rddreg [dreg:$0x6];
	[sflag:s15] =	ssyncadd.s32 $0xFFFFE000  }
0x8b: {  	[hbm4b:s1+s6] =	stream.strided.scatter [tilespmem:s10], [sflag:$0x8], $0x4000, s2, s6, $0x38;
	[tilespmem:$0x11900] =	vst v63  }
0x8c: {  	_ =	swait.ge [sflag:s14], $0x4000  }
0x8d: {  	s0 =	sld [smem:$0x7E0]  }
0x8e: {  	[sflag:s14] =	ssyncset.done $0x0  }
0x8f: {  	s1 =	sld [smem:$0x7E1];
	[sflag:s14] =	ssyncadd.s32 $0xFFFFC000  }
0x90: {  	[tilespmem:s8], [sflag:$0x3] =	stream.indirect.gather [hbm4b:s4+s2], $0x40, s0, s2, $0xb8;
	[tilespmem:$0x11900] =	vst v63  }
0x91: {  	_ = 	snop  }
0x92: {  	[tilespmem:s19], [sflag:$0x3] =	stream.indirect.gather [hbm4b:s4+s2], $0x40, s1, s2, $0xb8;
	[tilespmem:$0x11900] =	vst v63  }
0x93: {  	_ =	swait.ge [sflag:s5], $0x2000  }
0x94: {  	[sflag:s5] =	ssyncset.done $0x0  }
0x95: {  	[sflag:s5] =	ssyncadd.s32 $0xFFFFE000  }
0x96: {  	_ =	swait.ge [sflag:s5], $0x2000  }
0x97: {  	[sflag:s5] =	ssyncset.done $0x0  }
0x98: {  	s1 =	rddreg [dreg:$0x7];
	[sflag:s5] =	ssyncadd.s32 $0xFFFFE000  }
0x99: {  	[hbm4b:s1+s6] =	stream.strided.scatter [tilespmem:s3], [sflag:$0x5], $0x4000, s2, s6, $0x38;
	[tilespmem:$0x11900] =	vst v63  }
0x9a: {  	_ =	swait.ge [sflag:s12], $0x4000  }
0x9b: {  	s0 =	sld [smem:$0x7E2]  }
0x9c: {  	[sflag:s12] =	ssyncset.done $0x0  }
0x9d: {  	s1 =	sld [smem:$0x7E3];
	[sflag:s12] =	ssyncadd.s32 $0xFFFFC000  }
0x9e: {  	[tilespmem:s10], [sflag:$0x4] =	stream.indirect.gather [hbm4b:s4+s2], $0x40, s0, s2, $0xb8;
	[tilespmem:$0x11900] =	vst v63  }
0x9f: {  	_ = 	snop  }
0xa0: {  	[tilespmem:s18], [sflag:$0x4] =	stream.indirect.gather [hbm4b:s4+s2], $0x40, s1, s2, $0xb8;
	[tilespmem:$0x11900] =	vst v63  }
0xa1: {  	_ =	swait.ge [sflag:s17], $0x2000  }
0xa2: {  	[sflag:s17] =	ssyncset.done $0x0  }
0xa3: {  	[sflag:s17] =	ssyncadd.s32 $0xFFFFE000  }
0xa4: {  	_ =	swait.ge [sflag:s17], $0x2000  }
0xa5: {  	[sflag:s17] =	ssyncset.done $0x0  }
0xa6: {  	s1 =	rddreg [dreg:$0x8];
	[sflag:s17] =	ssyncadd.s32 $0xFFFFE000  }
0xa7: {  	[hbm4b:s1+s6] =	stream.strided.scatter [tilespmem:s13], [sflag:$0x6], $0x4000, s2, s6, $0x38;
	[tilespmem:$0x11900] =	vst v63  }
0xa8: {  	_ =	swait.ge [sflag:s9], $0x4000  }
0xa9: {  	s0 =	sld [smem:$0x7E4]  }
0xaa: {  	[sflag:s9] =	ssyncset.done $0x0  }
0xab: {  	s1 =	sld [smem:$0x7E5];
	[sflag:s9] =	ssyncadd.s32 $0xFFFFC000  }
0xac: {  	[tilespmem:s3], [sflag:$0x1] =	stream.indirect.gather [hbm4b:s4+s2], $0x40, s0, s2, $0xb8;
	[tilespmem:$0x11900] =	vst v63  }
0xad: {  	_ = 	snop  }
0xae: {  	[tilespmem:s7], [sflag:$0x1] =	stream.indirect.gather [hbm4b:s4+s2], $0x40, s1, s2, $0xb8;
	[tilespmem:$0x11900] =	vst v63  }
0xaf: {  	_ =	swait.ge [sflag:s16], $0x2000  }
0xb0: {  	[sflag:s16] =	ssyncset.done $0x0  }
0xb1: {  	[sflag:s16] =	ssyncadd.s32 $0xFFFFE000  }
0xb2: {  	_ =	swait.ge [sflag:s16], $0x2000  }
0xb3: {  	[sflag:s16] =	ssyncset.done $0x0  }
0xb4: {  	s1 =	rddreg [dreg:$0x9];
	[sflag:s16] =	ssyncadd.s32 $0xFFFFE000  }
0xb5: {  	[hbm4b:s1+s6] =	stream.strided.scatter [tilespmem:s8], [sflag:$0x7], $0x4000, s2, s6, $0x38;
	[tilespmem:$0x11900] =	vst v63  }
0xb6: {  	_ =	swait.ge [sflag:s11], $0x4000  }
0xb7: {  	s0 =	sld [smem:$0x7E6]  }
0xb8: {  	[sflag:s11] =	ssyncset.done $0x0  }
0xb9: {  	s1 =	sld [smem:$0x7E7];
	[sflag:s11] =	ssyncadd.s32 $0xFFFFC000  }
0xba: {  	[tilespmem:s13], [sflag:$0x2] =	stream.indirect.gather [hbm4b:s4+s2], $0x40, s0, s2, $0xb8;
	[tilespmem:$0x11900] =	vst v63  }
0xbb: {  	_ = 	snop  }
0xbc: {  	[tilespmem:s20], [sflag:$0x2] =	stream.indirect.gather [hbm4b:s4+s2], $0x40, s1, s2, $0xb8;
	[tilespmem:$0x11900] =	vst v63  }
0xbd: {  	_ =	swait.ge [sflag:s15], $0x2000  }
0xbe: {  	[sflag:s15] =	ssyncset.done $0x0  }
0xbf: {  	[sflag:s15] =	ssyncadd.s32 $0xFFFFE000  }
0xc0: {  	_ =	swait.ge [sflag:s15], $0x2000  }
0xc1: {  	[sflag:s15] =	ssyncset.done $0x0  }
0xc2: {  	s1 =	rddreg [dreg:$0xa];
	[sflag:s15] =	ssyncadd.s32 $0xFFFFE000  }
0xc3: {  	[hbm4b:s1+s6] =	stream.strided.scatter [tilespmem:s10], [sflag:$0x8], $0x4000, s2, s6, $0x38;
	[tilespmem:$0x11900] =	vst v63  }
0xc4: {  	_ =	swait.ge [sflag:s14], $0x4000  }
0xc5: {  	s0 =	sld [smem:$0x7E8]  }
0xc6: {  	[sflag:s14] =	ssyncset.done $0x0  }
0xc7: {  	s1 =	sld [smem:$0x7E9];
	[sflag:s14] =	ssyncadd.s32 $0xFFFFC000  }
0xc8: {  	[tilespmem:s8], [sflag:$0x3] =	stream.indirect.gather [hbm4b:s4+s2], $0x40, s0, s2, $0xb8;
	[tilespmem:$0x11900] =	vst v63  }
0xc9: {  	_ = 	snop  }
0xca: {  	[tilespmem:s19], [sflag:$0x3] =	stream.indirect.gather [hbm4b:s4+s2], $0x40, s1, s2, $0xb8;
	[tilespmem:$0x11900] =	vst v63  }
0xcb: {  	_ =	swait.ge [sflag:s5], $0x2000  }
0xcc: {  	[sflag:s5] =	ssyncset.done $0x0  }
0xcd: {  	[sflag:s5] =	ssyncadd.s32 $0xFFFFE000  }
0xce: {  	_ =	swait.ge [sflag:s5], $0x2000  }
0xcf: {  	[sflag:s5] =	ssyncset.done $0x0  }
0xd0: {  	s1 =	rddreg [dreg:$0xb];
	[sflag:s5] =	ssyncadd.s32 $0xFFFFE000  }
0xd1: {  	[hbm4b:s1+s6] =	stream.strided.scatter [tilespmem:s3], [sflag:$0x5], $0x4000, s2, s6, $0x38;
	[tilespmem:$0x11900] =	vst v63  }
0xd2: {  	_ =	swait.ge [sflag:s12], $0x4000  }
0xd3: {  	s0 =	sld [smem:$0x7EA]  }
0xd4: {  	[sflag:s12] =	ssyncset.done $0x0  }
0xd5: {  	s1 =	sld [smem:$0x7EB];
	[sflag:s12] =	ssyncadd.s32 $0xFFFFC000  }
0xd6: {  	[tilespmem:s10], [sflag:$0x4] =	stream.indirect.gather [hbm4b:s4+s2], $0x40, s0, s2, $0xb8;
	[tilespmem:$0x11900] =	vst v63  }
0xd7: {  	_ = 	snop  }
0xd8: {  	[tilespmem:s18], [sflag:$0x4] =	stream.indirect.gather [hbm4b:s4+s2], $0x40, s1, s2, $0xb8;
	[tilespmem:$0x11900] =	vst v63  }
0xd9: {  	_ =	swait.ge [sflag:s17], $0x2000  }
0xda: {  	[sflag:s17] =	ssyncset.done $0x0  }
0xdb: {  	[sflag:s17] =	ssyncadd.s32 $0xFFFFE000  }
0xdc: {  	_ =	swait.ge [sflag:s17], $0x2000  }
0xdd: {  	[sflag:s17] =	ssyncset.done $0x0  }
0xde: {  	s1 =	rddreg [dreg:$0xc];
	[sflag:s17] =	ssyncadd.s32 $0xFFFFE000  }
0xdf: {  	[hbm4b:s1+s6] =	stream.strided.scatter [tilespmem:s13], [sflag:$0x6], $0x4000, s2, s6, $0x38;
	[tilespmem:$0x11900] =	vst v63  }
0xe0: {  	_ =	swait.ge [sflag:s9], $0x4000  }
0xe1: {  	s0 =	sld [smem:$0x7EC]  }
0xe2: {  	[sflag:s9] =	ssyncset.done $0x0  }
0xe3: {  	s1 =	sld [smem:$0x7ED];
	[sflag:s9] =	ssyncadd.s32 $0xFFFFC000  }
0xe4: {  	[tilespmem:s3], [sflag:$0x1] =	stream.indirect.gather [hbm4b:s4+s2], $0x40, s0, s2, $0xb8;
	[tilespmem:$0x11900] =	vst v63  }
0xe5: {  	_ = 	snop  }
0xe6: {  	[tilespmem:s7], [sflag:$0x1] =	stream.indirect.gather [hbm4b:s4+s2], $0x40, s1, s2, $0xb8;
	[tilespmem:$0x11900] =	vst v63  }
0xe7: {  	_ =	swait.ge [sflag:s16], $0x2000  }
0xe8: {  	[sflag:s16] =	ssyncset.done $0x0  }
0xe9: {  	[sflag:s16] =	ssyncadd.s32 $0xFFFFE000  }
0xea: {  	_ =	swait.ge [sflag:s16], $0x2000  }
0xeb: {  	[sflag:s16] =	ssyncset.done $0x0  }
0xec: {  	s1 =	rddreg [dreg:$0xd];
	[sflag:s16] =	ssyncadd.s32 $0xFFFFE000  }
0xed: {  	[hbm4b:s1+s6] =	stream.strided.scatter [tilespmem:s8], [sflag:$0x7], $0x4000, s2, s6, $0x38;
	[tilespmem:$0x11900] =	vst v63  }
0xee: {  	_ =	swait.ge [sflag:s11], $0x4000  }
0xef: {  	s0 =	sld [smem:$0x7EE]  }
0xf0: {  	[sflag:s11] =	ssyncset.done $0x0  }
0xf1: {  	s1 =	sld [smem:$0x7EF];
	[sflag:s11] =	ssyncadd.s32 $0xFFFFC000  }
0xf2: {  	[tilespmem:s13], [sflag:$0x2] =	stream.indirect.gather [hbm4b:s4+s2], $0x40, s0, s2, $0xb8;
	[tilespmem:$0x11900] =	vst v63  }
0xf3: {  	_ = 	snop  }
0xf4: {  	[tilespmem:s20], [sflag:$0x2] =	stream.indirect.gather [hbm4b:s4+s2], $0x40, s1, s2, $0xb8;
	[tilespmem:$0x11900] =	vst v63  }
0xf5: {  	_ =	swait.ge [sflag:s15], $0x2000  }
0xf6: {  	[sflag:s15] =	ssyncset.done $0x0  }
0xf7: {  	[sflag:s15] =	ssyncadd.s32 $0xFFFFE000  }
0xf8: {  	_ =	swait.ge [sflag:s15], $0x2000  }
0xf9: {  	[sflag:s15] =	ssyncset.done $0x0  }
0xfa: {  	s1 =	rddreg [dreg:$0xe];
	[sflag:s15] =	ssyncadd.s32 $0xFFFFE000  }
0xfb: {  	[hbm4b:s1+s6] =	stream.strided.scatter [tilespmem:s10], [sflag:$0x8], $0x4000, s2, s6, $0x38;
	[tilespmem:$0x11900] =	vst v63  }
0xfc: {  	_ =	swait.ge [sflag:s14], $0x4000  }
0xfd: {  	s0 =	sld [smem:$0x7F0]  }
0xfe: {  	[sflag:s14] =	ssyncset.done $0x0  }
0xff: {  	s1 =	sld [smem:$0x7F1];
	[sflag:s14] =	ssyncadd.s32 $0xFFFFC000  }
0x100: {  	[tilespmem:s8], [sflag:$0x3] =	stream.indirect.gather [hbm4b:s4+s2], $0x40, s0, s2, $0xb8;
	[tilespmem:$0x11900] =	vst v63  }
0x101: {  	_ = 	snop  }
0x102: {  	[tilespmem:s19], [sflag:$0x3] =	stream.indirect.gather [hbm4b:s4+s2], $0x40, s1, s2, $0xb8;
	[tilespmem:$0x11900] =	vst v63  }
0x103: {  	_ =	swait.ge [sflag:s5], $0x2000  }
0x104: {  	[sflag:s5] =	ssyncset.done $0x0  }
0x105: {  	[sflag:s5] =	ssyncadd.s32 $0xFFFFE000  }
0x106: {  	_ =	swait.ge [sflag:s5], $0x2000  }
0x107: {  	[sflag:s5] =	ssyncset.done $0x0  }
0x108: {  	s1 =	rddreg [dreg:$0xf];
	[sflag:s5] =	ssyncadd.s32 $0xFFFFE000  }
0x109: {  	[hbm4b:s1+s6] =	stream.strided.scatter [tilespmem:s3], [sflag:$0x5], $0x4000, s2, s6, $0x38;
	[tilespmem:$0x11900] =	vst v63  }
0x10a: {  	_ =	swait.ge [sflag:s12], $0x4000  }
0x10b: {  	s0 =	sld [smem:$0x7F2]  }
0x10c: {  	[sflag:s12] =	ssyncset.done $0x0  }
0x10d: {  	s1 =	sld [smem:$0x7F3];
	[sflag:s12] =	ssyncadd.s32 $0xFFFFC000  }
0x10e: {  	[tilespmem:s10], [sflag:$0x4] =	stream.indirect.gather [hbm4b:s4+s2], $0x40, s0, s2, $0xb8;
	[tilespmem:$0x11900] =	vst v63  }
0x10f: {  	_ = 	snop  }
0x110: {  	[tilespmem:s18], [sflag:$0x4] =	stream.indirect.gather [hbm4b:s4+s2], $0x40, s1, s2, $0xb8;
	[tilespmem:$0x11900] =	vst v63  }
0x111: {  	_ =	swait.ge [sflag:s17], $0x2000  }
0x112: {  	[sflag:s17] =	ssyncset.done $0x0  }
0x113: {  	[sflag:s17] =	ssyncadd.s32 $0xFFFFE000  }
0x114: {  	_ =	swait.ge [sflag:s17], $0x2000  }
0x115: {  	[sflag:s17] =	ssyncset.done $0x0  }
0x116: {  	s1 =	rddreg [dreg:$0x10];
	[sflag:s17] =	ssyncadd.s32 $0xFFFFE000  }
0x117: {  	[hbm4b:s1+s6] =	stream.strided.scatter [tilespmem:s13], [sflag:$0x6], $0x4000, s2, s6, $0x38;
	[tilespmem:$0x11900] =	vst v63  }
0x118: {  	_ =	swait.ge [sflag:s9], $0x4000  }
0x119: {  	s0 =	sld [smem:$0x7F4]  }
0x11a: {  	[sflag:s9] =	ssyncset.done $0x0  }
0x11b: {  	s1 =	sld [smem:$0x7F5];
	[sflag:s9] =	ssyncadd.s32 $0xFFFFC000  }
0x11c: {  	[tilespmem:s3], [sflag:$0x1] =	stream.indirect.gather [hbm4b:s4+s2], $0x40, s0, s2, $0xb8;
	[tilespmem:$0x11900] =	vst v63  }
0x11d: {  	_ = 	snop  }
0x11e: {  	[tilespmem:s7], [sflag:$0x1] =	stream.indirect.gather [hbm4b:s4+s2], $0x40, s1, s2, $0xb8;
	[tilespmem:$0x11900] =	vst v63  }
0x11f: {  	_ =	swait.ge [sflag:s16], $0x2000  }
0x120: {  	[sflag:s16] =	ssyncset.done $0x0  }
0x121: {  	[sflag:s16] =	ssyncadd.s32 $0xFFFFE000  }
0x122: {  	_ =	swait.ge [sflag:s16], $0x2000  }
0x123: {  	[sflag:s16] =	ssyncset.done $0x0  }
0x124: {  	s1 =	rddreg [dreg:$0x11];
	[sflag:s16] =	ssyncadd.s32 $0xFFFFE000  }
0x125: {  	[hbm4b:s1+s6] =	stream.strided.scatter [tilespmem:s8], [sflag:$0x7], $0x4000, s2, s6, $0x38;
	[tilespmem:$0x11900] =	vst v63  }
0x126: {  	_ =	swait.ge [sflag:s11], $0x4000  }
0x127: {  	s0 =	sld [smem:$0x7F6]  }
0x128: {  	[sflag:s11] =	ssyncset.done $0x0  }
0x129: {  	s1 =	sld [smem:$0x7F7];
	[sflag:s11] =	ssyncadd.s32 $0xFFFFC000  }
0x12a: {  	[tilespmem:s13], [sflag:$0x2] =	stream.indirect.gather [hbm4b:s4+s2], $0x40, s0, s2, $0xb8;
	[tilespmem:$0x11900] =	vst v63  }
0x12b: {  	_ = 	snop  }
0x12c: {  	[tilespmem:s20], [sflag:$0x2] =	stream.indirect.gather [hbm4b:s4+s2], $0x40, s1, s2, $0xb8;
	[tilespmem:$0x11900] =	vst v63  }
0x12d: {  	_ =	swait.ge [sflag:s15], $0x2000  }
0x12e: {  	[sflag:s15] =	ssyncset.done $0x0  }
0x12f: {  	[sflag:s15] =	ssyncadd.s32 $0xFFFFE000  }
0x130: {  	_ =	swait.ge [sflag:s15], $0x2000  }
0x131: {  	[sflag:s15] =	ssyncset.done $0x0  }
0x132: {  	s1 =	rddreg [dreg:$0x12];
	[sflag:s15] =	ssyncadd.s32 $0xFFFFE000  }
0x133: {  	[hbm4b:s1+s6] =	stream.strided.scatter [tilespmem:s10], [sflag:$0x8], $0x4000, s2, s6, $0x38;
	[tilespmem:$0x11900] =	vst v63  }
0x134: {  	_ =	swait.ge [sflag:s14], $0x4000  }
0x135: {  	s0 =	sld [smem:$0x7F8]  }
0x136: {  	[sflag:s14] =	ssyncset.done $0x0  }
0x137: {  	s1 =	sld [smem:$0x7F9];
	[sflag:s14] =	ssyncadd.s32 $0xFFFFC000  }
0x138: {  	[tilespmem:s8], [sflag:$0x3] =	stream.indirect.gather [hbm4b:s4+s2], $0x40, s0, s2, $0xb8;
	[tilespmem:$0x11900] =	vst v63  }
0x139: {  	_ = 	snop  }
0x13a: {  	[tilespmem:s19], [sflag:$0x3] =	stream.indirect.gather [hbm4b:s4+s2], $0x40, s1, s2, $0xb8;
	[tilespmem:$0x11900] =	vst v63  }
0x13b: {  	_ =	swait.ge [sflag:s5], $0x2000  }
0x13c: {  	[sflag:s5] =	ssyncset.done $0x0  }
0x13d: {  	[sflag:s5] =	ssyncadd.s32 $0xFFFFE000  }
0x13e: {  	_ =	swait.ge [sflag:s5], $0x2000  }
0x13f: {  	[sflag:s5] =	ssyncset.done $0x0  }
0x140: {  	s1 =	rddreg [dreg:$0x13];
	[sflag:s5] =	ssyncadd.s32 $0xFFFFE000  }
0x141: {  	[hbm4b:s1+s6] =	stream.strided.scatter [tilespmem:s3], [sflag:$0x5], $0x4000, s2, s6, $0x38;
	[tilespmem:$0x11900] =	vst v63  }
0x142: {  	_ =	swait.ge [sflag:s12], $0x4000  }
0x143: {  	s0 =	sld [smem:$0x7FA]  }
0x144: {  	[sflag:s12] =	ssyncset.done $0x0  }
0x145: {  	s1 =	sld [smem:$0x7FB];
	[sflag:s12] =	ssyncadd.s32 $0xFFFFC000  }
0x146: {  	[tilespmem:s10], [sflag:$0x4] =	stream.indirect.gather [hbm4b:s4+s2], $0x40, s0, s2, $0xb8;
	[tilespmem:$0x11900] =	vst v63  }
0x147: {  	_ = 	snop  }
0x148: {  	[tilespmem:s18], [sflag:$0x4] =	stream.indirect.gather [hbm4b:s4+s2], $0x40, s1, s2, $0xb8;
	[tilespmem:$0x11900] =	vst v63  }
0x149: {  	_ =	swait.ge [sflag:s17], $0x2000  }
0x14a: {  	[sflag:s17] =	ssyncset.done $0x0  }
0x14b: {  	[sflag:s17] =	ssyncadd.s32 $0xFFFFE000  }
0x14c: {  	_ =	swait.ge [sflag:s17], $0x2000  }
0x14d: {  	[sflag:s17] =	ssyncset.done $0x0  }
0x14e: {  	s1 =	rddreg [dreg:$0x14];
	[sflag:s17] =	ssyncadd.s32 $0xFFFFE000  }
0x14f: {  	[hbm4b:s1+s6] =	stream.strided.scatter [tilespmem:s13], [sflag:$0x6], $0x4000, s2, s6, $0x38;
	[tilespmem:$0x11900] =	vst v63  }
0x150: {  	_ =	swait.ge [sflag:s9], $0x4000  }
0x151: {  	s0 =	sld [smem:$0x7FC]  }
0x152: {  	[sflag:s9] =	ssyncset.done $0x0  }
0x153: {  	s1 =	sld [smem:$0x7FD];
	[sflag:s9] =	ssyncadd.s32 $0xFFFFC000  }
0x154: {  	[tilespmem:s3], [sflag:$0x1] =	stream.indirect.gather [hbm4b:s4+s2], $0x40, s0, s2, $0xb8;
	[tilespmem:$0x11900] =	vst v63  }
0x155: {  	_ = 	snop  }
0x156: {  	[tilespmem:s7], [sflag:$0x1] =	stream.indirect.gather [hbm4b:s4+s2], $0x40, s1, s2, $0xb8;
	[tilespmem:$0x11900] =	vst v63  }
0x157: {  	_ =	swait.ge [sflag:s16], $0x2000  }
0x158: {  	[sflag:s16] =	ssyncset.done $0x0  }
0x159: {  	[sflag:s16] =	ssyncadd.s32 $0xFFFFE000  }
0x15a: {  	_ =	swait.ge [sflag:s16], $0x2000  }
0x15b: {  	[sflag:s16] =	ssyncset.done $0x0  }
0x15c: {  	s1 =	rddreg [dreg:$0x15];
	[sflag:s16] =	ssyncadd.s32 $0xFFFFE000  }
0x15d: {  	[hbm4b:s1+s6] =	stream.strided.scatter [tilespmem:s8], [sflag:$0x7], $0x4000, s2, s6, $0x38;
	[tilespmem:$0x11900] =	vst v63  }
0x15e: {  	_ =	swait.ge [sflag:s11], $0x4000  }
0x15f: {  	[sflag:s11] =	ssyncset.done $0x0  }
0x160: {  	s1 =	simm.s32 $0x1500;
	[sflag:s11] =	ssyncadd.s32 $0xFFFFC000  }
0x161: {  	[tilespmem:s13], [sflag:$0x2] =	stream.indirect.gather [hbm4b:s4+s2], $0x40, s1, s2, $0xb8;
	[tilespmem:$0x11900] =	vst v63  }
0x162: {  	_ = 	snop  }
0x163: {  	[tilespmem:s20], [sflag:$0x2] =	stream.indirect.gather [hbm4b:s4+s2], $0x40, s29, s2, $0xb8;
	[tilespmem:$0x11900] =	vst v63  }
0x164: {  	_ =	swait.ge [sflag:s15], $0x2000  }
0x165: {  	[sflag:s15] =	ssyncset.done $0x0  }
0x166: {  	[sflag:s15] =	ssyncadd.s32 $0xFFFFE000  }
0x167: {  	_ =	swait.ge [sflag:s15], $0x2000  }
0x168: {  	[sflag:s15] =	ssyncset.done $0x0  }
0x169: {  	s1 =	rddreg [dreg:$0x16];
	[sflag:s15] =	ssyncadd.s32 $0xFFFFE000  }
0x16a: {  	[hbm4b:s1+s6] =	stream.strided.scatter [tilespmem:s10], [sflag:$0x8], $0x4000, s2, s6, $0x38;
	[tilespmem:$0x11900] =	vst v63  }
0x16b: {  	_ =	swait.ge [sflag:s14], $0x4000  }
0x16c: {  	[sflag:s14] =	ssyncset.done $0x0  }
0x16d: {  	[sflag:s14] =	ssyncadd.s32 $0xFFFFC000  }
0x16e: {  	[tilespmem:s8], [sflag:$0x3] =	stream.indirect.gather [hbm4b:s4+s2], $0x40, s26, s2, $0xb8;
	[tilespmem:$0x11900] =	vst v63  }
0x16f: {  	_ = 	snop  }
0x170: {  	[tilespmem:s19], [sflag:$0x3] =	stream.indirect.gather [hbm4b:s4+s2], $0x40, s28, s2, $0xb8;
	[tilespmem:$0x11900] =	vst v63  }
0x171: {  	_ =	swait.ge [sflag:s5], $0x2000  }
0x172: {  	[sflag:s5] =	ssyncset.done $0x0  }
0x173: {  	[sflag:s5] =	ssyncadd.s32 $0xFFFFE000  }
0x174: {  	_ =	swait.ge [sflag:s5], $0x2000  }
0x175: {  	[sflag:s5] =	ssyncset.done $0x0  }
0x176: {  	s1 =	rddreg [dreg:$0x17];
	[sflag:s5] =	ssyncadd.s32 $0xFFFFE000  }
0x177: {  	[hbm4b:s1+s6] =	stream.strided.scatter [tilespmem:s3], [sflag:$0x5], $0x4000, s2, s6, $0x38;
	[tilespmem:$0x11900] =	vst v63  }
0x178: {  	_ =	swait.ge [sflag:s12], $0x4000  }
0x179: {  	[sflag:s12] =	ssyncset.done $0x0  }
0x17a: {  	[sflag:s12] =	ssyncadd.s32 $0xFFFFC000  }
0x17b: {  	[tilespmem:s10], [sflag:$0x4] =	stream.indirect.gather [hbm4b:s4+s2], $0x40, s24, s2, $0xb8;
	[tilespmem:$0x11900] =	vst v63  }
0x17c: {  	_ = 	snop  }
0x17d: {  	[tilespmem:s18], [sflag:$0x4] =	stream.indirect.gather [hbm4b:s4+s2], $0x40, s25, s2, $0xb8;
	[tilespmem:$0x11900] =	vst v63  }
0x17e: {  	_ =	swait.ge [sflag:s17], $0x2000  }
0x17f: {  	[sflag:s17] =	ssyncset.done $0x0  }
0x180: {  	[sflag:s17] =	ssyncadd.s32 $0xFFFFE000  }
0x181: {  	_ =	swait.ge [sflag:s17], $0x2000  }
0x182: {  	[sflag:s17] =	ssyncset.done $0x0  }
0x183: {  	s1 =	rddreg [dreg:$0x18];
	[sflag:s17] =	ssyncadd.s32 $0xFFFFE000  }
0x184: {  	[hbm4b:s1+s6] =	stream.strided.scatter [tilespmem:s13], [sflag:$0x6], $0x4000, s2, s6, $0x38;
	[tilespmem:$0x11900] =	vst v63  }
0x185: {  	_ =	swait.ge [sflag:s9], $0x4000  }
0x186: {  	[sflag:s9] =	ssyncset.done $0x0  }
0x187: {  	[sflag:s9] =	ssyncadd.s32 $0xFFFFC000  }
0x188: {  	[tilespmem:s3], [sflag:$0x1] =	stream.indirect.gather [hbm4b:s4+s2], $0x40, s22, s2, $0xb8;
	[tilespmem:$0x11900] =	vst v63  }
0x189: {  	_ = 	snop  }
0x18a: {  	[tilespmem:s7], [sflag:$0x1] =	stream.indirect.gather [hbm4b:s4+s2], $0x40, s23, s2, $0xb8;
	[tilespmem:$0x11900] =	vst v63  }
0x18b: {  	_ =	swait.ge [sflag:s16], $0x2000  }
0x18c: {  	[sflag:s16] =	ssyncset.done $0x0  }
0x18d: {  	[sflag:s16] =	ssyncadd.s32 $0xFFFFE000  }
0x18e: {  	_ =	swait.ge [sflag:s16], $0x2000  }
0x18f: {  	[sflag:s16] =	ssyncset.done $0x0  }
0x190: {  	s1 =	rddreg [dreg:$0x19];
	[sflag:s16] =	ssyncadd.s32 $0xFFFFE000  }
0x191: {  	[hbm4b:s1+s6] =	stream.strided.scatter [tilespmem:s8], [sflag:$0x7], $0x4000, s2, s6, $0x38;
	[tilespmem:$0x11900] =	vst v63  }
0x192: {  	_ =	swait.ge [sflag:s15], $0x2000  }
0x193: {  	[sflag:s15] =	ssyncset.done $0x0  }
0x194: {  	[sflag:s15] =	ssyncadd.s32 $0xFFFFE000  }
0x195: {  	_ =	swait.ge [sflag:s15], $0x2000  }
0x196: {  	[sflag:s15] =	ssyncset.done $0x0  }
0x197: {  	s1 =	rddreg [dreg:$0x1a];
	[sflag:s15] =	ssyncadd.s32 $0xFFFFE000  }
0x198: {  	[hbm4b:s1+s6] =	stream.strided.scatter [tilespmem:s10], [sflag:$0x8], $0x4000, s2, s6, $0x38;
	[tilespmem:$0x11900] =	vst v63  }
0x199: {  	_ =	swait.ge [sflag:s5], $0x2000  }
0x19a: {  	[sflag:s5] =	ssyncset.done $0x0  }
0x19b: {  	[sflag:s5] =	ssyncadd.s32 $0xFFFFE000  }
0x19c: {  	_ =	swait.ge [sflag:s5], $0x2000  }
0x19d: {  	[sflag:s5] =	ssyncset.done $0x0  }
0x19e: {  	s1 =	rddreg [dreg:$0x1b];
	[sflag:s5] =	ssyncadd.s32 $0xFFFFE000  }
0x19f: {  	[hbm4b:s1+s6] =	stream.strided.scatter [tilespmem:s3], [sflag:$0x5], $0x4000, s2, s6, $0x38;
	[tilespmem:$0x11900] =	vst v63  }
0x1a0: {  	_ =	swait.ge [sflag:s9], $0x4000  }
0x1a1: {  	[sflag:s9] =	ssyncset.done $0x0  }
0x1a2: {  	[sflag:s9] =	ssyncadd.s32 $0xFFFFC000  }
0x1a3: {  	_ =	swait.ge [sflag:s11], $0x4000  }
0x1a4: {  	[sflag:s11] =	ssyncset.done $0x0  }
0x1a5: {  	p1 =	sne.s32 s21, $0x1;
	[sflag:s11] =	ssyncadd.s32 $0xFFFFC000  }
.Ltmp1:
0x1a6: {  	_ =	swait.ge [sflag:s14], $0x4000;
	(pc) =	sbr.rel @!p1 .LBB2_3-.Ltmp1, $4  }
0x1a7: {  	[sflag:s14] =	ssyncset.done $0x0  }
0x1a8: {  	[sflag:s14] =	ssyncadd.s32 $0xFFFFC000  }
0x1a9: {  	p0 =	por $0x1, $0x1;
	_ =	swait.ge [sflag:s12], $0x4000  }
0x1aa: {  	s1 =	sadd.s32 $0xFFFFFFFF, s21;
	s0 =	rddreg [dreg:$0x2];
	[sflag:s12] =	ssyncset.done $0x0  }
.LBB2_4:
0x1ab: {  	[sflag:s12] =	ssyncadd.s32 $0xFFFFC000  }
0x1ac: {  	[tilespmem:s30], [sflag:$0x9] =	stream.linear.gather [hbm4b:s0+s30], $0x1900, $0x38;
	[tilespmem:$0x11900] =	vst v63  }
0x1ad: {  	_ =	swait.ge [sflag:s31], $0x1900  }
0x1ae: {  	[sflag:s31] =	ssyncset.done $0x0  }
0x1af: {  	[sflag:s31] =	ssyncadd.s32 $0xFFFFE700  }
0x1b0: {  	[tilespmem:s3], [sflag:$0x1] =	stream.indirect.gather [hbm4b:s4+s2], $0x40, s30, s2, $0xb8;
	[tilespmem:$0x11900] =	vst v63  }
0x1b1: {  	_ = 	snop  }
0x1b2: {  	[tilespmem:s7], [sflag:$0x1] =	stream.indirect.gather [hbm4b:s4+s2], $0x40, s2, s2, $0xb8;
	[tilespmem:$0x11900] =	vst v63  }
0x1b3: {  	s0 =	rddreg [dreg:$0x1c]  }
0x1b4: {  	[tilespmem:s13], [sflag:$0x2] =	stream.indirect.gather [hbm4b:s4+s2], $0x40, s0, s2, $0xb8;
	[tilespmem:$0x11900] =	vst v63  }
0x1b5: {  	s21 =	rddreg [dreg:$0x1d]  }
0x1b6: {  	[tilespmem:s20], [sflag:$0x2] =	stream.indirect.gather [hbm4b:s4+s2], $0x40, s21, s2, $0xb8;
	[tilespmem:$0x11900] =	vst v63  }
0x1b7: {  	s0 =	rddreg [dreg:$0x1e]  }
0x1b8: {  	[tilespmem:s8], [sflag:$0x3] =	stream.indirect.gather [hbm4b:s4+s2], $0x40, s0, s2, $0xb8;
	[tilespmem:$0x11900] =	vst v63  }
0x1b9: {  	s21 =	rddreg [dreg:$0x1f]  }
0x1ba: {  	[tilespmem:s19], [sflag:$0x3] =	stream.indirect.gather [hbm4b:s4+s2], $0x40, s21, s2, $0xb8;
	[tilespmem:$0x11900] =	vst v63  }
0x1bb: {  	_ =	swait.ge [sflag:s5], $0x2000  }
0x1bc: {  	[sflag:s5] =	ssyncset.done $0x0  }
0x1bd: {  	[sflag:s5] =	ssyncadd.s32 $0xFFFFE000  }
0x1be: {  	_ =	swait.ge [sflag:s5], $0x2000  }
0x1bf: {  	s0 =	rddreg [dreg:$0x3];
	[sflag:s5] =	ssyncset.done $0x0  }
0x1c0: {  	s21 =	sld [smem:$0x7DA];
	[sflag:s5] =	ssyncadd.s32 $0xFFFFE000  }
0x1c1: {  	[hbm4b:s0+s6] =	stream.strided.scatter [tilespmem:s3], [sflag:$0x5], $0x4000, s2, s6, $0x38;
	[tilespmem:$0x11900] =	vst v63  }
0x1c2: {  	s0 =	sld [smem:$0x7DB]  }
0x1c3: {  	[tilespmem:s10], [sflag:$0x4] =	stream.indirect.gather [hbm4b:s4+s2], $0x40, s21, s2, $0xb8;
	[tilespmem:$0x11900] =	vst v63  }
0x1c4: {  	_ = 	snop  }
0x1c5: {  	[tilespmem:s18], [sflag:$0x4] =	stream.indirect.gather [hbm4b:s4+s2], $0x40, s0, s2, $0xb8;
	[tilespmem:$0x11900] =	vst v63  }
0x1c6: {  	_ =	swait.ge [sflag:s17], $0x2000  }
0x1c7: {  	[sflag:s17] =	ssyncset.done $0x0  }
0x1c8: {  	[sflag:s17] =	ssyncadd.s32 $0xFFFFE000  }
0x1c9: {  	_ =	swait.ge [sflag:s17], $0x2000  }
0x1ca: {  	[sflag:s17] =	ssyncset.done $0x0  }
0x1cb: {  	s21 =	rddreg [dreg:$0x4];
	[sflag:s17] =	ssyncadd.s32 $0xFFFFE000  }
0x1cc: {  	[hbm4b:s21+s6] =	stream.strided.scatter [tilespmem:s13], [sflag:$0x6], $0x4000, s2, s6, $0x38;
	[tilespmem:$0x11900] =	vst v63  }
0x1cd: {  	_ =	swait.ge [sflag:s9], $0x4000  }
0x1ce: {  	s0 =	sld [smem:$0x7DC]  }
0x1cf: {  	[sflag:s9] =	ssyncset.done $0x0  }
0x1d0: {  	s21 =	sld [smem:$0x7DD];
	[sflag:s9] =	ssyncadd.s32 $0xFFFFC000  }
0x1d1: {  	[tilespmem:s3], [sflag:$0x1] =	stream.indirect.gather [hbm4b:s4+s2], $0x40, s0, s2, $0xb8;
	[tilespmem:$0x11900] =	vst v63  }
0x1d2: {  	_ = 	snop  }
0x1d3: {  	[tilespmem:s7], [sflag:$0x1] =	stream.indirect.gather [hbm4b:s4+s2], $0x40, s21, s2, $0xb8;
	[tilespmem:$0x11900] =	vst v63  }
0x1d4: {  	_ =	swait.ge [sflag:s16], $0x2000  }
0x1d5: {  	[sflag:s16] =	ssyncset.done $0x0  }
0x1d6: {  	[sflag:s16] =	ssyncadd.s32 $0xFFFFE000  }
0x1d7: {  	_ =	swait.ge [sflag:s16], $0x2000  }
0x1d8: {  	[sflag:s16] =	ssyncset.done $0x0  }
0x1d9: {  	s21 =	rddreg [dreg:$0x5];
	[sflag:s16] =	ssyncadd.s32 $0xFFFFE000  }
0x1da: {  	[hbm4b:s21+s6] =	stream.strided.scatter [tilespmem:s8], [sflag:$0x7], $0x4000, s2, s6, $0x38;
	[tilespmem:$0x11900] =	vst v63  }
0x1db: {  	_ =	swait.ge [sflag:s11], $0x4000  }
0x1dc: {  	s0 =	sld [smem:$0x7DE]  }
0x1dd: {  	[sflag:s11] =	ssyncset.done $0x0  }
0x1de: {  	s21 =	sld [smem:$0x7DF];
	[sflag:s11] =	ssyncadd.s32 $0xFFFFC000  }
0x1df: {  	[tilespmem:s13], [sflag:$0x2] =	stream.indirect.gather [hbm4b:s4+s2], $0x40, s0, s2, $0xb8;
	[tilespmem:$0x11900] =	vst v63  }
0x1e0: {  	_ = 	snop  }
0x1e1: {  	[tilespmem:s20], [sflag:$0x2] =	stream.indirect.gather [hbm4b:s4+s2], $0x40, s21, s2, $0xb8;
	[tilespmem:$0x11900] =	vst v63  }
0x1e2: {  	_ =	swait.ge [sflag:s15], $0x2000  }
0x1e3: {  	[sflag:s15] =	ssyncset.done $0x0  }
0x1e4: {  	[sflag:s15] =	ssyncadd.s32 $0xFFFFE000  }
0x1e5: {  	_ =	swait.ge [sflag:s15], $0x2000  }
0x1e6: {  	[sflag:s15] =	ssyncset.done $0x0  }
0x1e7: {  	s21 =	rddreg [dreg:$0x6];
	[sflag:s15] =	ssyncadd.s32 $0xFFFFE000  }
0x1e8: {  	[hbm4b:s21+s6] =	stream.strided.scatter [tilespmem:s10], [sflag:$0x8], $0x4000, s2, s6, $0x38;
	[tilespmem:$0x11900] =	vst v63  }
0x1e9: {  	_ =	swait.ge [sflag:s14], $0x4000  }
0x1ea: {  	s0 =	sld [smem:$0x7E0]  }
0x1eb: {  	[sflag:s14] =	ssyncset.done $0x0  }
0x1ec: {  	s21 =	sld [smem:$0x7E1];
	[sflag:s14] =	ssyncadd.s32 $0xFFFFC000  }
0x1ed: {  	[tilespmem:s8], [sflag:$0x3] =	stream.indirect.gather [hbm4b:s4+s2], $0x40, s0, s2, $0xb8;
	[tilespmem:$0x11900] =	vst v63  }
0x1ee: {  	_ = 	snop  }
0x1ef: {  	[tilespmem:s19], [sflag:$0x3] =	stream.indirect.gather [hbm4b:s4+s2], $0x40, s21, s2, $0xb8;
	[tilespmem:$0x11900] =	vst v63  }
0x1f0: {  	_ =	swait.ge [sflag:s5], $0x2000  }
0x1f1: {  	[sflag:s5] =	ssyncset.done $0x0  }
0x1f2: {  	[sflag:s5] =	ssyncadd.s32 $0xFFFFE000  }
0x1f3: {  	_ =	swait.ge [sflag:s5], $0x2000  }
0x1f4: {  	[sflag:s5] =	ssyncset.done $0x0  }
0x1f5: {  	s21 =	rddreg [dreg:$0x7];
	[sflag:s5] =	ssyncadd.s32 $0xFFFFE000  }
0x1f6: {  	[hbm4b:s21+s6] =	stream.strided.scatter [tilespmem:s3], [sflag:$0x5], $0x4000, s2, s6, $0x38;
	[tilespmem:$0x11900] =	vst v63  }
0x1f7: {  	_ =	swait.ge [sflag:s12], $0x4000  }
0x1f8: {  	s0 =	sld [smem:$0x7E2]  }
0x1f9: {  	[sflag:s12] =	ssyncset.done $0x0  }
0x1fa: {  	s21 =	sld [smem:$0x7E3];
	[sflag:s12] =	ssyncadd.s32 $0xFFFFC000  }
0x1fb: {  	[tilespmem:s10], [sflag:$0x4] =	stream.indirect.gather [hbm4b:s4+s2], $0x40, s0, s2, $0xb8;
	[tilespmem:$0x11900] =	vst v63  }
0x1fc: {  	_ = 	snop  }
0x1fd: {  	[tilespmem:s18], [sflag:$0x4] =	stream.indirect.gather [hbm4b:s4+s2], $0x40, s21, s2, $0xb8;
	[tilespmem:$0x11900] =	vst v63  }
0x1fe: {  	_ =	swait.ge [sflag:s17], $0x2000  }
0x1ff: {  	[sflag:s17] =	ssyncset.done $0x0  }
0x200: {  	[sflag:s17] =	ssyncadd.s32 $0xFFFFE000  }
0x201: {  	_ =	swait.ge [sflag:s17], $0x2000  }
0x202: {  	[sflag:s17] =	ssyncset.done $0x0  }
0x203: {  	s21 =	rddreg [dreg:$0x8];
	[sflag:s17] =	ssyncadd.s32 $0xFFFFE000  }
0x204: {  	[hbm4b:s21+s6] =	stream.strided.scatter [tilespmem:s13], [sflag:$0x6], $0x4000, s2, s6, $0x38;
	[tilespmem:$0x11900] =	vst v63  }
0x205: {  	_ =	swait.ge [sflag:s9], $0x4000  }
0x206: {  	s0 =	sld [smem:$0x7E4]  }
0x207: {  	[sflag:s9] =	ssyncset.done $0x0  }
0x208: {  	s21 =	sld [smem:$0x7E5];
	[sflag:s9] =	ssyncadd.s32 $0xFFFFC000  }
0x209: {  	[tilespmem:s3], [sflag:$0x1] =	stream.indirect.gather [hbm4b:s4+s2], $0x40, s0, s2, $0xb8;
	[tilespmem:$0x11900] =	vst v63  }
0x20a: {  	_ = 	snop  }
0x20b: {  	[tilespmem:s7], [sflag:$0x1] =	stream.indirect.gather [hbm4b:s4+s2], $0x40, s21, s2, $0xb8;
	[tilespmem:$0x11900] =	vst v63  }
0x20c: {  	_ =	swait.ge [sflag:s16], $0x2000  }
0x20d: {  	[sflag:s16] =	ssyncset.done $0x0  }
0x20e: {  	[sflag:s16] =	ssyncadd.s32 $0xFFFFE000  }
0x20f: {  	_ =	swait.ge [sflag:s16], $0x2000  }
0x210: {  	[sflag:s16] =	ssyncset.done $0x0  }
0x211: {  	s21 =	rddreg [dreg:$0x9];
	[sflag:s16] =	ssyncadd.s32 $0xFFFFE000  }
0x212: {  	[hbm4b:s21+s6] =	stream.strided.scatter [tilespmem:s8], [sflag:$0x7], $0x4000, s2, s6, $0x38;
	[tilespmem:$0x11900] =	vst v63  }
0x213: {  	_ =	swait.ge [sflag:s11], $0x4000  }
0x214: {  	s0 =	sld [smem:$0x7E6]  }
0x215: {  	[sflag:s11] =	ssyncset.done $0x0  }
0x216: {  	s21 =	sld [smem:$0x7E7];
	[sflag:s11] =	ssyncadd.s32 $0xFFFFC000  }
0x217: {  	[tilespmem:s13], [sflag:$0x2] =	stream.indirect.gather [hbm4b:s4+s2], $0x40, s0, s2, $0xb8;
	[tilespmem:$0x11900] =	vst v63  }
0x218: {  	_ = 	snop  }
0x219: {  	[tilespmem:s20], [sflag:$0x2] =	stream.indirect.gather [hbm4b:s4+s2], $0x40, s21, s2, $0xb8;
	[tilespmem:$0x11900] =	vst v63  }
0x21a: {  	_ =	swait.ge [sflag:s15], $0x2000  }
0x21b: {  	[sflag:s15] =	ssyncset.done $0x0  }
0x21c: {  	[sflag:s15] =	ssyncadd.s32 $0xFFFFE000  }
0x21d: {  	_ =	swait.ge [sflag:s15], $0x2000  }
0x21e: {  	[sflag:s15] =	ssyncset.done $0x0  }
0x21f: {  	s21 =	rddreg [dreg:$0xa];
	[sflag:s15] =	ssyncadd.s32 $0xFFFFE000  }
0x220: {  	[hbm4b:s21+s6] =	stream.strided.scatter [tilespmem:s10], [sflag:$0x8], $0x4000, s2, s6, $0x38;
	[tilespmem:$0x11900] =	vst v63  }
0x221: {  	_ =	swait.ge [sflag:s14], $0x4000  }
0x222: {  	s0 =	sld [smem:$0x7E8]  }
0x223: {  	[sflag:s14] =	ssyncset.done $0x0  }
0x224: {  	s21 =	sld [smem:$0x7E9];
	[sflag:s14] =	ssyncadd.s32 $0xFFFFC000  }
0x225: {  	[tilespmem:s8], [sflag:$0x3] =	stream.indirect.gather [hbm4b:s4+s2], $0x40, s0, s2, $0xb8;
	[tilespmem:$0x11900] =	vst v63  }
0x226: {  	_ = 	snop  }
0x227: {  	[tilespmem:s19], [sflag:$0x3] =	stream.indirect.gather [hbm4b:s4+s2], $0x40, s21, s2, $0xb8;
	[tilespmem:$0x11900] =	vst v63  }
0x228: {  	_ =	swait.ge [sflag:s5], $0x2000  }
0x229: {  	[sflag:s5] =	ssyncset.done $0x0  }
0x22a: {  	[sflag:s5] =	ssyncadd.s32 $0xFFFFE000  }
0x22b: {  	_ =	swait.ge [sflag:s5], $0x2000  }
0x22c: {  	[sflag:s5] =	ssyncset.done $0x0  }
0x22d: {  	s21 =	rddreg [dreg:$0xb];
	[sflag:s5] =	ssyncadd.s32 $0xFFFFE000  }
0x22e: {  	[hbm4b:s21+s6] =	stream.strided.scatter [tilespmem:s3], [sflag:$0x5], $0x4000, s2, s6, $0x38;
	[tilespmem:$0x11900] =	vst v63  }
0x22f: {  	_ =	swait.ge [sflag:s12], $0x4000  }
0x230: {  	s0 =	sld [smem:$0x7EA]  }
0x231: {  	[sflag:s12] =	ssyncset.done $0x0  }
0x232: {  	s21 =	sld [smem:$0x7EB];
	[sflag:s12] =	ssyncadd.s32 $0xFFFFC000  }
0x233: {  	[tilespmem:s10], [sflag:$0x4] =	stream.indirect.gather [hbm4b:s4+s2], $0x40, s0, s2, $0xb8;
	[tilespmem:$0x11900] =	vst v63  }
0x234: {  	_ = 	snop  }
0x235: {  	[tilespmem:s18], [sflag:$0x4] =	stream.indirect.gather [hbm4b:s4+s2], $0x40, s21, s2, $0xb8;
	[tilespmem:$0x11900] =	vst v63  }
0x236: {  	_ =	swait.ge [sflag:s17], $0x2000  }
0x237: {  	[sflag:s17] =	ssyncset.done $0x0  }
0x238: {  	[sflag:s17] =	ssyncadd.s32 $0xFFFFE000  }
0x239: {  	_ =	swait.ge [sflag:s17], $0x2000  }
0x23a: {  	[sflag:s17] =	ssyncset.done $0x0  }
0x23b: {  	s21 =	rddreg [dreg:$0xc];
	[sflag:s17] =	ssyncadd.s32 $0xFFFFE000  }
0x23c: {  	[hbm4b:s21+s6] =	stream.strided.scatter [tilespmem:s13], [sflag:$0x6], $0x4000, s2, s6, $0x38;
	[tilespmem:$0x11900] =	vst v63  }
0x23d: {  	_ =	swait.ge [sflag:s9], $0x4000  }
0x23e: {  	s0 =	sld [smem:$0x7EC]  }
0x23f: {  	[sflag:s9] =	ssyncset.done $0x0  }
0x240: {  	s21 =	sld [smem:$0x7ED];
	[sflag:s9] =	ssyncadd.s32 $0xFFFFC000  }
0x241: {  	[tilespmem:s3], [sflag:$0x1] =	stream.indirect.gather [hbm4b:s4+s2], $0x40, s0, s2, $0xb8;
	[tilespmem:$0x11900] =	vst v63  }
0x242: {  	_ = 	snop  }
0x243: {  	[tilespmem:s7], [sflag:$0x1] =	stream.indirect.gather [hbm4b:s4+s2], $0x40, s21, s2, $0xb8;
	[tilespmem:$0x11900] =	vst v63  }
0x244: {  	_ =	swait.ge [sflag:s16], $0x2000  }
0x245: {  	[sflag:s16] =	ssyncset.done $0x0  }
0x246: {  	[sflag:s16] =	ssyncadd.s32 $0xFFFFE000  }
0x247: {  	_ =	swait.ge [sflag:s16], $0x2000  }
0x248: {  	[sflag:s16] =	ssyncset.done $0x0  }
0x249: {  	s21 =	rddreg [dreg:$0xd];
	[sflag:s16] =	ssyncadd.s32 $0xFFFFE000  }
0x24a: {  	[hbm4b:s21+s6] =	stream.strided.scatter [tilespmem:s8], [sflag:$0x7], $0x4000, s2, s6, $0x38;
	[tilespmem:$0x11900] =	vst v63  }
0x24b: {  	_ =	swait.ge [sflag:s11], $0x4000  }
0x24c: {  	s0 =	sld [smem:$0x7EE]  }
0x24d: {  	[sflag:s11] =	ssyncset.done $0x0  }
0x24e: {  	s21 =	sld [smem:$0x7EF];
	[sflag:s11] =	ssyncadd.s32 $0xFFFFC000  }
0x24f: {  	[tilespmem:s13], [sflag:$0x2] =	stream.indirect.gather [hbm4b:s4+s2], $0x40, s0, s2, $0xb8;
	[tilespmem:$0x11900] =	vst v63  }
0x250: {  	_ = 	snop  }
0x251: {  	[tilespmem:s20], [sflag:$0x2] =	stream.indirect.gather [hbm4b:s4+s2], $0x40, s21, s2, $0xb8;
	[tilespmem:$0x11900] =	vst v63  }
0x252: {  	_ =	swait.ge [sflag:s15], $0x2000  }
0x253: {  	[sflag:s15] =	ssyncset.done $0x0  }
0x254: {  	[sflag:s15] =	ssyncadd.s32 $0xFFFFE000  }
0x255: {  	_ =	swait.ge [sflag:s15], $0x2000  }
0x256: {  	[sflag:s15] =	ssyncset.done $0x0  }
0x257: {  	s21 =	rddreg [dreg:$0xe];
	[sflag:s15] =	ssyncadd.s32 $0xFFFFE000  }
0x258: {  	[hbm4b:s21+s6] =	stream.strided.scatter [tilespmem:s10], [sflag:$0x8], $0x4000, s2, s6, $0x38;
	[tilespmem:$0x11900] =	vst v63  }
0x259: {  	_ =	swait.ge [sflag:s14], $0x4000  }
0x25a: {  	s0 =	sld [smem:$0x7F0]  }
0x25b: {  	[sflag:s14] =	ssyncset.done $0x0  }
0x25c: {  	s21 =	sld [smem:$0x7F1];
	[sflag:s14] =	ssyncadd.s32 $0xFFFFC000  }
0x25d: {  	[tilespmem:s8], [sflag:$0x3] =	stream.indirect.gather [hbm4b:s4+s2], $0x40, s0, s2, $0xb8;
	[tilespmem:$0x11900] =	vst v63  }
0x25e: {  	_ = 	snop  }
0x25f: {  	[tilespmem:s19], [sflag:$0x3] =	stream.indirect.gather [hbm4b:s4+s2], $0x40, s21, s2, $0xb8;
	[tilespmem:$0x11900] =	vst v63  }
0x260: {  	_ =	swait.ge [sflag:s5], $0x2000  }
0x261: {  	[sflag:s5] =	ssyncset.done $0x0  }
0x262: {  	[sflag:s5] =	ssyncadd.s32 $0xFFFFE000  }
0x263: {  	_ =	swait.ge [sflag:s5], $0x2000  }
0x264: {  	[sflag:s5] =	ssyncset.done $0x0  }
0x265: {  	s21 =	rddreg [dreg:$0xf];
	[sflag:s5] =	ssyncadd.s32 $0xFFFFE000  }
0x266: {  	[hbm4b:s21+s6] =	stream.strided.scatter [tilespmem:s3], [sflag:$0x5], $0x4000, s2, s6, $0x38;
	[tilespmem:$0x11900] =	vst v63  }
0x267: {  	_ =	swait.ge [sflag:s12], $0x4000  }
0x268: {  	s0 =	sld [smem:$0x7F2]  }
0x269: {  	[sflag:s12] =	ssyncset.done $0x0  }
0x26a: {  	s21 =	sld [smem:$0x7F3];
	[sflag:s12] =	ssyncadd.s32 $0xFFFFC000  }
0x26b: {  	[tilespmem:s10], [sflag:$0x4] =	stream.indirect.gather [hbm4b:s4+s2], $0x40, s0, s2, $0xb8;
	[tilespmem:$0x11900] =	vst v63  }
0x26c: {  	_ = 	snop  }
0x26d: {  	[tilespmem:s18], [sflag:$0x4] =	stream.indirect.gather [hbm4b:s4+s2], $0x40, s21, s2, $0xb8;
	[tilespmem:$0x11900] =	vst v63  }
0x26e: {  	_ =	swait.ge [sflag:s17], $0x2000  }
0x26f: {  	[sflag:s17] =	ssyncset.done $0x0  }
0x270: {  	[sflag:s17] =	ssyncadd.s32 $0xFFFFE000  }
0x271: {  	_ =	swait.ge [sflag:s17], $0x2000  }
0x272: {  	[sflag:s17] =	ssyncset.done $0x0  }
0x273: {  	s21 =	rddreg [dreg:$0x10];
	[sflag:s17] =	ssyncadd.s32 $0xFFFFE000  }
0x274: {  	[hbm4b:s21+s6] =	stream.strided.scatter [tilespmem:s13], [sflag:$0x6], $0x4000, s2, s6, $0x38;
	[tilespmem:$0x11900] =	vst v63  }
0x275: {  	_ =	swait.ge [sflag:s9], $0x4000  }
0x276: {  	s0 =	sld [smem:$0x7F4]  }
0x277: {  	[sflag:s9] =	ssyncset.done $0x0  }
0x278: {  	s21 =	sld [smem:$0x7F5];
	[sflag:s9] =	ssyncadd.s32 $0xFFFFC000  }
0x279: {  	[tilespmem:s3], [sflag:$0x1] =	stream.indirect.gather [hbm4b:s4+s2], $0x40, s0, s2, $0xb8;
	[tilespmem:$0x11900] =	vst v63  }
0x27a: {  	_ = 	snop  }
0x27b: {  	[tilespmem:s7], [sflag:$0x1] =	stream.indirect.gather [hbm4b:s4+s2], $0x40, s21, s2, $0xb8;
	[tilespmem:$0x11900] =	vst v63  }
0x27c: {  	_ =	swait.ge [sflag:s16], $0x2000  }
0x27d: {  	[sflag:s16] =	ssyncset.done $0x0  }
0x27e: {  	[sflag:s16] =	ssyncadd.s32 $0xFFFFE000  }
0x27f: {  	_ =	swait.ge [sflag:s16], $0x2000  }
0x280: {  	[sflag:s16] =	ssyncset.done $0x0  }
0x281: {  	s21 =	rddreg [dreg:$0x11];
	[sflag:s16] =	ssyncadd.s32 $0xFFFFE000  }
0x282: {  	[hbm4b:s21+s6] =	stream.strided.scatter [tilespmem:s8], [sflag:$0x7], $0x4000, s2, s6, $0x38;
	[tilespmem:$0x11900] =	vst v63  }
0x283: {  	_ =	swait.ge [sflag:s11], $0x4000  }
0x284: {  	s0 =	sld [smem:$0x7F6]  }
0x285: {  	[sflag:s11] =	ssyncset.done $0x0  }
0x286: {  	s21 =	sld [smem:$0x7F7];
	[sflag:s11] =	ssyncadd.s32 $0xFFFFC000  }
0x287: {  	[tilespmem:s13], [sflag:$0x2] =	stream.indirect.gather [hbm4b:s4+s2], $0x40, s0, s2, $0xb8;
	[tilespmem:$0x11900] =	vst v63  }
0x288: {  	_ = 	snop  }
0x289: {  	[tilespmem:s20], [sflag:$0x2] =	stream.indirect.gather [hbm4b:s4+s2], $0x40, s21, s2, $0xb8;
	[tilespmem:$0x11900] =	vst v63  }
0x28a: {  	_ =	swait.ge [sflag:s15], $0x2000  }
0x28b: {  	[sflag:s15] =	ssyncset.done $0x0  }
0x28c: {  	[sflag:s15] =	ssyncadd.s32 $0xFFFFE000  }
0x28d: {  	_ =	swait.ge [sflag:s15], $0x2000  }
0x28e: {  	[sflag:s15] =	ssyncset.done $0x0  }
0x28f: {  	s21 =	rddreg [dreg:$0x12];
	[sflag:s15] =	ssyncadd.s32 $0xFFFFE000  }
0x290: {  	[hbm4b:s21+s6] =	stream.strided.scatter [tilespmem:s10], [sflag:$0x8], $0x4000, s2, s6, $0x38;
	[tilespmem:$0x11900] =	vst v63  }
0x291: {  	_ =	swait.ge [sflag:s14], $0x4000  }
0x292: {  	s0 =	sld [smem:$0x7F8]  }
0x293: {  	[sflag:s14] =	ssyncset.done $0x0  }
0x294: {  	s21 =	sld [smem:$0x7F9];
	[sflag:s14] =	ssyncadd.s32 $0xFFFFC000  }
0x295: {  	[tilespmem:s8], [sflag:$0x3] =	stream.indirect.gather [hbm4b:s4+s2], $0x40, s0, s2, $0xb8;
	[tilespmem:$0x11900] =	vst v63  }
0x296: {  	_ = 	snop  }
0x297: {  	[tilespmem:s19], [sflag:$0x3] =	stream.indirect.gather [hbm4b:s4+s2], $0x40, s21, s2, $0xb8;
	[tilespmem:$0x11900] =	vst v63  }
0x298: {  	_ =	swait.ge [sflag:s5], $0x2000  }
0x299: {  	[sflag:s5] =	ssyncset.done $0x0  }
0x29a: {  	[sflag:s5] =	ssyncadd.s32 $0xFFFFE000  }
0x29b: {  	_ =	swait.ge [sflag:s5], $0x2000  }
0x29c: {  	[sflag:s5] =	ssyncset.done $0x0  }
0x29d: {  	s21 =	rddreg [dreg:$0x13];
	[sflag:s5] =	ssyncadd.s32 $0xFFFFE000  }
0x29e: {  	[hbm4b:s21+s6] =	stream.strided.scatter [tilespmem:s3], [sflag:$0x5], $0x4000, s2, s6, $0x38;
	[tilespmem:$0x11900] =	vst v63  }
0x29f: {  	_ =	swait.ge [sflag:s12], $0x4000  }
0x2a0: {  	s0 =	sld [smem:$0x7FA]  }
0x2a1: {  	[sflag:s12] =	ssyncset.done $0x0  }
0x2a2: {  	s21 =	sld [smem:$0x7FB];
	[sflag:s12] =	ssyncadd.s32 $0xFFFFC000  }
0x2a3: {  	[tilespmem:s10], [sflag:$0x4] =	stream.indirect.gather [hbm4b:s4+s2], $0x40, s0, s2, $0xb8;
	[tilespmem:$0x11900] =	vst v63  }
0x2a4: {  	_ = 	snop  }
0x2a5: {  	[tilespmem:s18], [sflag:$0x4] =	stream.indirect.gather [hbm4b:s4+s2], $0x40, s21, s2, $0xb8;
	[tilespmem:$0x11900] =	vst v63  }
0x2a6: {  	_ =	swait.ge [sflag:s17], $0x2000  }
0x2a7: {  	[sflag:s17] =	ssyncset.done $0x0  }
0x2a8: {  	[sflag:s17] =	ssyncadd.s32 $0xFFFFE000  }
0x2a9: {  	_ =	swait.ge [sflag:s17], $0x2000  }
0x2aa: {  	[sflag:s17] =	ssyncset.done $0x0  }
0x2ab: {  	s21 =	rddreg [dreg:$0x14];
	[sflag:s17] =	ssyncadd.s32 $0xFFFFE000  }
0x2ac: {  	[hbm4b:s21+s6] =	stream.strided.scatter [tilespmem:s13], [sflag:$0x6], $0x4000, s2, s6, $0x38;
	[tilespmem:$0x11900] =	vst v63  }
0x2ad: {  	_ =	swait.ge [sflag:s9], $0x4000  }
0x2ae: {  	s0 =	sld [smem:$0x7FC]  }
0x2af: {  	[sflag:s9] =	ssyncset.done $0x0  }
0x2b0: {  	s21 =	sld [smem:$0x7FD];
	[sflag:s9] =	ssyncadd.s32 $0xFFFFC000  }
0x2b1: {  	[tilespmem:s3], [sflag:$0x1] =	stream.indirect.gather [hbm4b:s4+s2], $0x40, s0, s2, $0xb8;
	[tilespmem:$0x11900] =	vst v63  }
0x2b2: {  	_ = 	snop  }
0x2b3: {  	[tilespmem:s7], [sflag:$0x1] =	stream.indirect.gather [hbm4b:s4+s2], $0x40, s21, s2, $0xb8;
	[tilespmem:$0x11900] =	vst v63  }
0x2b4: {  	_ =	swait.ge [sflag:s16], $0x2000  }
0x2b5: {  	[sflag:s16] =	ssyncset.done $0x0  }
0x2b6: {  	[sflag:s16] =	ssyncadd.s32 $0xFFFFE000  }
0x2b7: {  	_ =	swait.ge [sflag:s16], $0x2000  }
0x2b8: {  	[sflag:s16] =	ssyncset.done $0x0  }
0x2b9: {  	s21 =	rddreg [dreg:$0x15];
	[sflag:s16] =	ssyncadd.s32 $0xFFFFE000  }
0x2ba: {  	[hbm4b:s21+s6] =	stream.strided.scatter [tilespmem:s8], [sflag:$0x7], $0x4000, s2, s6, $0x38;
	[tilespmem:$0x11900] =	vst v63  }
0x2bb: {  	_ =	swait.ge [sflag:s11], $0x4000  }
0x2bc: {  	[sflag:s11] =	ssyncset.done $0x0  }
0x2bd: {  	s21 =	simm.s32 $0x1500;
	[sflag:s11] =	ssyncadd.s32 $0xFFFFC000  }
0x2be: {  	[tilespmem:s13], [sflag:$0x2] =	stream.indirect.gather [hbm4b:s4+s2], $0x40, s21, s2, $0xb8;
	[tilespmem:$0x11900] =	vst v63  }
0x2bf: {  	_ = 	snop  }
0x2c0: {  	[tilespmem:s20], [sflag:$0x2] =	stream.indirect.gather [hbm4b:s4+s2], $0x40, s29, s2, $0xb8;
	[tilespmem:$0x11900] =	vst v63  }
0x2c1: {  	_ =	swait.ge [sflag:s15], $0x2000  }
0x2c2: {  	[sflag:s15] =	ssyncset.done $0x0  }
0x2c3: {  	[sflag:s15] =	ssyncadd.s32 $0xFFFFE000  }
0x2c4: {  	_ =	swait.ge [sflag:s15], $0x2000  }
0x2c5: {  	[sflag:s15] =	ssyncset.done $0x0  }
0x2c6: {  	s21 =	rddreg [dreg:$0x16];
	[sflag:s15] =	ssyncadd.s32 $0xFFFFE000  }
0x2c7: {  	[hbm4b:s21+s6] =	stream.strided.scatter [tilespmem:s10], [sflag:$0x8], $0x4000, s2, s6, $0x38;
	[tilespmem:$0x11900] =	vst v63  }
0x2c8: {  	_ =	swait.ge [sflag:s14], $0x4000  }
0x2c9: {  	[sflag:s14] =	ssyncset.done $0x0  }
0x2ca: {  	[sflag:s14] =	ssyncadd.s32 $0xFFFFC000  }
0x2cb: {  	[tilespmem:s8], [sflag:$0x3] =	stream.indirect.gather [hbm4b:s4+s2], $0x40, s26, s2, $0xb8;
	[tilespmem:$0x11900] =	vst v63  }
0x2cc: {  	_ = 	snop  }
0x2cd: {  	[tilespmem:s19], [sflag:$0x3] =	stream.indirect.gather [hbm4b:s4+s2], $0x40, s28, s2, $0xb8;
	[tilespmem:$0x11900] =	vst v63  }
0x2ce: {  	_ =	swait.ge [sflag:s5], $0x2000  }
0x2cf: {  	[sflag:s5] =	ssyncset.done $0x0  }
0x2d0: {  	[sflag:s5] =	ssyncadd.s32 $0xFFFFE000  }
0x2d1: {  	_ =	swait.ge [sflag:s5], $0x2000  }
0x2d2: {  	[sflag:s5] =	ssyncset.done $0x0  }
0x2d3: {  	s21 =	rddreg [dreg:$0x17];
	[sflag:s5] =	ssyncadd.s32 $0xFFFFE000  }
0x2d4: {  	[hbm4b:s21+s6] =	stream.strided.scatter [tilespmem:s3], [sflag:$0x5], $0x4000, s2, s6, $0x38;
	[tilespmem:$0x11900] =	vst v63  }
0x2d5: {  	_ =	swait.ge [sflag:s12], $0x4000  }
0x2d6: {  	[sflag:s12] =	ssyncset.done $0x0  }
0x2d7: {  	[sflag:s12] =	ssyncadd.s32 $0xFFFFC000  }
0x2d8: {  	[tilespmem:s10], [sflag:$0x4] =	stream.indirect.gather [hbm4b:s4+s2], $0x40, s24, s2, $0xb8;
	[tilespmem:$0x11900] =	vst v63  }
0x2d9: {  	_ = 	snop  }
0x2da: {  	[tilespmem:s18], [sflag:$0x4] =	stream.indirect.gather [hbm4b:s4+s2], $0x40, s25, s2, $0xb8;
	[tilespmem:$0x11900] =	vst v63  }
0x2db: {  	_ =	swait.ge [sflag:s17], $0x2000  }
0x2dc: {  	[sflag:s17] =	ssyncset.done $0x0  }
0x2dd: {  	[sflag:s17] =	ssyncadd.s32 $0xFFFFE000  }
0x2de: {  	_ =	swait.ge [sflag:s17], $0x2000  }
0x2df: {  	[sflag:s17] =	ssyncset.done $0x0  }
0x2e0: {  	s21 =	rddreg [dreg:$0x18];
	[sflag:s17] =	ssyncadd.s32 $0xFFFFE000  }
0x2e1: {  	[hbm4b:s21+s6] =	stream.strided.scatter [tilespmem:s13], [sflag:$0x6], $0x4000, s2, s6, $0x38;
	[tilespmem:$0x11900] =	vst v63  }
0x2e2: {  	_ =	swait.ge [sflag:s9], $0x4000  }
0x2e3: {  	[sflag:s9] =	ssyncset.done $0x0  }
0x2e4: {  	[sflag:s9] =	ssyncadd.s32 $0xFFFFC000  }
0x2e5: {  	[tilespmem:s3], [sflag:$0x1] =	stream.indirect.gather [hbm4b:s4+s2], $0x40, s22, s2, $0xb8;
	[tilespmem:$0x11900] =	vst v63  }
0x2e6: {  	_ = 	snop  }
0x2e7: {  	[tilespmem:s7], [sflag:$0x1] =	stream.indirect.gather [hbm4b:s4+s2], $0x40, s23, s2, $0xb8;
	[tilespmem:$0x11900] =	vst v63  }
0x2e8: {  	_ =	swait.ge [sflag:s16], $0x2000  }
0x2e9: {  	[sflag:s16] =	ssyncset.done $0x0  }
0x2ea: {  	[sflag:s16] =	ssyncadd.s32 $0xFFFFE000  }
0x2eb: {  	_ =	swait.ge [sflag:s16], $0x2000  }
0x2ec: {  	[sflag:s16] =	ssyncset.done $0x0  }
0x2ed: {  	s21 =	rddreg [dreg:$0x19];
	[sflag:s16] =	ssyncadd.s32 $0xFFFFE000  }
0x2ee: {  	[hbm4b:s21+s6] =	stream.strided.scatter [tilespmem:s8], [sflag:$0x7], $0x4000, s2, s6, $0x38;
	[tilespmem:$0x11900] =	vst v63  }
0x2ef: {  	_ =	swait.ge [sflag:s15], $0x2000  }
0x2f0: {  	[sflag:s15] =	ssyncset.done $0x0  }
0x2f1: {  	[sflag:s15] =	ssyncadd.s32 $0xFFFFE000  }
0x2f2: {  	_ =	swait.ge [sflag:s15], $0x2000  }
0x2f3: {  	[sflag:s15] =	ssyncset.done $0x0  }
0x2f4: {  	s21 =	rddreg [dreg:$0x1a];
	[sflag:s15] =	ssyncadd.s32 $0xFFFFE000  }
0x2f5: {  	[hbm4b:s21+s6] =	stream.strided.scatter [tilespmem:s10], [sflag:$0x8], $0x4000, s2, s6, $0x38;
	[tilespmem:$0x11900] =	vst v63  }
0x2f6: {  	_ =	swait.ge [sflag:s5], $0x2000  }
0x2f7: {  	[sflag:s5] =	ssyncset.done $0x0  }
0x2f8: {  	[sflag:s5] =	ssyncadd.s32 $0xFFFFE000  }
0x2f9: {  	_ =	swait.ge [sflag:s5], $0x2000  }
0x2fa: {  	[sflag:s5] =	ssyncset.done $0x0  }
0x2fb: {  	s21 =	rddreg [dreg:$0x1b];
	[sflag:s5] =	ssyncadd.s32 $0xFFFFE000  }
0x2fc: {  	[hbm4b:s21+s6] =	stream.strided.scatter [tilespmem:s3], [sflag:$0x5], $0x4000, s2, s6, $0x38;
	[tilespmem:$0x11900] =	vst v63  }
0x2fd: {  	_ =	swait.ge [sflag:s9], $0x4000  }
0x2fe: {  	[sflag:s9] =	ssyncset.done $0x0  }
0x2ff: {  	[sflag:s9] =	ssyncadd.s32 $0xFFFFC000  }
0x300: {  	_ =	swait.ge [sflag:s11], $0x4000  }
0x301: {  	[sflag:s11] =	ssyncset.done $0x0  }
0x302: {  	p1 =	sne.s32 s1, $0x1;
	[sflag:s11] =	ssyncadd.s32 $0xFFFFC000  }
.Ltmp2:
0x303: {  	_ =	swait.ge [sflag:s14], $0x4000;
	(pc) =	sbr.rel @p1 .LBB2_4-.Ltmp2, $4  }
0x304: {  	[sflag:s14] =	ssyncset.done $0x0  }
0x305: {  	[sflag:s14] =	ssyncadd.s32 $0xFFFFC000  }
0x306: {  	_ =	swait.ge [sflag:s12], $0x4000  }
0x307: {  	s1 =	sadd.s32 $0xFFFFFFFF, s1;
	s0 =	rddreg [dreg:$0x2];
	[sflag:s12] =	ssyncset.done $0x0  }
0x308: {  	s23 =	simm.s32 $0x1580;
	s29 =	simm.s32 $0x1500  }
0x309: {  	s28 =	simm.s32 $0x1680;
	s26 =	simm.s32 $0x1600;
	s25 =	simm.s32 $0x1780  }
0x30a: {  	s24 =	simm.s32 $0x1700;
	s22 =	simm.s32 $0x1800;
	s21 =	stileid.u32  }
.LBB2_6:
0x30b: {  	[sflag:s12] =	ssyncadd.s32 @p0 $0xFFFFC000  }
0x30c: {  	[tilespmem:s30], [sflag:$0x9] =	stream.linear.gather [hbm4b:s0+s30], $0x1900, $0x38;
	[tilespmem:$0x11900] =	vst v63  }
0x30d: {  	_ =	swait.ge [sflag:s31], $0x1900  }
0x30e: {  	[sflag:s31] =	ssyncset.done $0x0  }
0x30f: {  	[sflag:s31] =	ssyncadd.s32 $0xFFFFE700  }
0x310: {  	[tilespmem:s3], [sflag:$0x1] =	stream.indirect.gather [hbm4b:s4+s2], $0x40, s30, s2, $0xb8;
	[tilespmem:$0x11900] =	vst v63  }
0x311: {  	_ = 	snop  }
0x312: {  	[tilespmem:s7], [sflag:$0x1] =	stream.indirect.gather [hbm4b:s4+s2], $0x40, s2, s2, $0xb8;
	[tilespmem:$0x11900] =	vst v63  }
0x313: {  	s31 =	rddreg [dreg:$0x1c]  }
0x314: {  	[tilespmem:s13], [sflag:$0x2] =	stream.indirect.gather [hbm4b:s4+s2], $0x40, s31, s2, $0xb8;
	[tilespmem:$0x11900] =	vst v63  }
0x315: {  	s1 =	rddreg [dreg:$0x1d]  }
0x316: {  	[tilespmem:s20], [sflag:$0x2] =	stream.indirect.gather [hbm4b:s4+s2], $0x40, s1, s2, $0xb8;
	[tilespmem:$0x11900] =	vst v63  }
0x317: {  	s30 =	rddreg [dreg:$0x1e]  }
0x318: {  	[tilespmem:s8], [sflag:$0x3] =	stream.indirect.gather [hbm4b:s4+s2], $0x40, s30, s2, $0xb8;
	[tilespmem:$0x11900] =	vst v63  }
0x319: {  	s31 =	rddreg [dreg:$0x1f]  }
0x31a: {  	[tilespmem:s19], [sflag:$0x3] =	stream.indirect.gather [hbm4b:s4+s2], $0x40, s31, s2, $0xb8;
	[tilespmem:$0x11900] =	vst v63  }
0x31b: {  	_ =	swait.ge [sflag:s5], $0x2000  }
0x31c: {  	[sflag:s5] =	ssyncset.done $0x0  }
0x31d: {  	[sflag:s5] =	ssyncadd.s32 $0xFFFFE000  }
0x31e: {  	_ =	swait.ge [sflag:s5], $0x2000  }
0x31f: {  	s1 =	rddreg [dreg:$0x3];
	[sflag:s5] =	ssyncset.done $0x0  }
0x320: {  	s30 =	sld [smem:$0x7DA];
	[sflag:s5] =	ssyncadd.s32 $0xFFFFE000  }
0x321: {  	[hbm4b:s1+s6] =	stream.strided.scatter [tilespmem:s3], [sflag:$0x5], $0x4000, s2, s6, $0x38;
	[tilespmem:$0x11900] =	vst v63  }
0x322: {  	s31 =	sld [smem:$0x7DB]  }
0x323: {  	[tilespmem:s10], [sflag:$0x4] =	stream.indirect.gather [hbm4b:s4+s2], $0x40, s30, s2, $0xb8;
	[tilespmem:$0x11900] =	vst v63  }
0x324: {  	_ = 	snop  }
0x325: {  	[tilespmem:s18], [sflag:$0x4] =	stream.indirect.gather [hbm4b:s4+s2], $0x40, s31, s2, $0xb8;
	[tilespmem:$0x11900] =	vst v63  }
0x326: {  	_ =	swait.ge [sflag:s17], $0x2000  }
0x327: {  	[sflag:s17] =	ssyncset.done $0x0  }
0x328: {  	[sflag:s17] =	ssyncadd.s32 $0xFFFFE000  }
0x329: {  	_ =	swait.ge [sflag:s17], $0x2000  }
0x32a: {  	[sflag:s17] =	ssyncset.done $0x0  }
0x32b: {  	s1 =	rddreg [dreg:$0x4];
	[sflag:s17] =	ssyncadd.s32 $0xFFFFE000  }
0x32c: {  	[hbm4b:s1+s6] =	stream.strided.scatter [tilespmem:s13], [sflag:$0x6], $0x4000, s2, s6, $0x38;
	[tilespmem:$0x11900] =	vst v63  }
0x32d: {  	_ =	swait.ge [sflag:s9], $0x4000  }
0x32e: {  	s30 =	sld [smem:$0x7DC]  }
0x32f: {  	[sflag:s9] =	ssyncset.done $0x0  }
0x330: {  	s31 =	sld [smem:$0x7DD];
	[sflag:s9] =	ssyncadd.s32 $0xFFFFC000  }
0x331: {  	[tilespmem:s3], [sflag:$0x1] =	stream.indirect.gather [hbm4b:s4+s2], $0x40, s30, s2, $0xb8;
	[tilespmem:$0x11900] =	vst v63  }
0x332: {  	_ = 	snop  }
0x333: {  	[tilespmem:s7], [sflag:$0x1] =	stream.indirect.gather [hbm4b:s4+s2], $0x40, s31, s2, $0xb8;
	[tilespmem:$0x11900] =	vst v63  }
0x334: {  	_ =	swait.ge [sflag:s16], $0x2000  }
0x335: {  	[sflag:s16] =	ssyncset.done $0x0  }
0x336: {  	[sflag:s16] =	ssyncadd.s32 $0xFFFFE000  }
0x337: {  	_ =	swait.ge [sflag:s16], $0x2000  }
0x338: {  	[sflag:s16] =	ssyncset.done $0x0  }
0x339: {  	s1 =	rddreg [dreg:$0x5];
	[sflag:s16] =	ssyncadd.s32 $0xFFFFE000  }
0x33a: {  	[hbm4b:s1+s6] =	stream.strided.scatter [tilespmem:s8], [sflag:$0x7], $0x4000, s2, s6, $0x38;
	[tilespmem:$0x11900] =	vst v63  }
0x33b: {  	_ =	swait.ge [sflag:s11], $0x4000  }
0x33c: {  	s30 =	sld [smem:$0x7DE]  }
0x33d: {  	[sflag:s11] =	ssyncset.done $0x0  }
0x33e: {  	s31 =	sld [smem:$0x7DF];
	[sflag:s11] =	ssyncadd.s32 $0xFFFFC000  }
0x33f: {  	[tilespmem:s13], [sflag:$0x2] =	stream.indirect.gather [hbm4b:s4+s2], $0x40, s30, s2, $0xb8;
	[tilespmem:$0x11900] =	vst v63  }
0x340: {  	_ = 	snop  }
0x341: {  	[tilespmem:s20], [sflag:$0x2] =	stream.indirect.gather [hbm4b:s4+s2], $0x40, s31, s2, $0xb8;
	[tilespmem:$0x11900] =	vst v63  }
0x342: {  	_ =	swait.ge [sflag:s15], $0x2000  }
0x343: {  	[sflag:s15] =	ssyncset.done $0x0  }
0x344: {  	[sflag:s15] =	ssyncadd.s32 $0xFFFFE000  }
0x345: {  	_ =	swait.ge [sflag:s15], $0x2000  }
0x346: {  	[sflag:s15] =	ssyncset.done $0x0  }
0x347: {  	s1 =	rddreg [dreg:$0x6];
	[sflag:s15] =	ssyncadd.s32 $0xFFFFE000  }
0x348: {  	[hbm4b:s1+s6] =	stream.strided.scatter [tilespmem:s10], [sflag:$0x8], $0x4000, s2, s6, $0x38;
	[tilespmem:$0x11900] =	vst v63  }
0x349: {  	_ =	swait.ge [sflag:s14], $0x4000  }
0x34a: {  	s30 =	sld [smem:$0x7E0]  }
0x34b: {  	[sflag:s14] =	ssyncset.done $0x0  }
0x34c: {  	s31 =	sld [smem:$0x7E1];
	[sflag:s14] =	ssyncadd.s32 $0xFFFFC000  }
0x34d: {  	[tilespmem:s8], [sflag:$0x3] =	stream.indirect.gather [hbm4b:s4+s2], $0x40, s30, s2, $0xb8;
	[tilespmem:$0x11900] =	vst v63  }
0x34e: {  	_ = 	snop  }
0x34f: {  	[tilespmem:s19], [sflag:$0x3] =	stream.indirect.gather [hbm4b:s4+s2], $0x40, s31, s2, $0xb8;
	[tilespmem:$0x11900] =	vst v63  }
0x350: {  	_ =	swait.ge [sflag:s5], $0x2000  }
0x351: {  	[sflag:s5] =	ssyncset.done $0x0  }
0x352: {  	[sflag:s5] =	ssyncadd.s32 $0xFFFFE000  }
0x353: {  	_ =	swait.ge [sflag:s5], $0x2000  }
0x354: {  	[sflag:s5] =	ssyncset.done $0x0  }
0x355: {  	s1 =	rddreg [dreg:$0x7];
	[sflag:s5] =	ssyncadd.s32 $0xFFFFE000  }
0x356: {  	[hbm4b:s1+s6] =	stream.strided.scatter [tilespmem:s3], [sflag:$0x5], $0x4000, s2, s6, $0x38;
	[tilespmem:$0x11900] =	vst v63  }
0x357: {  	_ =	swait.ge [sflag:s12], $0x4000  }
0x358: {  	s30 =	sld [smem:$0x7E2]  }
0x359: {  	[sflag:s12] =	ssyncset.done $0x0  }
0x35a: {  	s31 =	sld [smem:$0x7E3];
	[sflag:s12] =	ssyncadd.s32 $0xFFFFC000  }
0x35b: {  	[tilespmem:s10], [sflag:$0x4] =	stream.indirect.gather [hbm4b:s4+s2], $0x40, s30, s2, $0xb8;
	[tilespmem:$0x11900] =	vst v63  }
0x35c: {  	_ = 	snop  }
0x35d: {  	[tilespmem:s18], [sflag:$0x4] =	stream.indirect.gather [hbm4b:s4+s2], $0x40, s31, s2, $0xb8;
	[tilespmem:$0x11900] =	vst v63  }
0x35e: {  	_ =	swait.ge [sflag:s17], $0x2000  }
0x35f: {  	[sflag:s17] =	ssyncset.done $0x0  }
0x360: {  	[sflag:s17] =	ssyncadd.s32 $0xFFFFE000  }
0x361: {  	_ =	swait.ge [sflag:s17], $0x2000  }
0x362: {  	[sflag:s17] =	ssyncset.done $0x0  }
0x363: {  	s1 =	rddreg [dreg:$0x8];
	[sflag:s17] =	ssyncadd.s32 $0xFFFFE000  }
0x364: {  	[hbm4b:s1+s6] =	stream.strided.scatter [tilespmem:s13], [sflag:$0x6], $0x4000, s2, s6, $0x38;
	[tilespmem:$0x11900] =	vst v63  }
0x365: {  	_ =	swait.ge [sflag:s9], $0x4000  }
0x366: {  	s30 =	sld [smem:$0x7E4]  }
0x367: {  	[sflag:s9] =	ssyncset.done $0x0  }
0x368: {  	s31 =	sld [smem:$0x7E5];
	[sflag:s9] =	ssyncadd.s32 $0xFFFFC000  }
0x369: {  	[tilespmem:s3], [sflag:$0x1] =	stream.indirect.gather [hbm4b:s4+s2], $0x40, s30, s2, $0xb8;
	[tilespmem:$0x11900] =	vst v63  }
0x36a: {  	_ = 	snop  }
0x36b: {  	[tilespmem:s7], [sflag:$0x1] =	stream.indirect.gather [hbm4b:s4+s2], $0x40, s31, s2, $0xb8;
	[tilespmem:$0x11900] =	vst v63  }
0x36c: {  	_ =	swait.ge [sflag:s16], $0x2000  }
0x36d: {  	[sflag:s16] =	ssyncset.done $0x0  }
0x36e: {  	[sflag:s16] =	ssyncadd.s32 $0xFFFFE000  }
0x36f: {  	_ =	swait.ge [sflag:s16], $0x2000  }
0x370: {  	[sflag:s16] =	ssyncset.done $0x0  }
0x371: {  	s1 =	rddreg [dreg:$0x9];
	[sflag:s16] =	ssyncadd.s32 $0xFFFFE000  }
0x372: {  	[hbm4b:s1+s6] =	stream.strided.scatter [tilespmem:s8], [sflag:$0x7], $0x4000, s2, s6, $0x38;
	[tilespmem:$0x11900] =	vst v63  }
0x373: {  	_ =	swait.ge [sflag:s11], $0x4000  }
0x374: {  	s30 =	sld [smem:$0x7E6]  }
0x375: {  	[sflag:s11] =	ssyncset.done $0x0  }
0x376: {  	s31 =	sld [smem:$0x7E7];
	[sflag:s11] =	ssyncadd.s32 $0xFFFFC000  }
0x377: {  	[tilespmem:s13], [sflag:$0x2] =	stream.indirect.gather [hbm4b:s4+s2], $0x40, s30, s2, $0xb8;
	[tilespmem:$0x11900] =	vst v63  }
0x378: {  	_ = 	snop  }
0x379: {  	[tilespmem:s20], [sflag:$0x2] =	stream.indirect.gather [hbm4b:s4+s2], $0x40, s31, s2, $0xb8;
	[tilespmem:$0x11900] =	vst v63  }
0x37a: {  	_ =	swait.ge [sflag:s15], $0x2000  }
0x37b: {  	[sflag:s15] =	ssyncset.done $0x0  }
0x37c: {  	[sflag:s15] =	ssyncadd.s32 $0xFFFFE000  }
0x37d: {  	_ =	swait.ge [sflag:s15], $0x2000  }
0x37e: {  	[sflag:s15] =	ssyncset.done $0x0  }
0x37f: {  	s1 =	rddreg [dreg:$0xa];
	[sflag:s15] =	ssyncadd.s32 $0xFFFFE000  }
0x380: {  	[hbm4b:s1+s6] =	stream.strided.scatter [tilespmem:s10], [sflag:$0x8], $0x4000, s2, s6, $0x38;
	[tilespmem:$0x11900] =	vst v63  }
0x381: {  	_ =	swait.ge [sflag:s14], $0x4000  }
0x382: {  	s30 =	sld [smem:$0x7E8]  }
0x383: {  	[sflag:s14] =	ssyncset.done $0x0  }
0x384: {  	s31 =	sld [smem:$0x7E9];
	[sflag:s14] =	ssyncadd.s32 $0xFFFFC000  }
0x385: {  	[tilespmem:s8], [sflag:$0x3] =	stream.indirect.gather [hbm4b:s4+s2], $0x40, s30, s2, $0xb8;
	[tilespmem:$0x11900] =	vst v63  }
0x386: {  	_ = 	snop  }
0x387: {  	[tilespmem:s19], [sflag:$0x3] =	stream.indirect.gather [hbm4b:s4+s2], $0x40, s31, s2, $0xb8;
	[tilespmem:$0x11900] =	vst v63  }
0x388: {  	_ =	swait.ge [sflag:s5], $0x2000  }
0x389: {  	[sflag:s5] =	ssyncset.done $0x0  }
0x38a: {  	[sflag:s5] =	ssyncadd.s32 $0xFFFFE000  }
0x38b: {  	_ =	swait.ge [sflag:s5], $0x2000  }
0x38c: {  	[sflag:s5] =	ssyncset.done $0x0  }
0x38d: {  	s1 =	rddreg [dreg:$0xb];
	[sflag:s5] =	ssyncadd.s32 $0xFFFFE000  }
0x38e: {  	[hbm4b:s1+s6] =	stream.strided.scatter [tilespmem:s3], [sflag:$0x5], $0x4000, s2, s6, $0x38;
	[tilespmem:$0x11900] =	vst v63  }
0x38f: {  	_ =	swait.ge [sflag:s12], $0x4000  }
0x390: {  	s30 =	sld [smem:$0x7EA]  }
0x391: {  	[sflag:s12] =	ssyncset.done $0x0  }
0x392: {  	s31 =	sld [smem:$0x7EB];
	[sflag:s12] =	ssyncadd.s32 $0xFFFFC000  }
0x393: {  	[tilespmem:s10], [sflag:$0x4] =	stream.indirect.gather [hbm4b:s4+s2], $0x40, s30, s2, $0xb8;
	[tilespmem:$0x11900] =	vst v63  }
0x394: {  	_ = 	snop  }
0x395: {  	[tilespmem:s18], [sflag:$0x4] =	stream.indirect.gather [hbm4b:s4+s2], $0x40, s31, s2, $0xb8;
	[tilespmem:$0x11900] =	vst v63  }
0x396: {  	_ =	swait.ge [sflag:s17], $0x2000  }
0x397: {  	[sflag:s17] =	ssyncset.done $0x0  }
0x398: {  	[sflag:s17] =	ssyncadd.s32 $0xFFFFE000  }
0x399: {  	_ =	swait.ge [sflag:s17], $0x2000  }
0x39a: {  	[sflag:s17] =	ssyncset.done $0x0  }
0x39b: {  	s1 =	rddreg [dreg:$0xc];
	[sflag:s17] =	ssyncadd.s32 $0xFFFFE000  }
0x39c: {  	[hbm4b:s1+s6] =	stream.strided.scatter [tilespmem:s13], [sflag:$0x6], $0x4000, s2, s6, $0x38;
	[tilespmem:$0x11900] =	vst v63  }
0x39d: {  	_ =	swait.ge [sflag:s9], $0x4000  }
0x39e: {  	s30 =	sld [smem:$0x7EC]  }
0x39f: {  	[sflag:s9] =	ssyncset.done $0x0  }
0x3a0: {  	s31 =	sld [smem:$0x7ED];
	[sflag:s9] =	ssyncadd.s32 $0xFFFFC000  }
0x3a1: {  	[tilespmem:s3], [sflag:$0x1] =	stream.indirect.gather [hbm4b:s4+s2], $0x40, s30, s2, $0xb8;
	[tilespmem:$0x11900] =	vst v63  }
0x3a2: {  	_ = 	snop  }
0x3a3: {  	[tilespmem:s7], [sflag:$0x1] =	stream.indirect.gather [hbm4b:s4+s2], $0x40, s31, s2, $0xb8;
	[tilespmem:$0x11900] =	vst v63  }
0x3a4: {  	_ =	swait.ge [sflag:s16], $0x2000  }
0x3a5: {  	[sflag:s16] =	ssyncset.done $0x0  }
0x3a6: {  	[sflag:s16] =	ssyncadd.s32 $0xFFFFE000  }
0x3a7: {  	_ =	swait.ge [sflag:s16], $0x2000  }
0x3a8: {  	[sflag:s16] =	ssyncset.done $0x0  }
0x3a9: {  	s1 =	rddreg [dreg:$0xd];
	[sflag:s16] =	ssyncadd.s32 $0xFFFFE000  }
0x3aa: {  	[hbm4b:s1+s6] =	stream.strided.scatter [tilespmem:s8], [sflag:$0x7], $0x4000, s2, s6, $0x38;
	[tilespmem:$0x11900] =	vst v63  }
0x3ab: {  	_ =	swait.ge [sflag:s11], $0x4000  }
0x3ac: {  	s30 =	sld [smem:$0x7EE]  }
0x3ad: {  	[sflag:s11] =	ssyncset.done $0x0  }
0x3ae: {  	s31 =	sld [smem:$0x7EF];
	[sflag:s11] =	ssyncadd.s32 $0xFFFFC000  }
0x3af: {  	[tilespmem:s13], [sflag:$0x2] =	stream.indirect.gather [hbm4b:s4+s2], $0x40, s30, s2, $0xb8;
	[tilespmem:$0x11900] =	vst v63  }
0x3b0: {  	_ = 	snop  }
0x3b1: {  	[tilespmem:s20], [sflag:$0x2] =	stream.indirect.gather [hbm4b:s4+s2], $0x40, s31, s2, $0xb8;
	[tilespmem:$0x11900] =	vst v63  }
0x3b2: {  	_ =	swait.ge [sflag:s15], $0x2000  }
0x3b3: {  	[sflag:s15] =	ssyncset.done $0x0  }
0x3b4: {  	[sflag:s15] =	ssyncadd.s32 $0xFFFFE000  }
0x3b5: {  	_ =	swait.ge [sflag:s15], $0x2000  }
0x3b6: {  	[sflag:s15] =	ssyncset.done $0x0  }
0x3b7: {  	s1 =	rddreg [dreg:$0xe];
	[sflag:s15] =	ssyncadd.s32 $0xFFFFE000  }
0x3b8: {  	[hbm4b:s1+s6] =	stream.strided.scatter [tilespmem:s10], [sflag:$0x8], $0x4000, s2, s6, $0x38;
	[tilespmem:$0x11900] =	vst v63  }
0x3b9: {  	_ =	swait.ge [sflag:s14], $0x4000  }
0x3ba: {  	s30 =	sld [smem:$0x7F0]  }
0x3bb: {  	[sflag:s14] =	ssyncset.done $0x0  }
0x3bc: {  	s31 =	sld [smem:$0x7F1];
	[sflag:s14] =	ssyncadd.s32 $0xFFFFC000  }
0x3bd: {  	[tilespmem:s8], [sflag:$0x3] =	stream.indirect.gather [hbm4b:s4+s2], $0x40, s30, s2, $0xb8;
	[tilespmem:$0x11900] =	vst v63  }
0x3be: {  	_ = 	snop  }
0x3bf: {  	[tilespmem:s19], [sflag:$0x3] =	stream.indirect.gather [hbm4b:s4+s2], $0x40, s31, s2, $0xb8;
	[tilespmem:$0x11900] =	vst v63  }
0x3c0: {  	_ =	swait.ge [sflag:s5], $0x2000  }
0x3c1: {  	[sflag:s5] =	ssyncset.done $0x0  }
0x3c2: {  	[sflag:s5] =	ssyncadd.s32 $0xFFFFE000  }
0x3c3: {  	_ =	swait.ge [sflag:s5], $0x2000  }
0x3c4: {  	[sflag:s5] =	ssyncset.done $0x0  }
0x3c5: {  	s1 =	rddreg [dreg:$0xf];
	[sflag:s5] =	ssyncadd.s32 $0xFFFFE000  }
0x3c6: {  	[hbm4b:s1+s6] =	stream.strided.scatter [tilespmem:s3], [sflag:$0x5], $0x4000, s2, s6, $0x38;
	[tilespmem:$0x11900] =	vst v63  }
0x3c7: {  	_ =	swait.ge [sflag:s12], $0x4000  }
0x3c8: {  	s30 =	sld [smem:$0x7F2]  }
0x3c9: {  	[sflag:s12] =	ssyncset.done $0x0  }
0x3ca: {  	s31 =	sld [smem:$0x7F3];
	[sflag:s12] =	ssyncadd.s32 $0xFFFFC000  }
0x3cb: {  	[tilespmem:s10], [sflag:$0x4] =	stream.indirect.gather [hbm4b:s4+s2], $0x40, s30, s2, $0xb8;
	[tilespmem:$0x11900] =	vst v63  }
0x3cc: {  	_ = 	snop  }
0x3cd: {  	[tilespmem:s18], [sflag:$0x4] =	stream.indirect.gather [hbm4b:s4+s2], $0x40, s31, s2, $0xb8;
	[tilespmem:$0x11900] =	vst v63  }
0x3ce: {  	_ =	swait.ge [sflag:s17], $0x2000  }
0x3cf: {  	[sflag:s17] =	ssyncset.done $0x0  }
0x3d0: {  	[sflag:s17] =	ssyncadd.s32 $0xFFFFE000  }
0x3d1: {  	_ =	swait.ge [sflag:s17], $0x2000  }
0x3d2: {  	[sflag:s17] =	ssyncset.done $0x0  }
0x3d3: {  	s1 =	rddreg [dreg:$0x10];
	[sflag:s17] =	ssyncadd.s32 $0xFFFFE000  }
0x3d4: {  	[hbm4b:s1+s6] =	stream.strided.scatter [tilespmem:s13], [sflag:$0x6], $0x4000, s2, s6, $0x38;
	[tilespmem:$0x11900] =	vst v63  }
0x3d5: {  	_ =	swait.ge [sflag:s9], $0x4000  }
0x3d6: {  	s30 =	sld [smem:$0x7F4]  }
0x3d7: {  	[sflag:s9] =	ssyncset.done $0x0  }
0x3d8: {  	s31 =	sld [smem:$0x7F5];
	[sflag:s9] =	ssyncadd.s32 $0xFFFFC000  }
0x3d9: {  	[tilespmem:s3], [sflag:$0x1] =	stream.indirect.gather [hbm4b:s4+s2], $0x40, s30, s2, $0xb8;
	[tilespmem:$0x11900] =	vst v63  }
0x3da: {  	_ = 	snop  }
0x3db: {  	[tilespmem:s7], [sflag:$0x1] =	stream.indirect.gather [hbm4b:s4+s2], $0x40, s31, s2, $0xb8;
	[tilespmem:$0x11900] =	vst v63  }
0x3dc: {  	_ =	swait.ge [sflag:s16], $0x2000  }
0x3dd: {  	[sflag:s16] =	ssyncset.done $0x0  }
0x3de: {  	[sflag:s16] =	ssyncadd.s32 $0xFFFFE000  }
0x3df: {  	_ =	swait.ge [sflag:s16], $0x2000  }
0x3e0: {  	[sflag:s16] =	ssyncset.done $0x0  }
0x3e1: {  	s1 =	rddreg [dreg:$0x11];
	[sflag:s16] =	ssyncadd.s32 $0xFFFFE000  }
0x3e2: {  	[hbm4b:s1+s6] =	stream.strided.scatter [tilespmem:s8], [sflag:$0x7], $0x4000, s2, s6, $0x38;
	[tilespmem:$0x11900] =	vst v63  }
0x3e3: {  	_ =	swait.ge [sflag:s11], $0x4000  }
0x3e4: {  	s30 =	sld [smem:$0x7F6]  }
0x3e5: {  	[sflag:s11] =	ssyncset.done $0x0  }
0x3e6: {  	s31 =	sld [smem:$0x7F7];
	[sflag:s11] =	ssyncadd.s32 $0xFFFFC000  }
0x3e7: {  	[tilespmem:s13], [sflag:$0x2] =	stream.indirect.gather [hbm4b:s4+s2], $0x40, s30, s2, $0xb8;
	[tilespmem:$0x11900] =	vst v63  }
0x3e8: {  	_ = 	snop  }
0x3e9: {  	[tilespmem:s20], [sflag:$0x2] =	stream.indirect.gather [hbm4b:s4+s2], $0x40, s31, s2, $0xb8;
	[tilespmem:$0x11900] =	vst v63  }
0x3ea: {  	_ =	swait.ge [sflag:s15], $0x2000  }
0x3eb: {  	[sflag:s15] =	ssyncset.done $0x0  }
0x3ec: {  	[sflag:s15] =	ssyncadd.s32 $0xFFFFE000  }
0x3ed: {  	_ =	swait.ge [sflag:s15], $0x2000  }
0x3ee: {  	[sflag:s15] =	ssyncset.done $0x0  }
0x3ef: {  	s1 =	rddreg [dreg:$0x12];
	[sflag:s15] =	ssyncadd.s32 $0xFFFFE000  }
0x3f0: {  	[hbm4b:s1+s6] =	stream.strided.scatter [tilespmem:s10], [sflag:$0x8], $0x4000, s2, s6, $0x38;
	[tilespmem:$0x11900] =	vst v63  }
0x3f1: {  	_ =	swait.ge [sflag:s14], $0x4000  }
0x3f2: {  	s30 =	sld [smem:$0x7F8]  }
0x3f3: {  	[sflag:s14] =	ssyncset.done $0x0  }
0x3f4: {  	s31 =	sld [smem:$0x7F9];
	[sflag:s14] =	ssyncadd.s32 $0xFFFFC000  }
0x3f5: {  	[tilespmem:s8], [sflag:$0x3] =	stream.indirect.gather [hbm4b:s4+s2], $0x40, s30, s2, $0xb8;
	[tilespmem:$0x11900] =	vst v63  }
0x3f6: {  	_ = 	snop  }
0x3f7: {  	[tilespmem:s19], [sflag:$0x3] =	stream.indirect.gather [hbm4b:s4+s2], $0x40, s31, s2, $0xb8;
	[tilespmem:$0x11900] =	vst v63  }
0x3f8: {  	_ =	swait.ge [sflag:s5], $0x2000  }
0x3f9: {  	[sflag:s5] =	ssyncset.done $0x0  }
0x3fa: {  	[sflag:s5] =	ssyncadd.s32 $0xFFFFE000  }
0x3fb: {  	_ =	swait.ge [sflag:s5], $0x2000  }
0x3fc: {  	[sflag:s5] =	ssyncset.done $0x0  }
0x3fd: {  	s1 =	rddreg [dreg:$0x13];
	[sflag:s5] =	ssyncadd.s32 $0xFFFFE000  }
0x3fe: {  	[hbm4b:s1+s6] =	stream.strided.scatter [tilespmem:s3], [sflag:$0x5], $0x4000, s2, s6, $0x38;
	[tilespmem:$0x11900] =	vst v63  }
0x3ff: {  	_ =	swait.ge [sflag:s12], $0x4000  }
0x400: {  	s30 =	sld [smem:$0x7FA]  }
0x401: {  	[sflag:s12] =	ssyncset.done $0x0  }
0x402: {  	s31 =	sld [smem:$0x7FB];
	[sflag:s12] =	ssyncadd.s32 $0xFFFFC000  }
0x403: {  	[tilespmem:s10], [sflag:$0x4] =	stream.indirect.gather [hbm4b:s4+s2], $0x40, s30, s2, $0xb8;
	[tilespmem:$0x11900] =	vst v63  }
0x404: {  	_ = 	snop  }
0x405: {  	[tilespmem:s18], [sflag:$0x4] =	stream.indirect.gather [hbm4b:s4+s2], $0x40, s31, s2, $0xb8;
	[tilespmem:$0x11900] =	vst v63  }
0x406: {  	_ =	swait.ge [sflag:s17], $0x2000  }
0x407: {  	[sflag:s17] =	ssyncset.done $0x0  }
0x408: {  	[sflag:s17] =	ssyncadd.s32 $0xFFFFE000  }
0x409: {  	_ =	swait.ge [sflag:s17], $0x2000  }
0x40a: {  	[sflag:s17] =	ssyncset.done $0x0  }
0x40b: {  	s1 =	rddreg [dreg:$0x14];
	[sflag:s17] =	ssyncadd.s32 $0xFFFFE000  }
0x40c: {  	[hbm4b:s1+s6] =	stream.strided.scatter [tilespmem:s13], [sflag:$0x6], $0x4000, s2, s6, $0x38;
	[tilespmem:$0x11900] =	vst v63  }
0x40d: {  	_ =	swait.ge [sflag:s9], $0x4000  }
0x40e: {  	s30 =	sld [smem:$0x7FC]  }
0x40f: {  	[sflag:s9] =	ssyncset.done $0x0  }
0x410: {  	s31 =	sld [smem:$0x7FD];
	[sflag:s9] =	ssyncadd.s32 $0xFFFFC000  }
0x411: {  	[tilespmem:s3], [sflag:$0x1] =	stream.indirect.gather [hbm4b:s4+s2], $0x40, s30, s2, $0xb8;
	[tilespmem:$0x11900] =	vst v63  }
0x412: {  	_ = 	snop  }
0x413: {  	[tilespmem:s7], [sflag:$0x1] =	stream.indirect.gather [hbm4b:s4+s2], $0x40, s31, s2, $0xb8;
	[tilespmem:$0x11900] =	vst v63  }
0x414: {  	_ =	swait.ge [sflag:s16], $0x2000  }
0x415: {  	[sflag:s16] =	ssyncset.done $0x0  }
0x416: {  	[sflag:s16] =	ssyncadd.s32 $0xFFFFE000  }
0x417: {  	_ =	swait.ge [sflag:s16], $0x2000  }
0x418: {  	[sflag:s16] =	ssyncset.done $0x0  }
0x419: {  	s1 =	rddreg [dreg:$0x15];
	[sflag:s16] =	ssyncadd.s32 $0xFFFFE000  }
0x41a: {  	[hbm4b:s1+s6] =	stream.strided.scatter [tilespmem:s8], [sflag:$0x7], $0x4000, s2, s6, $0x38;
	[tilespmem:$0x11900] =	vst v63  }
0x41b: {  	_ =	swait.ge [sflag:s11], $0x4000  }
0x41c: {  	[sflag:s11] =	ssyncset.done $0x0  }
0x41d: {  	[sflag:s11] =	ssyncadd.s32 $0xFFFFC000  }
0x41e: {  	[tilespmem:s13], [sflag:$0x2] =	stream.indirect.gather [hbm4b:s4+s2], $0x40, s29, s2, $0xb8;
	[tilespmem:$0x11900] =	vst v63  }
0x41f: {  	_ = 	snop  }
0x420: {  	[tilespmem:s20], [sflag:$0x2] =	stream.indirect.gather [hbm4b:s4+s2], $0x40, s23, s2, $0xb8;
	[tilespmem:$0x11900] =	vst v63  }
0x421: {  	_ =	swait.ge [sflag:s15], $0x2000  }
0x422: {  	[sflag:s15] =	ssyncset.done $0x0  }
0x423: {  	[sflag:s15] =	ssyncadd.s32 $0xFFFFE000  }
0x424: {  	_ =	swait.ge [sflag:s15], $0x2000  }
0x425: {  	[sflag:s15] =	ssyncset.done $0x0  }
0x426: {  	s20 =	rddreg [dreg:$0x16];
	[sflag:s15] =	ssyncadd.s32 $0xFFFFE000  }
0x427: {  	[hbm4b:s20+s6] =	stream.strided.scatter [tilespmem:s10], [sflag:$0x8], $0x4000, s2, s6, $0x38;
	[tilespmem:$0x11900] =	vst v63  }
0x428: {  	_ =	swait.ge [sflag:s14], $0x4000  }
0x429: {  	[sflag:s14] =	ssyncset.done $0x0  }
0x42a: {  	[sflag:s14] =	ssyncadd.s32 $0xFFFFC000  }
0x42b: {  	[tilespmem:s8], [sflag:$0x3] =	stream.indirect.gather [hbm4b:s4+s2], $0x40, s26, s2, $0xb8;
	[tilespmem:$0x11900] =	vst v63  }
0x42c: {  	_ = 	snop  }
0x42d: {  	[tilespmem:s19], [sflag:$0x3] =	stream.indirect.gather [hbm4b:s4+s2], $0x40, s28, s2, $0xb8;
	[tilespmem:$0x11900] =	vst v63  }
0x42e: {  	_ =	swait.ge [sflag:s5], $0x2000  }
0x42f: {  	[sflag:s5] =	ssyncset.done $0x0  }
0x430: {  	[sflag:s5] =	ssyncadd.s32 $0xFFFFE000  }
0x431: {  	_ =	swait.ge [sflag:s5], $0x2000  }
0x432: {  	[sflag:s5] =	ssyncset.done $0x0  }
0x433: {  	s23 =	rddreg [dreg:$0x17];
	[sflag:s5] =	ssyncadd.s32 $0xFFFFE000  }
0x434: {  	[hbm4b:s23+s6] =	stream.strided.scatter [tilespmem:s3], [sflag:$0x5], $0x4000, s2, s6, $0x38;
	[tilespmem:$0x11900] =	vst v63  }
0x435: {  	_ =	swait.ge [sflag:s12], $0x4000  }
0x436: {  	[sflag:s12] =	ssyncset.done $0x0  }
0x437: {  	[sflag:s12] =	ssyncadd.s32 $0xFFFFC000  }
0x438: {  	[tilespmem:s10], [sflag:$0x4] =	stream.indirect.gather [hbm4b:s4+s2], $0x40, s24, s2, $0xb8;
	[tilespmem:$0x11900] =	vst v63  }
0x439: {  	_ = 	snop  }
0x43a: {  	[tilespmem:s18], [sflag:$0x4] =	stream.indirect.gather [hbm4b:s4+s2], $0x40, s25, s2, $0xb8;
	[tilespmem:$0x11900] =	vst v63  }
0x43b: {  	_ =	swait.ge [sflag:s17], $0x2000  }
0x43c: {  	[sflag:s17] =	ssyncset.done $0x0  }
0x43d: {  	[sflag:s17] =	ssyncadd.s32 $0xFFFFE000  }
0x43e: {  	_ =	swait.ge [sflag:s17], $0x2000  }
0x43f: {  	[sflag:s17] =	ssyncset.done $0x0  }
0x440: {  	s26 =	rddreg [dreg:$0x18];
	[sflag:s17] =	ssyncadd.s32 $0xFFFFE000  }
0x441: {  	[hbm4b:s26+s6] =	stream.strided.scatter [tilespmem:s13], [sflag:$0x6], $0x4000, s2, s6, $0x38;
	[tilespmem:$0x11900] =	vst v63  }
0x442: {  	_ =	swait.ge [sflag:s9], $0x4000  }
0x443: {  	[sflag:s9] =	ssyncset.done $0x0  }
0x444: {  	[sflag:s9] =	ssyncadd.s32 $0xFFFFC000  }
0x445: {  	[tilespmem:s3], [sflag:$0x1] =	stream.indirect.gather [hbm4b:s4+s2], $0x40, s22, s2, $0xb8;
	[tilespmem:$0x11900] =	vst v63  }
0x446: {  	s28 =	simm.s32 $0x1880  }
0x447: {  	[tilespmem:s7], [sflag:$0x1] =	stream.indirect.gather [hbm4b:s4+s2], $0x40, s28, s2, $0xb8;
	[tilespmem:$0x11900] =	vst v63  }
0x448: {  	_ =	swait.ge [sflag:s16], $0x2000  }
0x449: {  	[sflag:s16] =	ssyncset.done $0x0  }
0x44a: {  	[sflag:s16] =	ssyncadd.s32 $0xFFFFE000  }
0x44b: {  	_ =	swait.ge [sflag:s16], $0x2000  }
0x44c: {  	[sflag:s16] =	ssyncset.done $0x0  }
0x44d: {  	s29 =	rddreg [dreg:$0x19];
	[sflag:s16] =	ssyncadd.s32 $0xFFFFE000  }
0x44e: {  	[hbm4b:s29+s6] =	stream.strided.scatter [tilespmem:s8], [sflag:$0x7], $0x4000, s2, s6, $0x38;
	[tilespmem:$0x11900] =	vst v63  }
0x44f: {  	_ =	swait.ge [sflag:s15], $0x2000  }
0x450: {  	[sflag:s15] =	ssyncset.done $0x0  }
0x451: {  	[sflag:s15] =	ssyncadd.s32 $0xFFFFE000  }
0x452: {  	_ =	swait.ge [sflag:s15], $0x2000  }
0x453: {  	[sflag:s15] =	ssyncset.done $0x0  }
0x454: {  	s30 =	rddreg [dreg:$0x1a];
	[sflag:s15] =	ssyncadd.s32 $0xFFFFE000  }
0x455: {  	[hbm4b:s30+s6] =	stream.strided.scatter [tilespmem:s10], [sflag:$0x8], $0x4000, s2, s6, $0x38;
	[tilespmem:$0x11900] =	vst v63  }
0x456: {  	_ =	swait.ge [sflag:s5], $0x2000  }
0x457: {  	[sflag:s5] =	ssyncset.done $0x0  }
0x458: {  	[sflag:s5] =	ssyncadd.s32 $0xFFFFE000  }
0x459: {  	_ =	swait.ge [sflag:s5], $0x2000  }
0x45a: {  	[sflag:s5] =	ssyncset.done $0x0  }
0x45b: {  	s31 =	rddreg [dreg:$0x1b];
	[sflag:s5] =	ssyncadd.s32 $0xFFFFE000  }
0x45c: {  	[hbm4b:s31+s6] =	stream.strided.scatter [tilespmem:s3], [sflag:$0x5], $0x4000, s2, s6, $0x38;
	[tilespmem:$0x11900] =	vst v63  }
0x45d: {  	_ =	swait.ge [sflag:s9], $0x4000  }
0x45e: {  	[sflag:s9] =	ssyncset.done $0x0  }
0x45f: {  	[sflag:s9] =	ssyncadd.s32 $0xFFFFC000  }
0x460: {  	_ =	swait.ge [sflag:s11], $0x4000  }
0x461: {  	[sflag:s11] =	ssyncset.done $0x0  }
0x462: {  	[sflag:s11] =	ssyncadd.s32 $0xFFFFC000  }
0x463: {  	_ =	swait.ge [sflag:s14], $0x4000  }
0x464: {  	[sflag:s14] =	ssyncset.done $0x0  }
0x465: {  	[sflag:s14] =	ssyncadd.s32 $0xFFFFC000  }
0x466: {  	_ =	swait.ge [sflag:s12], $0x4000  }
0x467: {  	[sflag:s12] =	ssyncset.done $0x0  }
0x468: {  	[sflag:s12] =	ssyncadd.s32 $0xFFFFC000  }
0x469: {  	_ =	sfence.sel $0x180000  }
0x46a: {  	[bflag:$0x0] =	sbarrier.arrive $0xFFFF  }
0x46b: {  	_ =	strace $0x90000047  }
0x46c: {  	[bflag:$0x2] =	sbarrier.arrive $0xFFFF  }
0x46d: {  	p0 =	sne.s32 s21, $0x0;
	s0 =	rddreg [dreg:$0x1]  }
0x46e: {  	s0 =	sadd.s32 @!p0 $0x100000, s0  }
0x46f: {  	[sflag:s0] =	ssyncadd.tile.s32 @!p0 $0x1;
	_ =	shalt  }
.LBB2_1:
.Ltmp3:
0x470: {  	(pc) =	sbr.rel .LBB2_6-.Ltmp3, $4  }
0x471: {  	_ = 	snop  }
0x472: {  	s23 =	simm.s32 $0x1580  }
0x473: {  	s29 =	simm.s32 $0x1500;
	s28 =	simm.s32 $0x1680;
	s26 =	simm.s32 $0x1600  }
0x474: {  	s25 =	simm.s32 $0x1780;
	s24 =	simm.s32 $0x1700;
	s22 =	simm.s32 $0x1800  }
.LBB2_3:
.Ltmp4:
0x475: {  	(pc) =	sbr.rel .LBB2_6-.Ltmp4, $4  }
0x476: {  	_ = 	snop  }
0x477: {  	s23 =	simm.s32 $0x1580;
	s29 =	simm.s32 $0x1500  }
0x478: {  	s28 =	simm.s32 $0x1680;
	s26 =	simm.s32 $0x1600;
	s25 =	simm.s32 $0x1780  }
0x479: {  	s24 =	simm.s32 $0x1700;
	s22 =	simm.s32 $0x1800;
	s21 =	stileid.u32  }
.Lfunc_end2:
_tile_overlayer_lowered:
.L_overlay_start_2:
0x47a: {  	(tag) =	ssettag $0x2  }
0x47b: {  	s0 =	rddreg [dreg:$0x0];
	s2 =	stileid.u32  }
0x47c: {  	s1 =	rddreg [dreg:$0x1];
	p0 =	sne.s32 s2, $0x0  }
0x47d: {  	s3 =	rddreg [dreg:$0x2];
	[bflag:$0x3] =	sbarrier.arrive $0xFFFF;
	s2 =	simm.s32 @!p0 $0x1C09  }
0x47e: {  	[timem:s3], [sflag:s2] =	dma.local @!p0 [hbm:s0], s1  }
0x47f: {  	s0 =	simm.s32 @!p0 $0x9  }
0x480: {  	_ =	swait.ge @!p0 [sflag:s0], s1  }
0x481: {  	s1 =	ssub.s32 @!p0 $0x0, s1;
	[sflag:s0] =	ssyncset.done @!p0 $0x0  }
0x482: {  	[sflag:s0] =	ssyncadd.s32 @!p0 s1  }
0x483: {  	[bflag:$0x3] =	sbarrier.arrive $0xFFFF  }
0x484: {  	_ =	shalt  }

</sc_bundles>
